<compile_context>
chip_gen: v7x
topology: tpu7x:2x2x1
jax: 0.10.2.dev20260603
libtpu: 0.0.44.dev20260713+nightly
codegen_flags: <defaults>
</compile_context>

<pallas_src>
import functools

import jax
import jax.numpy as jnp
from jax import lax
from jax.experimental import pallas as pl
from jax.experimental.pallas import tpu as pltpu
from jax.experimental.pallas import tpu_sc as plsc

VOCAB = 100000
EMBED = 64
MAX_POS = 200
BATCH = 4096
SEQ = 200

NC = 2
NS = 16
NW = NC * NS
LANES = 16

BGRP = BATCH // NW
NGRP = EMBED // LANES
DBLK = 2
TPAD = BGRP + 1
NSUP = MAX_POS // (2 * DBLK)


def _emb_body(table_hbm, pos_hbm, ids_hbm, out_hbm,
              pos_v, idx0, idx1, rows0, rows1, tr0, tr1,
              sg0a, sg0b, sg1a, sg1b, so0, so1, si0, si1):
    cid = lax.axis_index("c")
    sid = lax.axis_index("s")
    wid = sid * NC + cid
    b0 = wid * BGRP

    pltpu.sync_copy(pos_hbm, pos_v)

    iotas_e = [lax.iota(jnp.int32, LANES) + (LANES * j) for j in range(NGRP)]
    iotas_hi = [v // 8 for v in iotas_e]
    iotas_lo = [v % 8 for v in iotas_e]

    def stage(l0, idx_ref, sem):
        pltpu.async_copy(
            ids_hbm.at[pl.ds(l0, DBLK), pl.ds(b0, BGRP)], idx_ref, sem
        )

    def wait_stage(idx_ref, sem):
        pltpu.make_async_copy(
            ids_hbm.at[pl.ds(0, DBLK), pl.ds(b0, BGRP)], idx_ref, sem
        ).wait()

    def gathers(idx_ref, rows_ref, sems):
        for d in range(DBLK):
            pltpu.async_copy(
                table_hbm.at[idx_ref.at[d]],
                rows_ref.at[pl.ds(d * BGRP, BGRP)],
                sems[d],
            )

    def wait_gather1(sem):
        pltpu.make_async_copy(
            table_hbm.at[pl.ds(0, BGRP)],
            rows0.at[pl.ds(0, BGRP)],
            sem,
        ).wait()

    def wait_outs(tr_ref, sem):
        for d in range(DBLK):
            pltpu.make_async_copy(
                tr_ref.at[d, :, :, pl.ds(0, BGRP)],
                out_hbm.at[0, :, wid],
                sem,
            ).wait()

    def transpose_add(l, rows_ref, rbase, tr_view):
        pjs = [pos_v[l, pl.ds(LANES * j, LANES)] for j in range(NGRP)]

        @plsc.parallel_loop(0, BGRP, 1, unroll=8)
        def _(b):
            bvec = jnp.full((LANES,), b, jnp.int32)
            for j in range(NGRP):
                v = rows_ref[rbase + b, pl.ds(LANES * j, LANES)] + pjs[j]
                plsc.store_scatter(tr_view, [iotas_hi[j], iotas_lo[j], bvec], v)

    def outs(tr_ref, l0, sem):
        for d in range(DBLK):
            pltpu.async_copy(
                tr_ref.at[d, :, :, pl.ds(0, BGRP)],
                out_hbm.at[l0 + d, :, wid],
                sem,
            )

    pltpu.sync_copy(ids_hbm.at[pl.ds(0, DBLK), pl.ds(b0, BGRP)], idx0)
    gathers(idx0, rows0, (sg0a, sg0b))
    stage(DBLK, idx1, si1)

    def superstep(s, carry):
        l0 = (2 * DBLK) * s

        wait_stage(idx1, si1)
        gathers(idx1, rows1, (sg1a, sg1b))

        @pl.when(s > 0)
        def _():
            wait_outs(tr0, so0)

        wait_gather1(sg0a)
        transpose_add(l0, rows0, 0, tr0.at[0])
        wait_gather1(sg0b)

        @pl.when(s < NSUP - 1)
        def _():
            stage(l0 + 2 * DBLK, idx0, si0)

        transpose_add(l0 + 1, rows0, BGRP, tr0.at[1])
        outs(tr0, l0, so0)

        @pl.when(s < NSUP - 1)
        def _():
            wait_stage(idx0, si0)
            gathers(idx0, rows0, (sg0a, sg0b))

        @pl.when(s > 0)
        def _():
            wait_outs(tr1, so1)

        wait_gather1(sg1a)
        transpose_add(l0 + DBLK, rows1, 0, tr1.at[0])
        wait_gather1(sg1b)

        @pl.when(s < NSUP - 1)
        def _():
            stage(l0 + 3 * DBLK, idx1, si1)

        transpose_add(l0 + DBLK + 1, rows1, BGRP, tr1.at[1])
        outs(tr1, l0 + DBLK, so1)
        return carry

    lax.fori_loop(0, NSUP, superstep, 0)
    wait_outs(tr0, so0)
    wait_outs(tr1, so1)


@jax.jit
def _emb(table, pos2d, ids_t):
    mesh = plsc.VectorSubcoreMesh(core_axis_name="c", subcore_axis_name="s")
    return pl.kernel(
        _emb_body,
        out_type=jax.ShapeDtypeStruct((MAX_POS, EMBED // 8, NW, 8, BGRP), jnp.float32),
        mesh=mesh,
        scratch_types=[
            pltpu.VMEM((MAX_POS, EMBED), jnp.float32),
            pltpu.VMEM((DBLK, BGRP), jnp.int32),
            pltpu.VMEM((DBLK, BGRP), jnp.int32),
            pltpu.VMEM((DBLK * BGRP, EMBED), jnp.float32),
            pltpu.VMEM((DBLK * BGRP, EMBED), jnp.float32),
            pltpu.VMEM((DBLK, EMBED // 8, 8, TPAD), jnp.float32),
            pltpu.VMEM((DBLK, EMBED // 8, 8, TPAD), jnp.float32),
            pltpu.SemaphoreType.DMA,
            pltpu.SemaphoreType.DMA,
            pltpu.SemaphoreType.DMA,
            pltpu.SemaphoreType.DMA,
            pltpu.SemaphoreType.DMA,
            pltpu.SemaphoreType.DMA,
            pltpu.SemaphoreType.DMA,
            pltpu.SemaphoreType.DMA,
        ],
        compiler_params=pltpu.CompilerParams(
            use_tc_tiling_on_sc=False, needs_layout_passes=False
        ),
    )(table, pos2d, ids_t)


def kernel(embedding_table, position_embeds, input_ids):
    ids_t = jnp.transpose(input_ids.astype(jnp.int32))
    pos2d = position_embeds.reshape(MAX_POS, EMBED)
    outp = _emb(embedding_table, pos2d, ids_t)
    return outp.transpose(2, 4, 0, 1, 3).reshape(BATCH, SEQ, EMBED)

# --- scband reference (transcript-rebuilt; emitter-appended) ---
"""Pipeline reference for scband-cliptext-embeddings-54795192762867 (READ-ONLY COPY).

The authoritative reference and input builder live on the scoring server;
editing this copy changes nothing except your own understanding.
"""

import jax, jax.numpy as jnp
import numpy as np

VOCAB = 100000
EMBED = 64
MAX_POS = 200
BATCH = 4096
SEQ = 200


def setup_inputs(seed: int = 0) -> dict:
    key = jax.random.key(seed)
    k_ids, k_tab, k_pos = jax.random.split(key, 3)
    input_ids = jax.random.randint(k_ids, (BATCH, SEQ), 0, VOCAB, dtype=jnp.int64 if jax.config.jax_enable_x64 else jnp.int32)
    embedding_table = jax.random.normal(k_tab, (VOCAB, EMBED), dtype=jnp.float32) * (1.0 / np.sqrt(EMBED))
    position_embeds = jax.random.normal(k_pos, (1, MAX_POS, EMBED), dtype=jnp.float32) * (1.0 / np.sqrt(EMBED))
    return {"embedding_table": embedding_table, "position_embeds": position_embeds, "input_ids": input_ids}


def reference(embedding_table, position_embeds, input_ids):
    # nn.Embed lookup: table[ids]  (gather over vocab axis)
    ids = input_ids.astype(jnp.int32)
    embeddings = jnp.take(embedding_table, ids, axis=0)  # [B, L, E]
    # absolute position embeddings broadcast-added over batch
    embeddings = embeddings + position_embeds  # [1, MAX_POS, E] broadcasts since L == MAX_POS
    return embeddings

if __name__ == "__main__":
    import jax
    _d = setup_inputs()
    print(jax.jit(kernel)(*tuple(_d.values())))

</pallas_src>

<mosaic_0001>
#map = affine_map<(d0, d1) -> (0, 0)>
#map1 = affine_map<(d0, d1) -> (0, 0, 0, 0, 0)>
module attributes {stable_mosaic.version = 14 : i64} {
  func.func @_emb_body(%arg0: i32, %arg1: i32, %arg2: memref<100000x64xf32, #tpu.memory_space<hbm>>, %arg3: memref<200x64xf32, #tpu.memory_space<hbm>>, %arg4: memref<200x4096xi32, #tpu.memory_space<hbm>>, %arg5: memref<200x8x32x8x128xf32, #tpu.memory_space<hbm>>, %arg6: memref<200x64xf32, #tpu.memory_space<vmem>>, %arg7: memref<2x128xi32, #tpu.memory_space<vmem>>, %arg8: memref<2x128xi32, #tpu.memory_space<vmem>>, %arg9: memref<256x64xf32, #tpu.memory_space<vmem>>, %arg10: memref<256x64xf32, #tpu.memory_space<vmem>>, %arg11: memref<2x8x8x129xf32, #tpu.memory_space<vmem>>, %arg12: memref<2x8x8x129xf32, #tpu.memory_space<vmem>>, %arg13: memref<!tpu.dma_semaphore, #tpu.memory_space<semaphore_mem>>, %arg14: memref<!tpu.dma_semaphore, #tpu.memory_space<semaphore_mem>>, %arg15: memref<!tpu.dma_semaphore, #tpu.memory_space<semaphore_mem>>, %arg16: memref<!tpu.dma_semaphore, #tpu.memory_space<semaphore_mem>>, %arg17: memref<!tpu.dma_semaphore, #tpu.memory_space<semaphore_mem>>, %arg18: memref<!tpu.dma_semaphore, #tpu.memory_space<semaphore_mem>>, %arg19: memref<!tpu.dma_semaphore, #tpu.memory_space<semaphore_mem>>, %arg20: memref<!tpu.dma_semaphore, #tpu.memory_space<semaphore_mem>>) attributes {dimension_semantics = [#tpu.dimension_semantics<core_parallel>, #tpu.dimension_semantics<subcore_parallel>], iteration_bounds = array<i64: 2, 16>, scalar_prefetch = 0 : i64, scratch_operands = 15 : i64, tpu.core_type = #tpu.core_type<sc_vector_subcore>, window_params = [{transform_indices = #map}, {transform_indices = #map}, {transform_indices = #map}, {transform_indices = #map1}]} {
    %mul3A = arith.constant 2 : i32
    %mul3A_0 = arith.muli %arg1, %mul3A : i32
    %add3A = arith.addi %mul3A_0, %arg0 : i32
    %mul3A_1 = arith.constant 128 : i32
    %mul3A_2 = arith.muli %add3A, %mul3A_1 : i32
    "tpu.region"() ({
      %run_scoped3A = tpu.sem_alloc : memref<!tpu.dma_semaphore, #tpu.memory_space<semaphore_mem>>
      tpu.enqueue_dma source(%arg3 : memref<200x64xf32, #tpu.memory_space<hbm>>) target(%arg6 : memref<200x64xf32, #tpu.memory_space<vmem>>) target_semaphore(%run_scoped3A : memref<!tpu.dma_semaphore, #tpu.memory_space<semaphore_mem>>)
      tpu.wait_dma2 semaphore(%run_scoped3A : memref<!tpu.dma_semaphore, #tpu.memory_space<semaphore_mem>>) src(%arg3 : memref<200x64xf32, #tpu.memory_space<hbm>>) dst(%arg6 : memref<200x64xf32, #tpu.memory_space<vmem>>)
      tpu.yield
    }) : () -> ()
    %iota3A = tpu.iota {dimensions = array<i32: 0>} : vector<16xi32>
    %add3A_3 = arith.constant 0 : i32
    %add3A_4 = vector.broadcast %add3A_3 : i32 to vector<16xi32>
    %add3A_5 = arith.addi %iota3A, %add3A_4 : vector<16xi32>
    %iota3A_6 = tpu.iota {dimensions = array<i32: 0>} : vector<16xi32>
    %add3A_7 = arith.constant 16 : i32
    %add3A_8 = vector.broadcast %add3A_7 : i32 to vector<16xi32>
    %add3A_9 = arith.addi %iota3A_6, %add3A_8 : vector<16xi32>
    %iota3A_10 = tpu.iota {dimensions = array<i32: 0>} : vector<16xi32>
    %add3A_11 = arith.constant 32 : i32
    %add3A_12 = vector.broadcast %add3A_11 : i32 to vector<16xi32>
    %add3A_13 = arith.addi %iota3A_10, %add3A_12 : vector<16xi32>
    %iota3A_14 = tpu.iota {dimensions = array<i32: 0>} : vector<16xi32>
    %add3A_15 = arith.constant 48 : i32
    %add3A_16 = vector.broadcast %add3A_15 : i32 to vector<16xi32>
    %add3A_17 = arith.addi %iota3A_14, %add3A_16 : vector<16xi32>
    %jit3A = arith.constant 8 : i32
    %div3A = vector.broadcast %jit3A : i32 to vector<16xi32>
    %div3A_18 = arith.divsi %add3A_5, %div3A : vector<16xi32>
    %sign3A = arith.constant 0 : i32
    %sign3A_19 = vector.broadcast %sign3A : i32 to vector<16xi32>
    %sign3A_20 = arith.cmpi sgt, %add3A_5, %sign3A_19 : vector<16xi32>
    %sign3A_21 = arith.extui %sign3A_20 : vector<16xi1> to vector<16xi32>
    %sign3A_22 = arith.constant 0 : i32
    %sign3A_23 = vector.broadcast %sign3A_22 : i32 to vector<16xi32>
    %sign3A_24 = arith.cmpi slt, %add3A_5, %sign3A_23 : vector<16xi32>
    %sign3A_25 = arith.extui %sign3A_24 : vector<16xi1> to vector<16xi32>
    %sign3A_26 = arith.subi %sign3A_21, %sign3A_25 : vector<16xi32>
    %sign3A_27 = arith.constant 0 : i32
    %sign3A_28 = arith.cmpi sgt, %jit3A, %sign3A_27 : i32
    %sign3A_29 = arith.extui %sign3A_28 : i1 to i32
    %sign3A_30 = arith.constant 0 : i32
    %sign3A_31 = arith.cmpi slt, %jit3A, %sign3A_30 : i32
    %sign3A_32 = arith.extui %sign3A_31 : i1 to i32
    %sign3A_33 = arith.subi %sign3A_29, %sign3A_32 : i32
    %ne3A = vector.broadcast %sign3A_33 : i32 to vector<16xi32>
    %ne3A_34 = arith.cmpi ne, %sign3A_26, %ne3A : vector<16xi32>
    %rem3A = vector.broadcast %jit3A : i32 to vector<16xi32>
    %rem3A_35 = arith.remsi %add3A_5, %rem3A : vector<16xi32>
    %ne3A_36 = arith.constant 0 : i32
    %ne3A_37 = vector.broadcast %ne3A_36 : i32 to vector<16xi32>
    %ne3A_38 = arith.cmpi ne, %rem3A_35, %ne3A_37 : vector<16xi32>
    %and3A = arith.andi %ne3A_34, %ne3A_38 : vector<16xi1>
    %sub3A = arith.constant 1 : i32
    %sub3A_39 = vector.broadcast %sub3A : i32 to vector<16xi32>
    %sub3A_40 = arith.subi %div3A_18, %sub3A_39 : vector<16xi32>
    %select_n3A = arith.select %and3A, %sub3A_40, %div3A_18 : vector<16xi1>, vector<16xi32>
    %jit3A_41 = arith.constant 8 : i32
    %div3A_42 = vector.broadcast %jit3A_41 : i32 to vector<16xi32>
    %div3A_43 = arith.divsi %add3A_9, %div3A_42 : vector<16xi32>
    %sign3A_44 = arith.constant 0 : i32
    %sign3A_45 = vector.broadcast %sign3A_44 : i32 to vector<16xi32>
    %sign3A_46 = arith.cmpi sgt, %add3A_9, %sign3A_45 : vector<16xi32>
    %sign3A_47 = arith.extui %sign3A_46 : vector<16xi1> to vector<16xi32>
    %sign3A_48 = arith.constant 0 : i32
    %sign3A_49 = vector.broadcast %sign3A_48 : i32 to vector<16xi32>
    %sign3A_50 = arith.cmpi slt, %add3A_9, %sign3A_49 : vector<16xi32>
    %sign3A_51 = arith.extui %sign3A_50 : vector<16xi1> to vector<16xi32>
    %sign3A_52 = arith.subi %sign3A_47, %sign3A_51 : vector<16xi32>
    %sign3A_53 = arith.constant 0 : i32
    %sign3A_54 = arith.cmpi sgt, %jit3A_41, %sign3A_53 : i32
    %sign3A_55 = arith.extui %sign3A_54 : i1 to i32
    %sign3A_56 = arith.constant 0 : i32
    %sign3A_57 = arith.cmpi slt, %jit3A_41, %sign3A_56 : i32
    %sign3A_58 = arith.extui %sign3A_57 : i1 to i32
    %sign3A_59 = arith.subi %sign3A_55, %sign3A_58 : i32
    %ne3A_60 = vector.broadcast %sign3A_59 : i32 to vector<16xi32>
    %ne3A_61 = arith.cmpi ne, %sign3A_52, %ne3A_60 : vector<16xi32>
    %rem3A_62 = vector.broadcast %jit3A_41 : i32 to vector<16xi32>
    %rem3A_63 = arith.remsi %add3A_9, %rem3A_62 : vector<16xi32>
    %ne3A_64 = arith.constant 0 : i32
    %ne3A_65 = vector.broadcast %ne3A_64 : i32 to vector<16xi32>
    %ne3A_66 = arith.cmpi ne, %rem3A_63, %ne3A_65 : vector<16xi32>
    %and3A_67 = arith.andi %ne3A_61, %ne3A_66 : vector<16xi1>
    %sub3A_68 = arith.constant 1 : i32
    %sub3A_69 = vector.broadcast %sub3A_68 : i32 to vector<16xi32>
    %sub3A_70 = arith.subi %div3A_43, %sub3A_69 : vector<16xi32>
    %select_n3A_71 = arith.select %and3A_67, %sub3A_70, %div3A_43 : vector<16xi1>, vector<16xi32>
    %jit3A_72 = arith.constant 8 : i32
    %div3A_73 = vector.broadcast %jit3A_72 : i32 to vector<16xi32>
    %div3A_74 = arith.divsi %add3A_13, %div3A_73 : vector<16xi32>
    %sign3A_75 = arith.constant 0 : i32
    %sign3A_76 = vector.broadcast %sign3A_75 : i32 to vector<16xi32>
    %sign3A_77 = arith.cmpi sgt, %add3A_13, %sign3A_76 : vector<16xi32>
    %sign3A_78 = arith.extui %sign3A_77 : vector<16xi1> to vector<16xi32>
    %sign3A_79 = arith.constant 0 : i32
    %sign3A_80 = vector.broadcast %sign3A_79 : i32 to vector<16xi32>
    %sign3A_81 = arith.cmpi slt, %add3A_13, %sign3A_80 : vector<16xi32>
    %sign3A_82 = arith.extui %sign3A_81 : vector<16xi1> to vector<16xi32>
    %sign3A_83 = arith.subi %sign3A_78, %sign3A_82 : vector<16xi32>
    %sign3A_84 = arith.constant 0 : i32
    %sign3A_85 = arith.cmpi sgt, %jit3A_72, %sign3A_84 : i32
    %sign3A_86 = arith.extui %sign3A_85 : i1 to i32
    %sign3A_87 = arith.constant 0 : i32
    %sign3A_88 = arith.cmpi slt, %jit3A_72, %sign3A_87 : i32
    %sign3A_89 = arith.extui %sign3A_88 : i1 to i32
    %sign3A_90 = arith.subi %sign3A_86, %sign3A_89 : i32
    %ne3A_91 = vector.broadcast %sign3A_90 : i32 to vector<16xi32>
    %ne3A_92 = arith.cmpi ne, %sign3A_83, %ne3A_91 : vector<16xi32>
    %rem3A_93 = vector.broadcast %jit3A_72 : i32 to vector<16xi32>
    %rem3A_94 = arith.remsi %add3A_13, %rem3A_93 : vector<16xi32>
    %ne3A_95 = arith.constant 0 : i32
    %ne3A_96 = vector.broadcast %ne3A_95 : i32 to vector<16xi32>
    %ne3A_97 = arith.cmpi ne, %rem3A_94, %ne3A_96 : vector<16xi32>
    %and3A_98 = arith.andi %ne3A_92, %ne3A_97 : vector<16xi1>
    %sub3A_99 = arith.constant 1 : i32
    %sub3A_100 = vector.broadcast %sub3A_99 : i32 to vector<16xi32>
    %sub3A_101 = arith.subi %div3A_74, %sub3A_100 : vector<16xi32>
    %select_n3A_102 = arith.select %and3A_98, %sub3A_101, %div3A_74 : vector<16xi1>, vector<16xi32>
    %jit3A_103 = arith.constant 8 : i32
    %div3A_104 = vector.broadcast %jit3A_103 : i32 to vector<16xi32>
    %div3A_105 = arith.divsi %add3A_17, %div3A_104 : vector<16xi32>
    %sign3A_106 = arith.constant 0 : i32
    %sign3A_107 = vector.broadcast %sign3A_106 : i32 to vector<16xi32>
    %sign3A_108 = arith.cmpi sgt, %add3A_17, %sign3A_107 : vector<16xi32>
    %sign3A_109 = arith.extui %sign3A_108 : vector<16xi1> to vector<16xi32>
    %sign3A_110 = arith.constant 0 : i32
    %sign3A_111 = vector.broadcast %sign3A_110 : i32 to vector<16xi32>
    %sign3A_112 = arith.cmpi slt, %add3A_17, %sign3A_111 : vector<16xi32>
    %sign3A_113 = arith.extui %sign3A_112 : vector<16xi1> to vector<16xi32>
    %sign3A_114 = arith.subi %sign3A_109, %sign3A_113 : vector<16xi32>
    %sign3A_115 = arith.constant 0 : i32
    %sign3A_116 = arith.cmpi sgt, %jit3A_103, %sign3A_115 : i32
    %sign3A_117 = arith.extui %sign3A_116 : i1 to i32
    %sign3A_118 = arith.constant 0 : i32
    %sign3A_119 = arith.cmpi slt, %jit3A_103, %sign3A_118 : i32
    %sign3A_120 = arith.extui %sign3A_119 : i1 to i32
    %sign3A_121 = arith.subi %sign3A_117, %sign3A_120 : i32
    %ne3A_122 = vector.broadcast %sign3A_121 : i32 to vector<16xi32>
    %ne3A_123 = arith.cmpi ne, %sign3A_114, %ne3A_122 : vector<16xi32>
    %rem3A_124 = vector.broadcast %jit3A_103 : i32 to vector<16xi32>
    %rem3A_125 = arith.remsi %add3A_17, %rem3A_124 : vector<16xi32>
    %ne3A_126 = arith.constant 0 : i32
    %ne3A_127 = vector.broadcast %ne3A_126 : i32 to vector<16xi32>
    %ne3A_128 = arith.cmpi ne, %rem3A_125, %ne3A_127 : vector<16xi32>
    %and3A_129 = arith.andi %ne3A_123, %ne3A_128 : vector<16xi1>
    %sub3A_130 = arith.constant 1 : i32
    %sub3A_131 = vector.broadcast %sub3A_130 : i32 to vector<16xi32>
    %sub3A_132 = arith.subi %div3A_105, %sub3A_131 : vector<16xi32>
    %select_n3A_133 = arith.select %and3A_129, %sub3A_132, %div3A_105 : vector<16xi1>, vector<16xi32>
    %jit3A_134 = arith.constant 8 : i32
    %eq3A = arith.constant 0 : i32
    %eq3A_135 = arith.cmpi eq, %jit3A_134, %eq3A : i32
    %jit3A_136 = arith.constant 1 : i32
    %select_n3A_137 = arith.select %eq3A_135, %jit3A_136, %jit3A_134 : i32
    %rem3A_138 = vector.broadcast %select_n3A_137 : i32 to vector<16xi32>
    %rem3A_139 = arith.remsi %add3A_5, %rem3A_138 : vector<16xi32>
    %ne3A_140 = arith.constant 0 : i32
    %ne3A_141 = vector.broadcast %ne3A_140 : i32 to vector<16xi32>
    %ne3A_142 = arith.cmpi ne, %rem3A_139, %ne3A_141 : vector<16xi32>
    %lt3A = arith.constant 0 : i32
    %lt3A_143 = vector.broadcast %lt3A : i32 to vector<16xi32>
    %lt3A_144 = arith.cmpi slt, %rem3A_139, %lt3A_143 : vector<16xi32>
    %lt3A_145 = arith.constant 0 : i32
    %lt3A_146 = arith.cmpi slt, %select_n3A_137, %lt3A_145 : i32
    %ne3A_147 = vector.broadcast %lt3A_146 : i1 to vector<16xi1>
    %ne3A_148 = vector.broadcast %ne3A_147 : vector<16xi1> to vector<16xi1>
    %ne3A_149 = arith.xori %lt3A_144, %ne3A_148 : vector<16xi1>
    %and3A_150 = arith.andi %ne3A_149, %ne3A_142 : vector<16xi1>
    %add3A_151 = vector.broadcast %select_n3A_137 : i32 to vector<16xi32>
    %add3A_152 = arith.addi %rem3A_139, %add3A_151 : vector<16xi32>
    %select_n3A_153 = arith.select %and3A_150, %add3A_152, %rem3A_139 : vector<16xi1>, vector<16xi32>
    %jit3A_154 = arith.constant 8 : i32
    %eq3A_155 = arith.constant 0 : i32
    %eq3A_156 = arith.cmpi eq, %jit3A_154, %eq3A_155 : i32
    %jit3A_157 = arith.constant 1 : i32
    %select_n3A_158 = arith.select %eq3A_156, %jit3A_157, %jit3A_154 : i32
    %rem3A_159 = vector.broadcast %select_n3A_158 : i32 to vector<16xi32>
    %rem3A_160 = arith.remsi %add3A_9, %rem3A_159 : vector<16xi32>
    %ne3A_161 = arith.constant 0 : i32
    %ne3A_162 = vector.broadcast %ne3A_161 : i32 to vector<16xi32>
    %ne3A_163 = arith.cmpi ne, %rem3A_160, %ne3A_162 : vector<16xi32>
    %lt3A_164 = arith.constant 0 : i32
    %lt3A_165 = vector.broadcast %lt3A_164 : i32 to vector<16xi32>
    %lt3A_166 = arith.cmpi slt, %rem3A_160, %lt3A_165 : vector<16xi32>
    %lt3A_167 = arith.constant 0 : i32
    %lt3A_168 = arith.cmpi slt, %select_n3A_158, %lt3A_167 : i32
    %ne3A_169 = vector.broadcast %lt3A_168 : i1 to vector<16xi1>
    %ne3A_170 = vector.broadcast %ne3A_169 : vector<16xi1> to vector<16xi1>
    %ne3A_171 = arith.xori %lt3A_166, %ne3A_170 : vector<16xi1>
    %and3A_172 = arith.andi %ne3A_171, %ne3A_163 : vector<16xi1>
    %add3A_173 = vector.broadcast %select_n3A_158 : i32 to vector<16xi32>
    %add3A_174 = arith.addi %rem3A_160, %add3A_173 : vector<16xi32>
    %select_n3A_175 = arith.select %and3A_172, %add3A_174, %rem3A_160 : vector<16xi1>, vector<16xi32>
    %jit3A_176 = arith.constant 8 : i32
    %eq3A_177 = arith.constant 0 : i32
    %eq3A_178 = arith.cmpi eq, %jit3A_176, %eq3A_177 : i32
    %jit3A_179 = arith.constant 1 : i32
    %select_n3A_180 = arith.select %eq3A_178, %jit3A_179, %jit3A_176 : i32
    %rem3A_181 = vector.broadcast %select_n3A_180 : i32 to vector<16xi32>
    %rem3A_182 = arith.remsi %add3A_13, %rem3A_181 : vector<16xi32>
    %ne3A_183 = arith.constant 0 : i32
    %ne3A_184 = vector.broadcast %ne3A_183 : i32 to vector<16xi32>
    %ne3A_185 = arith.cmpi ne, %rem3A_182, %ne3A_184 : vector<16xi32>
    %lt3A_186 = arith.constant 0 : i32
    %lt3A_187 = vector.broadcast %lt3A_186 : i32 to vector<16xi32>
    %lt3A_188 = arith.cmpi slt, %rem3A_182, %lt3A_187 : vector<16xi32>
    %lt3A_189 = arith.constant 0 : i32
    %lt3A_190 = arith.cmpi slt, %select_n3A_180, %lt3A_189 : i32
    %ne3A_191 = vector.broadcast %lt3A_190 : i1 to vector<16xi1>
    %ne3A_192 = vector.broadcast %ne3A_191 : vector<16xi1> to vector<16xi1>
    %ne3A_193 = arith.xori %lt3A_188, %ne3A_192 : vector<16xi1>
    %and3A_194 = arith.andi %ne3A_193, %ne3A_185 : vector<16xi1>
    %add3A_195 = vector.broadcast %select_n3A_180 : i32 to vector<16xi32>
    %add3A_196 = arith.addi %rem3A_182, %add3A_195 : vector<16xi32>
    %select_n3A_197 = arith.select %and3A_194, %add3A_196, %rem3A_182 : vector<16xi1>, vector<16xi32>
    %jit3A_198 = arith.constant 8 : i32
    %eq3A_199 = arith.constant 0 : i32
    %eq3A_200 = arith.cmpi eq, %jit3A_198, %eq3A_199 : i32
    %jit3A_201 = arith.constant 1 : i32
    %select_n3A_202 = arith.select %eq3A_200, %jit3A_201, %jit3A_198 : i32
    %rem3A_203 = vector.broadcast %select_n3A_202 : i32 to vector<16xi32>
    %rem3A_204 = arith.remsi %add3A_17, %rem3A_203 : vector<16xi32>
    %ne3A_205 = arith.constant 0 : i32
    %ne3A_206 = vector.broadcast %ne3A_205 : i32 to vector<16xi32>
    %ne3A_207 = arith.cmpi ne, %rem3A_204, %ne3A_206 : vector<16xi32>
    %lt3A_208 = arith.constant 0 : i32
    %lt3A_209 = vector.broadcast %lt3A_208 : i32 to vector<16xi32>
    %lt3A_210 = arith.cmpi slt, %rem3A_204, %lt3A_209 : vector<16xi32>
    %lt3A_211 = arith.constant 0 : i32
    %lt3A_212 = arith.cmpi slt, %select_n3A_202, %lt3A_211 : i32
    %ne3A_213 = vector.broadcast %lt3A_212 : i1 to vector<16xi1>
    %ne3A_214 = vector.broadcast %ne3A_213 : vector<16xi1> to vector<16xi1>
    %ne3A_215 = arith.xori %lt3A_210, %ne3A_214 : vector<16xi1>
    %and3A_216 = arith.andi %ne3A_215, %ne3A_207 : vector<16xi1>
    %add3A_217 = vector.broadcast %select_n3A_202 : i32 to vector<16xi32>
    %add3A_218 = arith.addi %rem3A_204, %add3A_217 : vector<16xi32>
    %select_n3A_219 = arith.select %and3A_216, %add3A_218, %rem3A_204 : vector<16xi1>, vector<16xi32>
    "tpu.region"() ({
      %run_scoped3A = tpu.sem_alloc : memref<!tpu.dma_semaphore, #tpu.memory_space<semaphore_mem>>
      %dma_start3A_335 = arith.constant 0 : i32
      %dma_start3A_336 = tpu.memref_slice %arg4[%dma_start3A_335, %mul3A_2] : memref<200x4096xi32, #tpu.memory_space<hbm>> -> memref<2x128xi32, #tpu.memory_space<hbm>>
      %dma_start3A_337 = arith.constant 0 : i32
      %dma_start3A_338 = tpu.memref_slice %arg4[%dma_start3A_337, %mul3A_2] : memref<200x4096xi32, #tpu.memory_space<hbm>> -> memref<2x128xi32, #tpu.memory_space<hbm>>
      tpu.enqueue_dma source(%dma_start3A_338 : memref<2x128xi32, #tpu.memory_space<hbm>>) target(%arg7 : memref<2x128xi32, #tpu.memory_space<vmem>>) target_semaphore(%run_scoped3A : memref<!tpu.dma_semaphore, #tpu.memory_space<semaphore_mem>>)
      %dma_wait3A_339 = arith.constant 0 : i32
      %dma_wait3A_340 = tpu.memref_slice %arg4[%dma_wait3A_339, %mul3A_2] : memref<200x4096xi32, #tpu.memory_space<hbm>> -> memref<2x128xi32, #tpu.memory_space<hbm>>
      %dma_wait3A_341 = arith.constant 0 : i32
      %dma_wait3A_342 = tpu.memref_slice %arg4[%dma_wait3A_341, %mul3A_2] : memref<200x4096xi32, #tpu.memory_space<hbm>> -> memref<2x128xi32, #tpu.memory_space<hbm>>
      tpu.wait_dma2 semaphore(%run_scoped3A : memref<!tpu.dma_semaphore, #tpu.memory_space<semaphore_mem>>) src(%dma_wait3A_342 : memref<2x128xi32, #tpu.memory_space<hbm>>) dst(%arg7 : memref<2x128xi32, #tpu.memory_space<vmem>>)
      tpu.yield
    }) : () -> ()
    %dma_start3A = arith.constant 0 : i32
    %dma_start3A_220 = arith.constant 0 : i32
    %dma_start3A_221 = arith.constant 0 : i32
    %dma_start3A_222 = tpu.memref_slice %arg9[%dma_start3A_220, %dma_start3A_221] : memref<256x64xf32, #tpu.memory_space<vmem>> -> memref<128x64xf32, #tpu.memory_space<vmem>>
    %dma_start3A_223 = arith.constant 0 : i32
    %dma_start3A_224 = tpu.memref_slice %arg7[%dma_start3A, %dma_start3A_223] : memref<2x128xi32, #tpu.memory_space<vmem>> -> memref<1x128xi32, #tpu.memory_space<vmem>>
    %dma_start3A_225 = tpu.memref_squeeze %dma_start3A_224 : memref<1x128xi32, #tpu.memory_space<vmem>> -> memref<128xi32, #tpu.memory_space<vmem>>
    %dma_start3A_226 = arith.constant 0 : i32
    %dma_start3A_227 = arith.constant 0 : i32
    %dma_start3A_228 = tpu.memref_slice %arg2[%dma_start3A_226, %dma_start3A_227] : memref<100000x64xf32, #tpu.memory_space<hbm>> -> memref<100000x64xf32, #tpu.memory_space<hbm>>
    tpu.enqueue_indirect_dma source(%dma_start3A_228 : memref<100000x64xf32, #tpu.memory_space<hbm>>) target(%dma_start3A_222 : memref<128x64xf32, #tpu.memory_space<vmem>>) offsets(%dma_start3A_225 : memref<128xi32, #tpu.memory_space<vmem>>) semaphore(%arg13 : memref<!tpu.dma_semaphore, #tpu.memory_space<semaphore_mem>>)
    %dma_start3A_229 = arith.constant 1 : i32
    %dma_start3A_230 = arith.constant 128 : i32
    %dma_start3A_231 = arith.constant 0 : i32
    %dma_start3A_232 = tpu.memref_slice %arg9[%dma_start3A_230, %dma_start3A_231] : memref<256x64xf32, #tpu.memory_space<vmem>> -> memref<128x64xf32, #tpu.memory_space<vmem>>
    %dma_start3A_233 = arith.constant 0 : i32
    %dma_start3A_234 = tpu.memref_slice %arg7[%dma_start3A_229, %dma_start3A_233] : memref<2x128xi32, #tpu.memory_space<vmem>> -> memref<1x128xi32, #tpu.memory_space<vmem>>
    %dma_start3A_235 = tpu.memref_squeeze %dma_start3A_234 : memref<1x128xi32, #tpu.memory_space<vmem>> -> memref<128xi32, #tpu.memory_space<vmem>>
    %dma_start3A_236 = arith.constant 0 : i32
    %dma_start3A_237 = arith.constant 0 : i32
    %dma_start3A_238 = tpu.memref_slice %arg2[%dma_start3A_236, %dma_start3A_237] : memref<100000x64xf32, #tpu.memory_space<hbm>> -> memref<100000x64xf32, #tpu.memory_space<hbm>>
    tpu.enqueue_indirect_dma source(%dma_start3A_238 : memref<100000x64xf32, #tpu.memory_space<hbm>>) target(%dma_start3A_232 : memref<128x64xf32, #tpu.memory_space<vmem>>) offsets(%dma_start3A_235 : memref<128xi32, #tpu.memory_space<vmem>>) semaphore(%arg14 : memref<!tpu.dma_semaphore, #tpu.memory_space<semaphore_mem>>)
    %dma_start3A_239 = arith.constant 2 : i32
    %dma_start3A_240 = tpu.memref_slice %arg4[%dma_start3A_239, %mul3A_2] : memref<200x4096xi32, #tpu.memory_space<hbm>> -> memref<2x128xi32, #tpu.memory_space<hbm>>
    %dma_start3A_241 = arith.constant 2 : i32
    %dma_start3A_242 = tpu.memref_slice %arg4[%dma_start3A_241, %mul3A_2] : memref<200x4096xi32, #tpu.memory_space<hbm>> -> memref<2x128xi32, #tpu.memory_space<hbm>>
    tpu.enqueue_dma source(%dma_start3A_242 : memref<2x128xi32, #tpu.memory_space<hbm>>) target(%arg8 : memref<2x128xi32, #tpu.memory_space<vmem>>) target_semaphore(%arg20 : memref<!tpu.dma_semaphore, #tpu.memory_space<semaphore_mem>>)
    %scan3A = arith.constant 0 : i32
    %scan3A_243 = arith.constant 0 : i32
    %scan3A_244 = arith.constant 50 : i32
    %scan3A_245 = arith.addi %scan3A_243, %scan3A_244 : i32
    %scan3A_246 = arith.constant 1 : i32
    scf.for %scan3A_335 = %scan3A_243 to %scan3A_245 step %scan3A_246  : i32 {
      %mul3A_336 = arith.constant 4 : i32
      %mul3A_337 = arith.muli %mul3A_336, %scan3A_335 : i32
      %dma_wait3A_338 = arith.constant 0 : i32
      %dma_wait3A_339 = tpu.memref_slice %arg4[%dma_wait3A_338, %mul3A_2] : memref<200x4096xi32, #tpu.memory_space<hbm>> -> memref<2x128xi32, #tpu.memory_space<hbm>>
      %dma_wait3A_340 = arith.constant 0 : i32
      %dma_wait3A_341 = tpu.memref_slice %arg4[%dma_wait3A_340, %mul3A_2] : memref<200x4096xi32, #tpu.memory_space<hbm>> -> memref<2x128xi32, #tpu.memory_space<hbm>>
      tpu.wait_dma2 semaphore(%arg20 : memref<!tpu.dma_semaphore, #tpu.memory_space<semaphore_mem>>) src(%dma_wait3A_341 : memref<2x128xi32, #tpu.memory_space<hbm>>) dst(%arg8 : memref<2x128xi32, #tpu.memory_space<vmem>>)
      %dma_start3A_342 = arith.constant 0 : i32
      %dma_start3A_343 = arith.constant 0 : i32
      %dma_start3A_344 = arith.constant 0 : i32
      %dma_start3A_345 = tpu.memref_slice %arg10[%dma_start3A_343, %dma_start3A_344] : memref<256x64xf32, #tpu.memory_space<vmem>> -> memref<128x64xf32, #tpu.memory_space<vmem>>
      %dma_start3A_346 = arith.constant 0 : i32
      %dma_start3A_347 = tpu.memref_slice %arg8[%dma_start3A_342, %dma_start3A_346] : memref<2x128xi32, #tpu.memory_space<vmem>> -> memref<1x128xi32, #tpu.memory_space<vmem>>
      %dma_start3A_348 = tpu.memref_squeeze %dma_start3A_347 : memref<1x128xi32, #tpu.memory_space<vmem>> -> memref<128xi32, #tpu.memory_space<vmem>>
      %dma_start3A_349 = arith.constant 0 : i32
      %dma_start3A_350 = arith.constant 0 : i32
      %dma_start3A_351 = tpu.memref_slice %arg2[%dma_start3A_349, %dma_start3A_350] : memref<100000x64xf32, #tpu.memory_space<hbm>> -> memref<100000x64xf32, #tpu.memory_space<hbm>>
      tpu.enqueue_indirect_dma source(%dma_start3A_351 : memref<100000x64xf32, #tpu.memory_space<hbm>>) target(%dma_start3A_345 : memref<128x64xf32, #tpu.memory_space<vmem>>) offsets(%dma_start3A_348 : memref<128xi32, #tpu.memory_space<vmem>>) semaphore(%arg15 : memref<!tpu.dma_semaphore, #tpu.memory_space<semaphore_mem>>)
      %dma_start3A_352 = arith.constant 1 : i32
      %dma_start3A_353 = arith.constant 128 : i32
      %dma_start3A_354 = arith.constant 0 : i32
      %dma_start3A_355 = tpu.memref_slice %arg10[%dma_start3A_353, %dma_start3A_354] : memref<256x64xf32, #tpu.memory_space<vmem>> -> memref<128x64xf32, #tpu.memory_space<vmem>>
      %dma_start3A_356 = arith.constant 0 : i32
      %dma_start3A_357 = tpu.memref_slice %arg8[%dma_start3A_352, %dma_start3A_356] : memref<2x128xi32, #tpu.memory_space<vmem>> -> memref<1x128xi32, #tpu.memory_space<vmem>>
      %dma_start3A_358 = tpu.memref_squeeze %dma_start3A_357 : memref<1x128xi32, #tpu.memory_space<vmem>> -> memref<128xi32, #tpu.memory_space<vmem>>
      %dma_start3A_359 = arith.constant 0 : i32
      %dma_start3A_360 = arith.constant 0 : i32
      %dma_start3A_361 = tpu.memref_slice %arg2[%dma_start3A_359, %dma_start3A_360] : memref<100000x64xf32, #tpu.memory_space<hbm>> -> memref<100000x64xf32, #tpu.memory_space<hbm>>
      tpu.enqueue_indirect_dma source(%dma_start3A_361 : memref<100000x64xf32, #tpu.memory_space<hbm>>) target(%dma_start3A_355 : memref<128x64xf32, #tpu.memory_space<vmem>>) offsets(%dma_start3A_358 : memref<128xi32, #tpu.memory_space<vmem>>) semaphore(%arg16 : memref<!tpu.dma_semaphore, #tpu.memory_space<semaphore_mem>>)
      %gt3A = arith.constant 0 : i32
      %gt3A_362 = arith.cmpi sgt, %scan3A_335, %gt3A : i32
      %convert_element_type3A = arith.extui %gt3A_362 : i1 to i32
      %cond3A = arith.constant 0 : i32
      %cond3A_363 = arith.cmpi ne, %convert_element_type3A, %cond3A : i32
      scf.if %cond3A_363 {
        %dma_wait3A_596 = arith.constant 0 : i32
        %dma_wait3A_597 = arith.constant 0 : i32
        %dma_wait3A_598 = arith.constant 0 : i32
        %dma_wait3A_599 = arith.constant 0 : i32
        %dma_wait3A_600 = arith.constant 0 : i32
        %dma_wait3A_601 = tpu.memref_slice %arg11[%dma_wait3A_596, %dma_wait3A_598, %dma_wait3A_599, %dma_wait3A_600] : memref<2x8x8x129xf32, #tpu.memory_space<vmem>> -> memref<1x8x8x128xf32, #tpu.memory_space<vmem>>
        %dma_wait3A_602 = tpu.memref_squeeze %dma_wait3A_601 : memref<1x8x8x128xf32, #tpu.memory_space<vmem>> -> memref<8x8x128xf32, #tpu.memory_space<vmem>>
        %dma_wait3A_603 = arith.constant 0 : i32
        %dma_wait3A_604 = arith.constant 0 : i32
        %dma_wait3A_605 = arith.constant 0 : i32
        %dma_wait3A_606 = tpu.memref_slice %arg5[%dma_wait3A_597, %dma_wait3A_603, %add3A, %dma_wait3A_604, %dma_wait3A_605] : memref<200x8x32x8x128xf32, #tpu.memory_space<hbm>> -> memref<1x8x1x8x128xf32, #tpu.memory_space<hbm>>
        %dma_wait3A_607 = tpu.memref_squeeze %dma_wait3A_606 : memref<1x8x1x8x128xf32, #tpu.memory_space<hbm>> -> memref<8x8x128xf32, #tpu.memory_space<hbm>>
        %dma_wait3A_608 = arith.constant 0 : i32
        %dma_wait3A_609 = arith.constant 0 : i32
        %dma_wait3A_610 = arith.constant 0 : i32
        %dma_wait3A_611 = tpu.memref_slice %arg5[%dma_wait3A_597, %dma_wait3A_608, %add3A, %dma_wait3A_609, %dma_wait3A_610] : memref<200x8x32x8x128xf32, #tpu.memory_space<hbm>> -> memref<1x8x1x8x128xf32, #tpu.memory_space<hbm>>
        %dma_wait3A_612 = tpu.memref_squeeze %dma_wait3A_611 : memref<1x8x1x8x128xf32, #tpu.memory_space<hbm>> -> memref<8x8x128xf32, #tpu.memory_space<hbm>>
        %dma_wait3A_613 = arith.constant 0 : i32
        %dma_wait3A_614 = arith.constant 0 : i32
        %dma_wait3A_615 = arith.constant 0 : i32
        %dma_wait3A_616 = tpu.memref_slice %arg11[%dma_wait3A_596, %dma_wait3A_613, %dma_wait3A_614, %dma_wait3A_615] : memref<2x8x8x129xf32, #tpu.memory_space<vmem>> -> memref<1x8x8x128xf32, #tpu.memory_space<vmem>>
        %dma_wait3A_617 = tpu.memref_squeeze %dma_wait3A_616 : memref<1x8x8x128xf32, #tpu.memory_space<vmem>> -> memref<8x8x128xf32, #tpu.memory_space<vmem>>
        tpu.wait_dma2 semaphore(%arg17 : memref<!tpu.dma_semaphore, #tpu.memory_space<semaphore_mem>>) src(%dma_wait3A_617 : memref<8x8x128xf32, #tpu.memory_space<vmem>>) dst(%dma_wait3A_612 : memref<8x8x128xf32, #tpu.memory_space<hbm>>)
        %dma_wait3A_618 = arith.constant 1 : i32
        %dma_wait3A_619 = arith.constant 0 : i32
        %dma_wait3A_620 = arith.constant 0 : i32
        %dma_wait3A_621 = arith.constant 0 : i32
        %dma_wait3A_622 = arith.constant 0 : i32
        %dma_wait3A_623 = tpu.memref_slice %arg11[%dma_wait3A_618, %dma_wait3A_620, %dma_wait3A_621, %dma_wait3A_622] : memref<2x8x8x129xf32, #tpu.memory_space<vmem>> -> memref<1x8x8x128xf32, #tpu.memory_space<vmem>>
        %dma_wait3A_624 = tpu.memref_squeeze %dma_wait3A_623 : memref<1x8x8x128xf32, #tpu.memory_space<vmem>> -> memref<8x8x128xf32, #tpu.memory_space<vmem>>
        %dma_wait3A_625 = arith.constant 0 : i32
        %dma_wait3A_626 = arith.constant 0 : i32
        %dma_wait3A_627 = arith.constant 0 : i32
        %dma_wait3A_628 = tpu.memref_slice %arg5[%dma_wait3A_619, %dma_wait3A_625, %add3A, %dma_wait3A_626, %dma_wait3A_627] : memref<200x8x32x8x128xf32, #tpu.memory_space<hbm>> -> memref<1x8x1x8x128xf32, #tpu.memory_space<hbm>>
        %dma_wait3A_629 = tpu.memref_squeeze %dma_wait3A_628 : memref<1x8x1x8x128xf32, #tpu.memory_space<hbm>> -> memref<8x8x128xf32, #tpu.memory_space<hbm>>
        %dma_wait3A_630 = arith.constant 0 : i32
        %dma_wait3A_631 = arith.constant 0 : i32
        %dma_wait3A_632 = arith.constant 0 : i32
        %dma_wait3A_633 = tpu.memref_slice %arg5[%dma_wait3A_619, %dma_wait3A_630, %add3A, %dma_wait3A_631, %dma_wait3A_632] : memref<200x8x32x8x128xf32, #tpu.memory_space<hbm>> -> memref<1x8x1x8x128xf32, #tpu.memory_space<hbm>>
        %dma_wait3A_634 = tpu.memref_squeeze %dma_wait3A_633 : memref<1x8x1x8x128xf32, #tpu.memory_space<hbm>> -> memref<8x8x128xf32, #tpu.memory_space<hbm>>
        %dma_wait3A_635 = arith.constant 0 : i32
        %dma_wait3A_636 = arith.constant 0 : i32
        %dma_wait3A_637 = arith.constant 0 : i32
        %dma_wait3A_638 = tpu.memref_slice %arg11[%dma_wait3A_618, %dma_wait3A_635, %dma_wait3A_636, %dma_wait3A_637] : memref<2x8x8x129xf32, #tpu.memory_space<vmem>> -> memref<1x8x8x128xf32, #tpu.memory_space<vmem>>
        %dma_wait3A_639 = tpu.memref_squeeze %dma_wait3A_638 : memref<1x8x8x128xf32, #tpu.memory_space<vmem>> -> memref<8x8x128xf32, #tpu.memory_space<vmem>>
        tpu.wait_dma2 semaphore(%arg17 : memref<!tpu.dma_semaphore, #tpu.memory_space<semaphore_mem>>) src(%dma_wait3A_639 : memref<8x8x128xf32, #tpu.memory_space<vmem>>) dst(%dma_wait3A_634 : memref<8x8x128xf32, #tpu.memory_space<hbm>>)
      } else {
      }
      %dma_wait3A_364 = arith.constant 0 : i32
      %dma_wait3A_365 = arith.constant 0 : i32
      %dma_wait3A_366 = tpu.memref_slice %arg9[%dma_wait3A_364, %dma_wait3A_365] : memref<256x64xf32, #tpu.memory_space<vmem>> -> memref<128x64xf32, #tpu.memory_space<vmem>>
      %dma_wait3A_367 = arith.constant 0 : i32
      %dma_wait3A_368 = arith.constant 0 : i32
      %dma_wait3A_369 = tpu.memref_slice %arg2[%dma_wait3A_367, %dma_wait3A_368] : memref<100000x64xf32, #tpu.memory_space<hbm>> -> memref<128x64xf32, #tpu.memory_space<hbm>>
      %dma_wait3A_370 = arith.constant 0 : i32
      %dma_wait3A_371 = arith.constant 0 : i32
      %dma_wait3A_372 = tpu.memref_slice %arg9[%dma_wait3A_370, %dma_wait3A_371] : memref<256x64xf32, #tpu.memory_space<vmem>> -> memref<128x64xf32, #tpu.memory_space<vmem>>
      %dma_wait3A_373 = arith.constant 0 : i32
      %dma_wait3A_374 = arith.constant 0 : i32
      %dma_wait3A_375 = tpu.memref_slice %arg2[%dma_wait3A_373, %dma_wait3A_374] : memref<100000x64xf32, #tpu.memory_space<hbm>> -> memref<128x64xf32, #tpu.memory_space<hbm>>
      tpu.wait_dma2 semaphore(%arg13 : memref<!tpu.dma_semaphore, #tpu.memory_space<semaphore_mem>>) src(%dma_wait3A_375 : memref<128x64xf32, #tpu.memory_space<hbm>>) dst(%dma_wait3A_372 : memref<128x64xf32, #tpu.memory_space<vmem>>)
      %get3A = arith.index_cast %mul3A_337 : i32 to index
      %get3A_376 = arith.constant 0 : index
      %get3A_377 = tpu.vector_load %arg6[%get3A, %get3A_376] {strides = array<i32>} : memref<200x64xf32, #tpu.memory_space<vmem>>, vector<16xf32>,
      %get3A_378 = arith.index_cast %mul3A_337 : i32 to index
      %get3A_379 = arith.constant 16 : index
      %get3A_380 = tpu.vector_load %arg6[%get3A_378, %get3A_379] {strides = array<i32>} : memref<200x64xf32, #tpu.memory_space<vmem>>, vector<16xf32>,
      %get3A_381 = arith.index_cast %mul3A_337 : i32 to index
      %get3A_382 = arith.constant 32 : index
      %get3A_383 = tpu.vector_load %arg6[%get3A_381, %get3A_382] {strides = array<i32>} : memref<200x64xf32, #tpu.memory_space<vmem>>, vector<16xf32>,
      %get3A_384 = arith.index_cast %mul3A_337 : i32 to index
      %get3A_385 = arith.constant 48 : index
      %get3A_386 = tpu.vector_load %arg6[%get3A_384, %get3A_385] {strides = array<i32>} : memref<200x64xf32, #tpu.memory_space<vmem>>, vector<16xf32>,
      %parallel_loop3A = arith.constant 0 : i32
      %parallel_loop3A_387 = arith.constant 128 : i32
      %parallel_loop3A_388 = arith.constant 1 : i32
      %parallel_loop3A_389 = arith.constant 0 : i32
      scf.for %parallel_loop3A_596 = %parallel_loop3A to %parallel_loop3A_387 step %parallel_loop3A_388  : i32 {
        %parallel_loop3A_597 = vector.broadcast %parallel_loop3A_596 : i32 to vector<16xi32>
        %parallel_loop3A_598 = arith.constant 0 : i32
        %parallel_loop3A_599 = arith.addi %parallel_loop3A_598, %parallel_loop3A_596 : i32
        %parallel_loop3A_600 = arith.index_cast %parallel_loop3A_599 : i32 to index
        %parallel_loop3A_601 = arith.constant 0 : index
        %parallel_loop3A_602 = tpu.vector_load %arg9[%parallel_loop3A_600, %parallel_loop3A_601] {strides = array<i32>} : memref<256x64xf32, #tpu.memory_space<vmem>>, vector<16xf32>,
        %parallel_loop3A_603 = arith.addf %parallel_loop3A_602, %get3A_377 : vector<16xf32>
        %parallel_loop3A_604 = arith.constant 0 : i32
        %parallel_loop3A_605 = arith.constant 0 : i32
        %parallel_loop3A_606 = arith.constant 0 : i32
        %parallel_loop3A_607 = tpu.memref_slice %arg11[%parallel_loop3A_389, %parallel_loop3A_604, %parallel_loop3A_605, %parallel_loop3A_606] : memref<2x8x8x129xf32, #tpu.memory_space<vmem>> -> memref<1x8x8x129xf32, #tpu.memory_space<vmem>>
        %parallel_loop3A_608 = tpu.memref_squeeze %parallel_loop3A_607 : memref<1x8x8x129xf32, #tpu.memory_space<vmem>> -> memref<8x8x129xf32, #tpu.memory_space<vmem>>
        tpu.vector_store_idx %parallel_loop3A_608[%select_n3A, %select_n3A_153, %parallel_loop3A_597], %parallel_loop3A_603 : memref<8x8x129xf32, #tpu.memory_space<vmem>>[vector<16xi32>, vector<16xi32>, vector<16xi32>], vector<16xf32>,
        %parallel_loop3A_609 = arith.constant 0 : i32
        %parallel_loop3A_610 = arith.addi %parallel_loop3A_609, %parallel_loop3A_596 : i32
        %parallel_loop3A_611 = arith.index_cast %parallel_loop3A_610 : i32 to index
        %parallel_loop3A_612 = arith.constant 16 : index
        %parallel_loop3A_613 = tpu.vector_load %arg9[%parallel_loop3A_611, %parallel_loop3A_612] {strides = array<i32>} : memref<256x64xf32, #tpu.memory_space<vmem>>, vector<16xf32>,
        %parallel_loop3A_614 = arith.addf %parallel_loop3A_613, %get3A_380 : vector<16xf32>
        %parallel_loop3A_615 = arith.constant 0 : i32
        %parallel_loop3A_616 = arith.constant 0 : i32
        %parallel_loop3A_617 = arith.constant 0 : i32
        %parallel_loop3A_618 = tpu.memref_slice %arg11[%parallel_loop3A_389, %parallel_loop3A_615, %parallel_loop3A_616, %parallel_loop3A_617] : memref<2x8x8x129xf32, #tpu.memory_space<vmem>> -> memref<1x8x8x129xf32, #tpu.memory_space<vmem>>
        %parallel_loop3A_619 = tpu.memref_squeeze %parallel_loop3A_618 : memref<1x8x8x129xf32, #tpu.memory_space<vmem>> -> memref<8x8x129xf32, #tpu.memory_space<vmem>>
        tpu.vector_store_idx %parallel_loop3A_619[%select_n3A_71, %select_n3A_175, %parallel_loop3A_597], %parallel_loop3A_614 : memref<8x8x129xf32, #tpu.memory_space<vmem>>[vector<16xi32>, vector<16xi32>, vector<16xi32>], vector<16xf32>,
        %parallel_loop3A_620 = arith.constant 0 : i32
        %parallel_loop3A_621 = arith.addi %parallel_loop3A_620, %parallel_loop3A_596 : i32
        %parallel_loop3A_622 = arith.index_cast %parallel_loop3A_621 : i32 to index
        %parallel_loop3A_623 = arith.constant 32 : index
        %parallel_loop3A_624 = tpu.vector_load %arg9[%parallel_loop3A_622, %parallel_loop3A_623] {strides = array<i32>} : memref<256x64xf32, #tpu.memory_space<vmem>>, vector<16xf32>,
        %parallel_loop3A_625 = arith.addf %parallel_loop3A_624, %get3A_383 : vector<16xf32>
        %parallel_loop3A_626 = arith.constant 0 : i32
        %parallel_loop3A_627 = arith.constant 0 : i32
        %parallel_loop3A_628 = arith.constant 0 : i32
        %parallel_loop3A_629 = tpu.memref_slice %arg11[%parallel_loop3A_389, %parallel_loop3A_626, %parallel_loop3A_627, %parallel_loop3A_628] : memref<2x8x8x129xf32, #tpu.memory_space<vmem>> -> memref<1x8x8x129xf32, #tpu.memory_space<vmem>>
        %parallel_loop3A_630 = tpu.memref_squeeze %parallel_loop3A_629 : memref<1x8x8x129xf32, #tpu.memory_space<vmem>> -> memref<8x8x129xf32, #tpu.memory_space<vmem>>
        tpu.vector_store_idx %parallel_loop3A_630[%select_n3A_102, %select_n3A_197, %parallel_loop3A_597], %parallel_loop3A_625 : memref<8x8x129xf32, #tpu.memory_space<vmem>>[vector<16xi32>, vector<16xi32>, vector<16xi32>], vector<16xf32>,
        %parallel_loop3A_631 = arith.constant 0 : i32
        %parallel_loop3A_632 = arith.addi %parallel_loop3A_631, %parallel_loop3A_596 : i32
        %parallel_loop3A_633 = arith.index_cast %parallel_loop3A_632 : i32 to index
        %parallel_loop3A_634 = arith.constant 48 : index
        %parallel_loop3A_635 = tpu.vector_load %arg9[%parallel_loop3A_633, %parallel_loop3A_634] {strides = array<i32>} : memref<256x64xf32, #tpu.memory_space<vmem>>, vector<16xf32>,
        %parallel_loop3A_636 = arith.addf %parallel_loop3A_635, %get3A_386 : vector<16xf32>
        %parallel_loop3A_637 = arith.constant 0 : i32
        %parallel_loop3A_638 = arith.constant 0 : i32
        %parallel_loop3A_639 = arith.constant 0 : i32
        %parallel_loop3A_640 = tpu.memref_slice %arg11[%parallel_loop3A_389, %parallel_loop3A_637, %parallel_loop3A_638, %parallel_loop3A_639] : memref<2x8x8x129xf32, #tpu.memory_space<vmem>> -> memref<1x8x8x129xf32, #tpu.memory_space<vmem>>
        %parallel_loop3A_641 = tpu.memref_squeeze %parallel_loop3A_640 : memref<1x8x8x129xf32, #tpu.memory_space<vmem>> -> memref<8x8x129xf32, #tpu.memory_space<vmem>>
        tpu.vector_store_idx %parallel_loop3A_641[%select_n3A_133, %select_n3A_219, %parallel_loop3A_597], %parallel_loop3A_636 : memref<8x8x129xf32, #tpu.memory_space<vmem>>[vector<16xi32>, vector<16xi32>, vector<16xi32>], vector<16xf32>,
      } {sc.loop_unroll_factor = 8 : i64, sc.parallel_access}
      %dma_wait3A_390 = arith.constant 0 : i32
      %dma_wait3A_391 = arith.constant 0 : i32
      %dma_wait3A_392 = tpu.memref_slice %arg9[%dma_wait3A_390, %dma_wait3A_391] : memref<256x64xf32, #tpu.memory_space<vmem>> -> memref<128x64xf32, #tpu.memory_space<vmem>>
      %dma_wait3A_393 = arith.constant 0 : i32
      %dma_wait3A_394 = arith.constant 0 : i32
      %dma_wait3A_395 = tpu.memref_slice %arg2[%dma_wait3A_393, %dma_wait3A_394] : memref<100000x64xf32, #tpu.memory_space<hbm>> -> memref<128x64xf32, #tpu.memory_space<hbm>>
      %dma_wait3A_396 = arith.constant 0 : i32
      %dma_wait3A_397 = arith.constant 0 : i32
      %dma_wait3A_398 = tpu.memref_slice %arg9[%dma_wait3A_396, %dma_wait3A_397] : memref<256x64xf32, #tpu.memory_space<vmem>> -> memref<128x64xf32, #tpu.memory_space<vmem>>
      %dma_wait3A_399 = arith.constant 0 : i32
      %dma_wait3A_400 = arith.constant 0 : i32
      %dma_wait3A_401 = tpu.memref_slice %arg2[%dma_wait3A_399, %dma_wait3A_400] : memref<100000x64xf32, #tpu.memory_space<hbm>> -> memref<128x64xf32, #tpu.memory_space<hbm>>
      tpu.wait_dma2 semaphore(%arg14 : memref<!tpu.dma_semaphore, #tpu.memory_space<semaphore_mem>>) src(%dma_wait3A_401 : memref<128x64xf32, #tpu.memory_space<hbm>>) dst(%dma_wait3A_398 : memref<128x64xf32, #tpu.memory_space<vmem>>)
      %lt3A_402 = arith.constant 49 : i32
      %lt3A_403 = arith.cmpi slt, %scan3A_335, %lt3A_402 : i32
      %convert_element_type3A_404 = arith.extui %lt3A_403 : i1 to i32
      %cond3A_405 = arith.constant 0 : i32
      %cond3A_406 = arith.cmpi ne, %convert_element_type3A_404, %cond3A_405 : i32
      scf.if %cond3A_406 {
        %add3A_596 = arith.constant 4 : i32
        %add3A_597 = arith.addi %mul3A_337, %add3A_596 : i32
        %dma_start3A_598 = tpu.memref_slice %arg4[%add3A_597, %mul3A_2] : memref<200x4096xi32, #tpu.memory_space<hbm>> -> memref<2x128xi32, #tpu.memory_space<hbm>>
        %dma_start3A_599 = tpu.memref_slice %arg4[%add3A_597, %mul3A_2] : memref<200x4096xi32, #tpu.memory_space<hbm>> -> memref<2x128xi32, #tpu.memory_space<hbm>>
        tpu.enqueue_dma source(%dma_start3A_599 : memref<2x128xi32, #tpu.memory_space<hbm>>) target(%arg7 : memref<2x128xi32, #tpu.memory_space<vmem>>) target_semaphore(%arg19 : memref<!tpu.dma_semaphore, #tpu.memory_space<semaphore_mem>>)
      } else {
      }
      %add3A_407 = arith.constant 1 : i32
      %add3A_408 = arith.addi %mul3A_337, %add3A_407 : i32
      %get3A_409 = arith.index_cast %add3A_408 : i32 to index
      %get3A_410 = arith.constant 0 : index
      %get3A_411 = tpu.vector_load %arg6[%get3A_409, %get3A_410] {strides = array<i32>} : memref<200x64xf32, #tpu.memory_space<vmem>>, vector<16xf32>,
      %get3A_412 = arith.index_cast %add3A_408 : i32 to index
      %get3A_413 = arith.constant 16 : index
      %get3A_414 = tpu.vector_load %arg6[%get3A_412, %get3A_413] {strides = array<i32>} : memref<200x64xf32, #tpu.memory_space<vmem>>, vector<16xf32>,
      %get3A_415 = arith.index_cast %add3A_408 : i32 to index
      %get3A_416 = arith.constant 32 : index
      %get3A_417 = tpu.vector_load %arg6[%get3A_415, %get3A_416] {strides = array<i32>} : memref<200x64xf32, #tpu.memory_space<vmem>>, vector<16xf32>,
      %get3A_418 = arith.index_cast %add3A_408 : i32 to index
      %get3A_419 = arith.constant 48 : index
      %get3A_420 = tpu.vector_load %arg6[%get3A_418, %get3A_419] {strides = array<i32>} : memref<200x64xf32, #tpu.memory_space<vmem>>, vector<16xf32>,
      %parallel_loop3A_421 = arith.constant 0 : i32
      %parallel_loop3A_422 = arith.constant 128 : i32
      %parallel_loop3A_423 = arith.constant 1 : i32
      %parallel_loop3A_424 = arith.constant 1 : i32
      scf.for %parallel_loop3A_596 = %parallel_loop3A_421 to %parallel_loop3A_422 step %parallel_loop3A_423  : i32 {
        %parallel_loop3A_597 = vector.broadcast %parallel_loop3A_596 : i32 to vector<16xi32>
        %parallel_loop3A_598 = arith.constant 128 : i32
        %parallel_loop3A_599 = arith.addi %parallel_loop3A_598, %parallel_loop3A_596 : i32
        %parallel_loop3A_600 = arith.index_cast %parallel_loop3A_599 : i32 to index
        %parallel_loop3A_601 = arith.constant 0 : index
        %parallel_loop3A_602 = tpu.vector_load %arg9[%parallel_loop3A_600, %parallel_loop3A_601] {strides = array<i32>} : memref<256x64xf32, #tpu.memory_space<vmem>>, vector<16xf32>,
        %parallel_loop3A_603 = arith.addf %parallel_loop3A_602, %get3A_411 : vector<16xf32>
        %parallel_loop3A_604 = arith.constant 0 : i32
        %parallel_loop3A_605 = arith.constant 0 : i32
        %parallel_loop3A_606 = arith.constant 0 : i32
        %parallel_loop3A_607 = tpu.memref_slice %arg11[%parallel_loop3A_424, %parallel_loop3A_604, %parallel_loop3A_605, %parallel_loop3A_606] : memref<2x8x8x129xf32, #tpu.memory_space<vmem>> -> memref<1x8x8x129xf32, #tpu.memory_space<vmem>>
        %parallel_loop3A_608 = tpu.memref_squeeze %parallel_loop3A_607 : memref<1x8x8x129xf32, #tpu.memory_space<vmem>> -> memref<8x8x129xf32, #tpu.memory_space<vmem>>
        tpu.vector_store_idx %parallel_loop3A_608[%select_n3A, %select_n3A_153, %parallel_loop3A_597], %parallel_loop3A_603 : memref<8x8x129xf32, #tpu.memory_space<vmem>>[vector<16xi32>, vector<16xi32>, vector<16xi32>], vector<16xf32>,
        %parallel_loop3A_609 = arith.constant 128 : i32
        %parallel_loop3A_610 = arith.addi %parallel_loop3A_609, %parallel_loop3A_596 : i32
        %parallel_loop3A_611 = arith.index_cast %parallel_loop3A_610 : i32 to index
        %parallel_loop3A_612 = arith.constant 16 : index
        %parallel_loop3A_613 = tpu.vector_load %arg9[%parallel_loop3A_611, %parallel_loop3A_612] {strides = array<i32>} : memref<256x64xf32, #tpu.memory_space<vmem>>, vector<16xf32>,
        %parallel_loop3A_614 = arith.addf %parallel_loop3A_613, %get3A_414 : vector<16xf32>
        %parallel_loop3A_615 = arith.constant 0 : i32
        %parallel_loop3A_616 = arith.constant 0 : i32
        %parallel_loop3A_617 = arith.constant 0 : i32
        %parallel_loop3A_618 = tpu.memref_slice %arg11[%parallel_loop3A_424, %parallel_loop3A_615, %parallel_loop3A_616, %parallel_loop3A_617] : memref<2x8x8x129xf32, #tpu.memory_space<vmem>> -> memref<1x8x8x129xf32, #tpu.memory_space<vmem>>
        %parallel_loop3A_619 = tpu.memref_squeeze %parallel_loop3A_618 : memref<1x8x8x129xf32, #tpu.memory_space<vmem>> -> memref<8x8x129xf32, #tpu.memory_space<vmem>>
        tpu.vector_store_idx %parallel_loop3A_619[%select_n3A_71, %select_n3A_175, %parallel_loop3A_597], %parallel_loop3A_614 : memref<8x8x129xf32, #tpu.memory_space<vmem>>[vector<16xi32>, vector<16xi32>, vector<16xi32>], vector<16xf32>,
        %parallel_loop3A_620 = arith.constant 128 : i32
        %parallel_loop3A_621 = arith.addi %parallel_loop3A_620, %parallel_loop3A_596 : i32
        %parallel_loop3A_622 = arith.index_cast %parallel_loop3A_621 : i32 to index
        %parallel_loop3A_623 = arith.constant 32 : index
        %parallel_loop3A_624 = tpu.vector_load %arg9[%parallel_loop3A_622, %parallel_loop3A_623] {strides = array<i32>} : memref<256x64xf32, #tpu.memory_space<vmem>>, vector<16xf32>,
        %parallel_loop3A_625 = arith.addf %parallel_loop3A_624, %get3A_417 : vector<16xf32>
        %parallel_loop3A_626 = arith.constant 0 : i32
        %parallel_loop3A_627 = arith.constant 0 : i32
        %parallel_loop3A_628 = arith.constant 0 : i32
        %parallel_loop3A_629 = tpu.memref_slice %arg11[%parallel_loop3A_424, %parallel_loop3A_626, %parallel_loop3A_627, %parallel_loop3A_628] : memref<2x8x8x129xf32, #tpu.memory_space<vmem>> -> memref<1x8x8x129xf32, #tpu.memory_space<vmem>>
        %parallel_loop3A_630 = tpu.memref_squeeze %parallel_loop3A_629 : memref<1x8x8x129xf32, #tpu.memory_space<vmem>> -> memref<8x8x129xf32, #tpu.memory_space<vmem>>
        tpu.vector_store_idx %parallel_loop3A_630[%select_n3A_102, %select_n3A_197, %parallel_loop3A_597], %parallel_loop3A_625 : memref<8x8x129xf32, #tpu.memory_space<vmem>>[vector<16xi32>, vector<16xi32>, vector<16xi32>], vector<16xf32>,
        %parallel_loop3A_631 = arith.constant 128 : i32
        %parallel_loop3A_632 = arith.addi %parallel_loop3A_631, %parallel_loop3A_596 : i32
        %parallel_loop3A_633 = arith.index_cast %parallel_loop3A_632 : i32 to index
        %parallel_loop3A_634 = arith.constant 48 : index
        %parallel_loop3A_635 = tpu.vector_load %arg9[%parallel_loop3A_633, %parallel_loop3A_634] {strides = array<i32>} : memref<256x64xf32, #tpu.memory_space<vmem>>, vector<16xf32>,
        %parallel_loop3A_636 = arith.addf %parallel_loop3A_635, %get3A_420 : vector<16xf32>
        %parallel_loop3A_637 = arith.constant 0 : i32
        %parallel_loop3A_638 = arith.constant 0 : i32
        %parallel_loop3A_639 = arith.constant 0 : i32
        %parallel_loop3A_640 = tpu.memref_slice %arg11[%parallel_loop3A_424, %parallel_loop3A_637, %parallel_loop3A_638, %parallel_loop3A_639] : memref<2x8x8x129xf32, #tpu.memory_space<vmem>> -> memref<1x8x8x129xf32, #tpu.memory_space<vmem>>
        %parallel_loop3A_641 = tpu.memref_squeeze %parallel_loop3A_640 : memref<1x8x8x129xf32, #tpu.memory_space<vmem>> -> memref<8x8x129xf32, #tpu.memory_space<vmem>>
        tpu.vector_store_idx %parallel_loop3A_641[%select_n3A_133, %select_n3A_219, %parallel_loop3A_597], %parallel_loop3A_636 : memref<8x8x129xf32, #tpu.memory_space<vmem>>[vector<16xi32>, vector<16xi32>, vector<16xi32>], vector<16xf32>,
      } {sc.loop_unroll_factor = 8 : i64, sc.parallel_access}
      %add3A_425 = arith.constant 0 : i32
      %add3A_426 = arith.addi %mul3A_337, %add3A_425 : i32
      %dma_start3A_427 = arith.constant 0 : i32
      %dma_start3A_428 = arith.constant 0 : i32
      %dma_start3A_429 = arith.constant 0 : i32
      %dma_start3A_430 = arith.constant 0 : i32
      %dma_start3A_431 = tpu.memref_slice %arg11[%dma_start3A_427, %dma_start3A_428, %dma_start3A_429, %dma_start3A_430] : memref<2x8x8x129xf32, #tpu.memory_space<vmem>> -> memref<1x8x8x128xf32, #tpu.memory_space<vmem>>
      %dma_start3A_432 = tpu.memref_squeeze %dma_start3A_431 : memref<1x8x8x128xf32, #tpu.memory_space<vmem>> -> memref<8x8x128xf32, #tpu.memory_space<vmem>>
      %dma_start3A_433 = arith.constant 0 : i32
      %dma_start3A_434 = arith.constant 0 : i32
      %dma_start3A_435 = arith.constant 0 : i32
      %dma_start3A_436 = tpu.memref_slice %arg5[%add3A_426, %dma_start3A_433, %add3A, %dma_start3A_434, %dma_start3A_435] : memref<200x8x32x8x128xf32, #tpu.memory_space<hbm>> -> memref<1x8x1x8x128xf32, #tpu.memory_space<hbm>>
      %dma_start3A_437 = tpu.memref_squeeze %dma_start3A_436 : memref<1x8x1x8x128xf32, #tpu.memory_space<hbm>> -> memref<8x8x128xf32, #tpu.memory_space<hbm>>
      %dma_start3A_438 = arith.constant 0 : i32
      %dma_start3A_439 = arith.constant 0 : i32
      %dma_start3A_440 = arith.constant 0 : i32
      %dma_start3A_441 = tpu.memref_slice %arg5[%add3A_426, %dma_start3A_438, %add3A, %dma_start3A_439, %dma_start3A_440] : memref<200x8x32x8x128xf32, #tpu.memory_space<hbm>> -> memref<1x8x1x8x128xf32, #tpu.memory_space<hbm>>
      %dma_start3A_442 = tpu.memref_squeeze %dma_start3A_441 : memref<1x8x1x8x128xf32, #tpu.memory_space<hbm>> -> memref<8x8x128xf32, #tpu.memory_space<hbm>>
      %dma_start3A_443 = arith.constant 0 : i32
      %dma_start3A_444 = arith.constant 0 : i32
      %dma_start3A_445 = arith.constant 0 : i32
      %dma_start3A_446 = tpu.memref_slice %arg11[%dma_start3A_427, %dma_start3A_443, %dma_start3A_444, %dma_start3A_445] : memref<2x8x8x129xf32, #tpu.memory_space<vmem>> -> memref<1x8x8x128xf32, #tpu.memory_space<vmem>>
      %dma_start3A_447 = tpu.memref_squeeze %dma_start3A_446 : memref<1x8x8x128xf32, #tpu.memory_space<vmem>> -> memref<8x8x128xf32, #tpu.memory_space<vmem>>
      tpu.enqueue_dma source(%dma_start3A_447 : memref<8x8x128xf32, #tpu.memory_space<vmem>>) target(%dma_start3A_442 : memref<8x8x128xf32, #tpu.memory_space<hbm>>) target_semaphore(%arg17 : memref<!tpu.dma_semaphore, #tpu.memory_space<semaphore_mem>>)
      %add3A_448 = arith.constant 1 : i32
      %add3A_449 = arith.addi %mul3A_337, %add3A_448 : i32
      %dma_start3A_450 = arith.constant 1 : i32
      %dma_start3A_451 = arith.constant 0 : i32
      %dma_start3A_452 = arith.constant 0 : i32
      %dma_start3A_453 = arith.constant 0 : i32
      %dma_start3A_454 = tpu.memref_slice %arg11[%dma_start3A_450, %dma_start3A_451, %dma_start3A_452, %dma_start3A_453] : memref<2x8x8x129xf32, #tpu.memory_space<vmem>> -> memref<1x8x8x128xf32, #tpu.memory_space<vmem>>
      %dma_start3A_455 = tpu.memref_squeeze %dma_start3A_454 : memref<1x8x8x128xf32, #tpu.memory_space<vmem>> -> memref<8x8x128xf32, #tpu.memory_space<vmem>>
      %dma_start3A_456 = arith.constant 0 : i32
      %dma_start3A_457 = arith.constant 0 : i32
      %dma_start3A_458 = arith.constant 0 : i32
      %dma_start3A_459 = tpu.memref_slice %arg5[%add3A_449, %dma_start3A_456, %add3A, %dma_start3A_457, %dma_start3A_458] : memref<200x8x32x8x128xf32, #tpu.memory_space<hbm>> -> memref<1x8x1x8x128xf32, #tpu.memory_space<hbm>>
      %dma_start3A_460 = tpu.memref_squeeze %dma_start3A_459 : memref<1x8x1x8x128xf32, #tpu.memory_space<hbm>> -> memref<8x8x128xf32, #tpu.memory_space<hbm>>
      %dma_start3A_461 = arith.constant 0 : i32
      %dma_start3A_462 = arith.constant 0 : i32
      %dma_start3A_463 = arith.constant 0 : i32
      %dma_start3A_464 = tpu.memref_slice %arg5[%add3A_449, %dma_start3A_461, %add3A, %dma_start3A_462, %dma_start3A_463] : memref<200x8x32x8x128xf32, #tpu.memory_space<hbm>> -> memref<1x8x1x8x128xf32, #tpu.memory_space<hbm>>
      %dma_start3A_465 = tpu.memref_squeeze %dma_start3A_464 : memref<1x8x1x8x128xf32, #tpu.memory_space<hbm>> -> memref<8x8x128xf32, #tpu.memory_space<hbm>>
      %dma_start3A_466 = arith.constant 0 : i32
      %dma_start3A_467 = arith.constant 0 : i32
      %dma_start3A_468 = arith.constant 0 : i32
      %dma_start3A_469 = tpu.memref_slice %arg11[%dma_start3A_450, %dma_start3A_466, %dma_start3A_467, %dma_start3A_468] : memref<2x8x8x129xf32, #tpu.memory_space<vmem>> -> memref<1x8x8x128xf32, #tpu.memory_space<vmem>>
      %dma_start3A_470 = tpu.memref_squeeze %dma_start3A_469 : memref<1x8x8x128xf32, #tpu.memory_space<vmem>> -> memref<8x8x128xf32, #tpu.memory_space<vmem>>
      tpu.enqueue_dma source(%dma_start3A_470 : memref<8x8x128xf32, #tpu.memory_space<vmem>>) target(%dma_start3A_465 : memref<8x8x128xf32, #tpu.memory_space<hbm>>) target_semaphore(%arg17 : memref<!tpu.dma_semaphore, #tpu.memory_space<semaphore_mem>>)
      %lt3A_471 = arith.constant 49 : i32
      %lt3A_472 = arith.cmpi slt, %scan3A_335, %lt3A_471 : i32
      %convert_element_type3A_473 = arith.extui %lt3A_472 : i1 to i32
      %cond3A_474 = arith.constant 0 : i32
      %cond3A_475 = arith.cmpi ne, %convert_element_type3A_473, %cond3A_474 : i32
      scf.if %cond3A_475 {
        %dma_wait3A_596 = arith.constant 0 : i32
        %dma_wait3A_597 = tpu.memref_slice %arg4[%dma_wait3A_596, %mul3A_2] : memref<200x4096xi32, #tpu.memory_space<hbm>> -> memref<2x128xi32, #tpu.memory_space<hbm>>
        %dma_wait3A_598 = arith.constant 0 : i32
        %dma_wait3A_599 = tpu.memref_slice %arg4[%dma_wait3A_598, %mul3A_2] : memref<200x4096xi32, #tpu.memory_space<hbm>> -> memref<2x128xi32, #tpu.memory_space<hbm>>
        tpu.wait_dma2 semaphore(%arg19 : memref<!tpu.dma_semaphore, #tpu.memory_space<semaphore_mem>>) src(%dma_wait3A_599 : memref<2x128xi32, #tpu.memory_space<hbm>>) dst(%arg7 : memref<2x128xi32, #tpu.memory_space<vmem>>)
        %dma_start3A_600 = arith.constant 0 : i32
        %dma_start3A_601 = arith.constant 0 : i32
        %dma_start3A_602 = arith.constant 0 : i32
        %dma_start3A_603 = tpu.memref_slice %arg9[%dma_start3A_601, %dma_start3A_602] : memref<256x64xf32, #tpu.memory_space<vmem>> -> memref<128x64xf32, #tpu.memory_space<vmem>>
        %dma_start3A_604 = arith.constant 0 : i32
        %dma_start3A_605 = tpu.memref_slice %arg7[%dma_start3A_600, %dma_start3A_604] : memref<2x128xi32, #tpu.memory_space<vmem>> -> memref<1x128xi32, #tpu.memory_space<vmem>>
        %dma_start3A_606 = tpu.memref_squeeze %dma_start3A_605 : memref<1x128xi32, #tpu.memory_space<vmem>> -> memref<128xi32, #tpu.memory_space<vmem>>
        %dma_start3A_607 = arith.constant 0 : i32
        %dma_start3A_608 = arith.constant 0 : i32
        %dma_start3A_609 = tpu.memref_slice %arg2[%dma_start3A_607, %dma_start3A_608] : memref<100000x64xf32, #tpu.memory_space<hbm>> -> memref<100000x64xf32, #tpu.memory_space<hbm>>
        tpu.enqueue_indirect_dma source(%dma_start3A_609 : memref<100000x64xf32, #tpu.memory_space<hbm>>) target(%dma_start3A_603 : memref<128x64xf32, #tpu.memory_space<vmem>>) offsets(%dma_start3A_606 : memref<128xi32, #tpu.memory_space<vmem>>) semaphore(%arg13 : memref<!tpu.dma_semaphore, #tpu.memory_space<semaphore_mem>>)
        %dma_start3A_610 = arith.constant 1 : i32
        %dma_start3A_611 = arith.constant 128 : i32
        %dma_start3A_612 = arith.constant 0 : i32
        %dma_start3A_613 = tpu.memref_slice %arg9[%dma_start3A_611, %dma_start3A_612] : memref<256x64xf32, #tpu.memory_space<vmem>> -> memref<128x64xf32, #tpu.memory_space<vmem>>
        %dma_start3A_614 = arith.constant 0 : i32
        %dma_start3A_615 = tpu.memref_slice %arg7[%dma_start3A_610, %dma_start3A_614] : memref<2x128xi32, #tpu.memory_space<vmem>> -> memref<1x128xi32, #tpu.memory_space<vmem>>
        %dma_start3A_616 = tpu.memref_squeeze %dma_start3A_615 : memref<1x128xi32, #tpu.memory_space<vmem>> -> memref<128xi32, #tpu.memory_space<vmem>>
        %dma_start3A_617 = arith.constant 0 : i32
        %dma_start3A_618 = arith.constant 0 : i32
        %dma_start3A_619 = tpu.memref_slice %arg2[%dma_start3A_617, %dma_start3A_618] : memref<100000x64xf32, #tpu.memory_space<hbm>> -> memref<100000x64xf32, #tpu.memory_space<hbm>>
        tpu.enqueue_indirect_dma source(%dma_start3A_619 : memref<100000x64xf32, #tpu.memory_space<hbm>>) target(%dma_start3A_613 : memref<128x64xf32, #tpu.memory_space<vmem>>) offsets(%dma_start3A_616 : memref<128xi32, #tpu.memory_space<vmem>>) semaphore(%arg14 : memref<!tpu.dma_semaphore, #tpu.memory_space<semaphore_mem>>)
      } else {
      }
      %gt3A_476 = arith.constant 0 : i32
      %gt3A_477 = arith.cmpi sgt, %scan3A_335, %gt3A_476 : i32
      %convert_element_type3A_478 = arith.extui %gt3A_477 : i1 to i32
      %cond3A_479 = arith.constant 0 : i32
      %cond3A_480 = arith.cmpi ne, %convert_element_type3A_478, %cond3A_479 : i32
      scf.if %cond3A_480 {
        %dma_wait3A_596 = arith.constant 0 : i32
        %dma_wait3A_597 = arith.constant 0 : i32
        %dma_wait3A_598 = arith.constant 0 : i32
        %dma_wait3A_599 = arith.constant 0 : i32
        %dma_wait3A_600 = arith.constant 0 : i32
        %dma_wait3A_601 = tpu.memref_slice %arg12[%dma_wait3A_596, %dma_wait3A_598, %dma_wait3A_599, %dma_wait3A_600] : memref<2x8x8x129xf32, #tpu.memory_space<vmem>> -> memref<1x8x8x128xf32, #tpu.memory_space<vmem>>
        %dma_wait3A_602 = tpu.memref_squeeze %dma_wait3A_601 : memref<1x8x8x128xf32, #tpu.memory_space<vmem>> -> memref<8x8x128xf32, #tpu.memory_space<vmem>>
        %dma_wait3A_603 = arith.constant 0 : i32
        %dma_wait3A_604 = arith.constant 0 : i32
        %dma_wait3A_605 = arith.constant 0 : i32
        %dma_wait3A_606 = tpu.memref_slice %arg5[%dma_wait3A_597, %dma_wait3A_603, %add3A, %dma_wait3A_604, %dma_wait3A_605] : memref<200x8x32x8x128xf32, #tpu.memory_space<hbm>> -> memref<1x8x1x8x128xf32, #tpu.memory_space<hbm>>
        %dma_wait3A_607 = tpu.memref_squeeze %dma_wait3A_606 : memref<1x8x1x8x128xf32, #tpu.memory_space<hbm>> -> memref<8x8x128xf32, #tpu.memory_space<hbm>>
        %dma_wait3A_608 = arith.constant 0 : i32
        %dma_wait3A_609 = arith.constant 0 : i32
        %dma_wait3A_610 = arith.constant 0 : i32
        %dma_wait3A_611 = tpu.memref_slice %arg5[%dma_wait3A_597, %dma_wait3A_608, %add3A, %dma_wait3A_609, %dma_wait3A_610] : memref<200x8x32x8x128xf32, #tpu.memory_space<hbm>> -> memref<1x8x1x8x128xf32, #tpu.memory_space<hbm>>
        %dma_wait3A_612 = tpu.memref_squeeze %dma_wait3A_611 : memref<1x8x1x8x128xf32, #tpu.memory_space<hbm>> -> memref<8x8x128xf32, #tpu.memory_space<hbm>>
        %dma_wait3A_613 = arith.constant 0 : i32
        %dma_wait3A_614 = arith.constant 0 : i32
        %dma_wait3A_615 = arith.constant 0 : i32
        %dma_wait3A_616 = tpu.memref_slice %arg12[%dma_wait3A_596, %dma_wait3A_613, %dma_wait3A_614, %dma_wait3A_615] : memref<2x8x8x129xf32, #tpu.memory_space<vmem>> -> memref<1x8x8x128xf32, #tpu.memory_space<vmem>>
        %dma_wait3A_617 = tpu.memref_squeeze %dma_wait3A_616 : memref<1x8x8x128xf32, #tpu.memory_space<vmem>> -> memref<8x8x128xf32, #tpu.memory_space<vmem>>
        tpu.wait_dma2 semaphore(%arg18 : memref<!tpu.dma_semaphore, #tpu.memory_space<semaphore_mem>>) src(%dma_wait3A_617 : memref<8x8x128xf32, #tpu.memory_space<vmem>>) dst(%dma_wait3A_612 : memref<8x8x128xf32, #tpu.memory_space<hbm>>)
        %dma_wait3A_618 = arith.constant 1 : i32
        %dma_wait3A_619 = arith.constant 0 : i32
        %dma_wait3A_620 = arith.constant 0 : i32
        %dma_wait3A_621 = arith.constant 0 : i32
        %dma_wait3A_622 = arith.constant 0 : i32
        %dma_wait3A_623 = tpu.memref_slice %arg12[%dma_wait3A_618, %dma_wait3A_620, %dma_wait3A_621, %dma_wait3A_622] : memref<2x8x8x129xf32, #tpu.memory_space<vmem>> -> memref<1x8x8x128xf32, #tpu.memory_space<vmem>>
        %dma_wait3A_624 = tpu.memref_squeeze %dma_wait3A_623 : memref<1x8x8x128xf32, #tpu.memory_space<vmem>> -> memref<8x8x128xf32, #tpu.memory_space<vmem>>
        %dma_wait3A_625 = arith.constant 0 : i32
        %dma_wait3A_626 = arith.constant 0 : i32
        %dma_wait3A_627 = arith.constant 0 : i32
        %dma_wait3A_628 = tpu.memref_slice %arg5[%dma_wait3A_619, %dma_wait3A_625, %add3A, %dma_wait3A_626, %dma_wait3A_627] : memref<200x8x32x8x128xf32, #tpu.memory_space<hbm>> -> memref<1x8x1x8x128xf32, #tpu.memory_space<hbm>>
        %dma_wait3A_629 = tpu.memref_squeeze %dma_wait3A_628 : memref<1x8x1x8x128xf32, #tpu.memory_space<hbm>> -> memref<8x8x128xf32, #tpu.memory_space<hbm>>
        %dma_wait3A_630 = arith.constant 0 : i32
        %dma_wait3A_631 = arith.constant 0 : i32
        %dma_wait3A_632 = arith.constant 0 : i32
        %dma_wait3A_633 = tpu.memref_slice %arg5[%dma_wait3A_619, %dma_wait3A_630, %add3A, %dma_wait3A_631, %dma_wait3A_632] : memref<200x8x32x8x128xf32, #tpu.memory_space<hbm>> -> memref<1x8x1x8x128xf32, #tpu.memory_space<hbm>>
        %dma_wait3A_634 = tpu.memref_squeeze %dma_wait3A_633 : memref<1x8x1x8x128xf32, #tpu.memory_space<hbm>> -> memref<8x8x128xf32, #tpu.memory_space<hbm>>
        %dma_wait3A_635 = arith.constant 0 : i32
        %dma_wait3A_636 = arith.constant 0 : i32
        %dma_wait3A_637 = arith.constant 0 : i32
        %dma_wait3A_638 = tpu.memref_slice %arg12[%dma_wait3A_618, %dma_wait3A_635, %dma_wait3A_636, %dma_wait3A_637] : memref<2x8x8x129xf32, #tpu.memory_space<vmem>> -> memref<1x8x8x128xf32, #tpu.memory_space<vmem>>
        %dma_wait3A_639 = tpu.memref_squeeze %dma_wait3A_638 : memref<1x8x8x128xf32, #tpu.memory_space<vmem>> -> memref<8x8x128xf32, #tpu.memory_space<vmem>>
        tpu.wait_dma2 semaphore(%arg18 : memref<!tpu.dma_semaphore, #tpu.memory_space<semaphore_mem>>) src(%dma_wait3A_639 : memref<8x8x128xf32, #tpu.memory_space<vmem>>) dst(%dma_wait3A_634 : memref<8x8x128xf32, #tpu.memory_space<hbm>>)
      } else {
      }
      %dma_wait3A_481 = arith.constant 0 : i32
      %dma_wait3A_482 = arith.constant 0 : i32
      %dma_wait3A_483 = tpu.memref_slice %arg9[%dma_wait3A_481, %dma_wait3A_482] : memref<256x64xf32, #tpu.memory_space<vmem>> -> memref<128x64xf32, #tpu.memory_space<vmem>>
      %dma_wait3A_484 = arith.constant 0 : i32
      %dma_wait3A_485 = arith.constant 0 : i32
      %dma_wait3A_486 = tpu.memref_slice %arg2[%dma_wait3A_484, %dma_wait3A_485] : memref<100000x64xf32, #tpu.memory_space<hbm>> -> memref<128x64xf32, #tpu.memory_space<hbm>>
      %dma_wait3A_487 = arith.constant 0 : i32
      %dma_wait3A_488 = arith.constant 0 : i32
      %dma_wait3A_489 = tpu.memref_slice %arg9[%dma_wait3A_487, %dma_wait3A_488] : memref<256x64xf32, #tpu.memory_space<vmem>> -> memref<128x64xf32, #tpu.memory_space<vmem>>
      %dma_wait3A_490 = arith.constant 0 : i32
      %dma_wait3A_491 = arith.constant 0 : i32
      %dma_wait3A_492 = tpu.memref_slice %arg2[%dma_wait3A_490, %dma_wait3A_491] : memref<100000x64xf32, #tpu.memory_space<hbm>> -> memref<128x64xf32, #tpu.memory_space<hbm>>
      tpu.wait_dma2 semaphore(%arg15 : memref<!tpu.dma_semaphore, #tpu.memory_space<semaphore_mem>>) src(%dma_wait3A_492 : memref<128x64xf32, #tpu.memory_space<hbm>>) dst(%dma_wait3A_489 : memref<128x64xf32, #tpu.memory_space<vmem>>)
      %add3A_493 = arith.constant 2 : i32
      %add3A_494 = arith.addi %mul3A_337, %add3A_493 : i32
      %get3A_495 = arith.index_cast %add3A_494 : i32 to index
      %get3A_496 = arith.constant 0 : index
      %get3A_497 = tpu.vector_load %arg6[%get3A_495, %get3A_496] {strides = array<i32>} : memref<200x64xf32, #tpu.memory_space<vmem>>, vector<16xf32>,
      %get3A_498 = arith.index_cast %add3A_494 : i32 to index
      %get3A_499 = arith.constant 16 : index
      %get3A_500 = tpu.vector_load %arg6[%get3A_498, %get3A_499] {strides = array<i32>} : memref<200x64xf32, #tpu.memory_space<vmem>>, vector<16xf32>,
      %get3A_501 = arith.index_cast %add3A_494 : i32 to index
      %get3A_502 = arith.constant 32 : index
      %get3A_503 = tpu.vector_load %arg6[%get3A_501, %get3A_502] {strides = array<i32>} : memref<200x64xf32, #tpu.memory_space<vmem>>, vector<16xf32>,
      %get3A_504 = arith.index_cast %add3A_494 : i32 to index
      %get3A_505 = arith.constant 48 : index
      %get3A_506 = tpu.vector_load %arg6[%get3A_504, %get3A_505] {strides = array<i32>} : memref<200x64xf32, #tpu.memory_space<vmem>>, vector<16xf32>,
      %parallel_loop3A_507 = arith.constant 0 : i32
      %parallel_loop3A_508 = arith.constant 128 : i32
      %parallel_loop3A_509 = arith.constant 1 : i32
      %parallel_loop3A_510 = arith.constant 0 : i32
      scf.for %parallel_loop3A_596 = %parallel_loop3A_507 to %parallel_loop3A_508 step %parallel_loop3A_509  : i32 {
        %parallel_loop3A_597 = vector.broadcast %parallel_loop3A_596 : i32 to vector<16xi32>
        %parallel_loop3A_598 = arith.constant 0 : i32
        %parallel_loop3A_599 = arith.addi %parallel_loop3A_598, %parallel_loop3A_596 : i32
        %parallel_loop3A_600 = arith.index_cast %parallel_loop3A_599 : i32 to index
        %parallel_loop3A_601 = arith.constant 0 : index
        %parallel_loop3A_602 = tpu.vector_load %arg10[%parallel_loop3A_600, %parallel_loop3A_601] {strides = array<i32>} : memref<256x64xf32, #tpu.memory_space<vmem>>, vector<16xf32>,
        %parallel_loop3A_603 = arith.addf %parallel_loop3A_602, %get3A_497 : vector<16xf32>
        %parallel_loop3A_604 = arith.constant 0 : i32
        %parallel_loop3A_605 = arith.constant 0 : i32
        %parallel_loop3A_606 = arith.constant 0 : i32
        %parallel_loop3A_607 = tpu.memref_slice %arg12[%parallel_loop3A_510, %parallel_loop3A_604, %parallel_loop3A_605, %parallel_loop3A_606] : memref<2x8x8x129xf32, #tpu.memory_space<vmem>> -> memref<1x8x8x129xf32, #tpu.memory_space<vmem>>
        %parallel_loop3A_608 = tpu.memref_squeeze %parallel_loop3A_607 : memref<1x8x8x129xf32, #tpu.memory_space<vmem>> -> memref<8x8x129xf32, #tpu.memory_space<vmem>>
        tpu.vector_store_idx %parallel_loop3A_608[%select_n3A, %select_n3A_153, %parallel_loop3A_597], %parallel_loop3A_603 : memref<8x8x129xf32, #tpu.memory_space<vmem>>[vector<16xi32>, vector<16xi32>, vector<16xi32>], vector<16xf32>,
        %parallel_loop3A_609 = arith.constant 0 : i32
        %parallel_loop3A_610 = arith.addi %parallel_loop3A_609, %parallel_loop3A_596 : i32
        %parallel_loop3A_611 = arith.index_cast %parallel_loop3A_610 : i32 to index
        %parallel_loop3A_612 = arith.constant 16 : index
        %parallel_loop3A_613 = tpu.vector_load %arg10[%parallel_loop3A_611, %parallel_loop3A_612] {strides = array<i32>} : memref<256x64xf32, #tpu.memory_space<vmem>>, vector<16xf32>,
        %parallel_loop3A_614 = arith.addf %parallel_loop3A_613, %get3A_500 : vector<16xf32>
        %parallel_loop3A_615 = arith.constant 0 : i32
        %parallel_loop3A_616 = arith.constant 0 : i32
        %parallel_loop3A_617 = arith.constant 0 : i32
        %parallel_loop3A_618 = tpu.memref_slice %arg12[%parallel_loop3A_510, %parallel_loop3A_615, %parallel_loop3A_616, %parallel_loop3A_617] : memref<2x8x8x129xf32, #tpu.memory_space<vmem>> -> memref<1x8x8x129xf32, #tpu.memory_space<vmem>>
        %parallel_loop3A_619 = tpu.memref_squeeze %parallel_loop3A_618 : memref<1x8x8x129xf32, #tpu.memory_space<vmem>> -> memref<8x8x129xf32, #tpu.memory_space<vmem>>
        tpu.vector_store_idx %parallel_loop3A_619[%select_n3A_71, %select_n3A_175, %parallel_loop3A_597], %parallel_loop3A_614 : memref<8x8x129xf32, #tpu.memory_space<vmem>>[vector<16xi32>, vector<16xi32>, vector<16xi32>], vector<16xf32>,
        %parallel_loop3A_620 = arith.constant 0 : i32
        %parallel_loop3A_621 = arith.addi %parallel_loop3A_620, %parallel_loop3A_596 : i32
        %parallel_loop3A_622 = arith.index_cast %parallel_loop3A_621 : i32 to index
        %parallel_loop3A_623 = arith.constant 32 : index
        %parallel_loop3A_624 = tpu.vector_load %arg10[%parallel_loop3A_622, %parallel_loop3A_623] {strides = array<i32>} : memref<256x64xf32, #tpu.memory_space<vmem>>, vector<16xf32>,
        %parallel_loop3A_625 = arith.addf %parallel_loop3A_624, %get3A_503 : vector<16xf32>
        %parallel_loop3A_626 = arith.constant 0 : i32
        %parallel_loop3A_627 = arith.constant 0 : i32
        %parallel_loop3A_628 = arith.constant 0 : i32
        %parallel_loop3A_629 = tpu.memref_slice %arg12[%parallel_loop3A_510, %parallel_loop3A_626, %parallel_loop3A_627, %parallel_loop3A_628] : memref<2x8x8x129xf32, #tpu.memory_space<vmem>> -> memref<1x8x8x129xf32, #tpu.memory_space<vmem>>
        %parallel_loop3A_630 = tpu.memref_squeeze %parallel_loop3A_629 : memref<1x8x8x129xf32, #tpu.memory_space<vmem>> -> memref<8x8x129xf32, #tpu.memory_space<vmem>>
        tpu.vector_store_idx %parallel_loop3A_630[%select_n3A_102, %select_n3A_197, %parallel_loop3A_597], %parallel_loop3A_625 : memref<8x8x129xf32, #tpu.memory_space<vmem>>[vector<16xi32>, vector<16xi32>, vector<16xi32>], vector<16xf32>,
        %parallel_loop3A_631 = arith.constant 0 : i32
        %parallel_loop3A_632 = arith.addi %parallel_loop3A_631, %parallel_loop3A_596 : i32
        %parallel_loop3A_633 = arith.index_cast %parallel_loop3A_632 : i32 to index
        %parallel_loop3A_634 = arith.constant 48 : index
        %parallel_loop3A_635 = tpu.vector_load %arg10[%parallel_loop3A_633, %parallel_loop3A_634] {strides = array<i32>} : memref<256x64xf32, #tpu.memory_space<vmem>>, vector<16xf32>,
        %parallel_loop3A_636 = arith.addf %parallel_loop3A_635, %get3A_506 : vector<16xf32>
        %parallel_loop3A_637 = arith.constant 0 : i32
        %parallel_loop3A_638 = arith.constant 0 : i32
        %parallel_loop3A_639 = arith.constant 0 : i32
        %parallel_loop3A_640 = tpu.memref_slice %arg12[%parallel_loop3A_510, %parallel_loop3A_637, %parallel_loop3A_638, %parallel_loop3A_639] : memref<2x8x8x129xf32, #tpu.memory_space<vmem>> -> memref<1x8x8x129xf32, #tpu.memory_space<vmem>>
        %parallel_loop3A_641 = tpu.memref_squeeze %parallel_loop3A_640 : memref<1x8x8x129xf32, #tpu.memory_space<vmem>> -> memref<8x8x129xf32, #tpu.memory_space<vmem>>
        tpu.vector_store_idx %parallel_loop3A_641[%select_n3A_133, %select_n3A_219, %parallel_loop3A_597], %parallel_loop3A_636 : memref<8x8x129xf32, #tpu.memory_space<vmem>>[vector<16xi32>, vector<16xi32>, vector<16xi32>], vector<16xf32>,
      } {sc.loop_unroll_factor = 8 : i64, sc.parallel_access}
      %dma_wait3A_511 = arith.constant 0 : i32
      %dma_wait3A_512 = arith.constant 0 : i32
      %dma_wait3A_513 = tpu.memref_slice %arg9[%dma_wait3A_511, %dma_wait3A_512] : memref<256x64xf32, #tpu.memory_space<vmem>> -> memref<128x64xf32, #tpu.memory_space<vmem>>
      %dma_wait3A_514 = arith.constant 0 : i32
      %dma_wait3A_515 = arith.constant 0 : i32
      %dma_wait3A_516 = tpu.memref_slice %arg2[%dma_wait3A_514, %dma_wait3A_515] : memref<100000x64xf32, #tpu.memory_space<hbm>> -> memref<128x64xf32, #tpu.memory_space<hbm>>
      %dma_wait3A_517 = arith.constant 0 : i32
      %dma_wait3A_518 = arith.constant 0 : i32
      %dma_wait3A_519 = tpu.memref_slice %arg9[%dma_wait3A_517, %dma_wait3A_518] : memref<256x64xf32, #tpu.memory_space<vmem>> -> memref<128x64xf32, #tpu.memory_space<vmem>>
      %dma_wait3A_520 = arith.constant 0 : i32
      %dma_wait3A_521 = arith.constant 0 : i32
      %dma_wait3A_522 = tpu.memref_slice %arg2[%dma_wait3A_520, %dma_wait3A_521] : memref<100000x64xf32, #tpu.memory_space<hbm>> -> memref<128x64xf32, #tpu.memory_space<hbm>>
      tpu.wait_dma2 semaphore(%arg16 : memref<!tpu.dma_semaphore, #tpu.memory_space<semaphore_mem>>) src(%dma_wait3A_522 : memref<128x64xf32, #tpu.memory_space<hbm>>) dst(%dma_wait3A_519 : memref<128x64xf32, #tpu.memory_space<vmem>>)
      %lt3A_523 = arith.constant 49 : i32
      %lt3A_524 = arith.cmpi slt, %scan3A_335, %lt3A_523 : i32
      %convert_element_type3A_525 = arith.extui %lt3A_524 : i1 to i32
      %cond3A_526 = arith.constant 0 : i32
      %cond3A_527 = arith.cmpi ne, %convert_element_type3A_525, %cond3A_526 : i32
      scf.if %cond3A_527 {
        %add3A_596 = arith.constant 6 : i32
        %add3A_597 = arith.addi %mul3A_337, %add3A_596 : i32
        %dma_start3A_598 = tpu.memref_slice %arg4[%add3A_597, %mul3A_2] : memref<200x4096xi32, #tpu.memory_space<hbm>> -> memref<2x128xi32, #tpu.memory_space<hbm>>
        %dma_start3A_599 = tpu.memref_slice %arg4[%add3A_597, %mul3A_2] : memref<200x4096xi32, #tpu.memory_space<hbm>> -> memref<2x128xi32, #tpu.memory_space<hbm>>
        tpu.enqueue_dma source(%dma_start3A_599 : memref<2x128xi32, #tpu.memory_space<hbm>>) target(%arg8 : memref<2x128xi32, #tpu.memory_space<vmem>>) target_semaphore(%arg20 : memref<!tpu.dma_semaphore, #tpu.memory_space<semaphore_mem>>)
      } else {
      }
      %add3A_528 = arith.constant 2 : i32
      %add3A_529 = arith.addi %mul3A_337, %add3A_528 : i32
      %add3A_530 = arith.constant 1 : i32
      %add3A_531 = arith.addi %add3A_529, %add3A_530 : i32
      %get3A_532 = arith.index_cast %add3A_531 : i32 to index
      %get3A_533 = arith.constant 0 : index
      %get3A_534 = tpu.vector_load %arg6[%get3A_532, %get3A_533] {strides = array<i32>} : memref<200x64xf32, #tpu.memory_space<vmem>>, vector<16xf32>,
      %get3A_535 = arith.index_cast %add3A_531 : i32 to index
      %get3A_536 = arith.constant 16 : index
      %get3A_537 = tpu.vector_load %arg6[%get3A_535, %get3A_536] {strides = array<i32>} : memref<200x64xf32, #tpu.memory_space<vmem>>, vector<16xf32>,
      %get3A_538 = arith.index_cast %add3A_531 : i32 to index
      %get3A_539 = arith.constant 32 : index
      %get3A_540 = tpu.vector_load %arg6[%get3A_538, %get3A_539] {strides = array<i32>} : memref<200x64xf32, #tpu.memory_space<vmem>>, vector<16xf32>,
      %get3A_541 = arith.index_cast %add3A_531 : i32 to index
      %get3A_542 = arith.constant 48 : index
      %get3A_543 = tpu.vector_load %arg6[%get3A_541, %get3A_542] {strides = array<i32>} : memref<200x64xf32, #tpu.memory_space<vmem>>, vector<16xf32>,
      %parallel_loop3A_544 = arith.constant 0 : i32
      %parallel_loop3A_545 = arith.constant 128 : i32
      %parallel_loop3A_546 = arith.constant 1 : i32
      %parallel_loop3A_547 = arith.constant 1 : i32
      scf.for %parallel_loop3A_596 = %parallel_loop3A_544 to %parallel_loop3A_545 step %parallel_loop3A_546  : i32 {
        %parallel_loop3A_597 = vector.broadcast %parallel_loop3A_596 : i32 to vector<16xi32>
        %parallel_loop3A_598 = arith.constant 128 : i32
        %parallel_loop3A_599 = arith.addi %parallel_loop3A_598, %parallel_loop3A_596 : i32
        %parallel_loop3A_600 = arith.index_cast %parallel_loop3A_599 : i32 to index
        %parallel_loop3A_601 = arith.constant 0 : index
        %parallel_loop3A_602 = tpu.vector_load %arg10[%parallel_loop3A_600, %parallel_loop3A_601] {strides = array<i32>} : memref<256x64xf32, #tpu.memory_space<vmem>>, vector<16xf32>,
        %parallel_loop3A_603 = arith.addf %parallel_loop3A_602, %get3A_534 : vector<16xf32>
        %parallel_loop3A_604 = arith.constant 0 : i32
        %parallel_loop3A_605 = arith.constant 0 : i32
        %parallel_loop3A_606 = arith.constant 0 : i32
        %parallel_loop3A_607 = tpu.memref_slice %arg12[%parallel_loop3A_547, %parallel_loop3A_604, %parallel_loop3A_605, %parallel_loop3A_606] : memref<2x8x8x129xf32, #tpu.memory_space<vmem>> -> memref<1x8x8x129xf32, #tpu.memory_space<vmem>>
        %parallel_loop3A_608 = tpu.memref_squeeze %parallel_loop3A_607 : memref<1x8x8x129xf32, #tpu.memory_space<vmem>> -> memref<8x8x129xf32, #tpu.memory_space<vmem>>
        tpu.vector_store_idx %parallel_loop3A_608[%select_n3A, %select_n3A_153, %parallel_loop3A_597], %parallel_loop3A_603 : memref<8x8x129xf32, #tpu.memory_space<vmem>>[vector<16xi32>, vector<16xi32>, vector<16xi32>], vector<16xf32>,
        %parallel_loop3A_609 = arith.constant 128 : i32
        %parallel_loop3A_610 = arith.addi %parallel_loop3A_609, %parallel_loop3A_596 : i32
        %parallel_loop3A_611 = arith.index_cast %parallel_loop3A_610 : i32 to index
        %parallel_loop3A_612 = arith.constant 16 : index
        %parallel_loop3A_613 = tpu.vector_load %arg10[%parallel_loop3A_611, %parallel_loop3A_612] {strides = array<i32>} : memref<256x64xf32, #tpu.memory_space<vmem>>, vector<16xf32>,
        %parallel_loop3A_614 = arith.addf %parallel_loop3A_613, %get3A_537 : vector<16xf32>
        %parallel_loop3A_615 = arith.constant 0 : i32
        %parallel_loop3A_616 = arith.constant 0 : i32
        %parallel_loop3A_617 = arith.constant 0 : i32
        %parallel_loop3A_618 = tpu.memref_slice %arg12[%parallel_loop3A_547, %parallel_loop3A_615, %parallel_loop3A_616, %parallel_loop3A_617] : memref<2x8x8x129xf32, #tpu.memory_space<vmem>> -> memref<1x8x8x129xf32, #tpu.memory_space<vmem>>
        %parallel_loop3A_619 = tpu.memref_squeeze %parallel_loop3A_618 : memref<1x8x8x129xf32, #tpu.memory_space<vmem>> -> memref<8x8x129xf32, #tpu.memory_space<vmem>>
        tpu.vector_store_idx %parallel_loop3A_619[%select_n3A_71, %select_n3A_175, %parallel_loop3A_597], %parallel_loop3A_614 : memref<8x8x129xf32, #tpu.memory_space<vmem>>[vector<16xi32>, vector<16xi32>, vector<16xi32>], vector<16xf32>,
        %parallel_loop3A_620 = arith.constant 128 : i32
        %parallel_loop3A_621 = arith.addi %parallel_loop3A_620, %parallel_loop3A_596 : i32
        %parallel_loop3A_622 = arith.index_cast %parallel_loop3A_621 : i32 to index
        %parallel_loop3A_623 = arith.constant 32 : index
        %parallel_loop3A_624 = tpu.vector_load %arg10[%parallel_loop3A_622, %parallel_loop3A_623] {strides = array<i32>} : memref<256x64xf32, #tpu.memory_space<vmem>>, vector<16xf32>,
        %parallel_loop3A_625 = arith.addf %parallel_loop3A_624, %get3A_540 : vector<16xf32>
        %parallel_loop3A_626 = arith.constant 0 : i32
        %parallel_loop3A_627 = arith.constant 0 : i32
        %parallel_loop3A_628 = arith.constant 0 : i32
        %parallel_loop3A_629 = tpu.memref_slice %arg12[%parallel_loop3A_547, %parallel_loop3A_626, %parallel_loop3A_627, %parallel_loop3A_628] : memref<2x8x8x129xf32, #tpu.memory_space<vmem>> -> memref<1x8x8x129xf32, #tpu.memory_space<vmem>>
        %parallel_loop3A_630 = tpu.memref_squeeze %parallel_loop3A_629 : memref<1x8x8x129xf32, #tpu.memory_space<vmem>> -> memref<8x8x129xf32, #tpu.memory_space<vmem>>
        tpu.vector_store_idx %parallel_loop3A_630[%select_n3A_102, %select_n3A_197, %parallel_loop3A_597], %parallel_loop3A_625 : memref<8x8x129xf32, #tpu.memory_space<vmem>>[vector<16xi32>, vector<16xi32>, vector<16xi32>], vector<16xf32>,
        %parallel_loop3A_631 = arith.constant 128 : i32
        %parallel_loop3A_632 = arith.addi %parallel_loop3A_631, %parallel_loop3A_596 : i32
        %parallel_loop3A_633 = arith.index_cast %parallel_loop3A_632 : i32 to index
        %parallel_loop3A_634 = arith.constant 48 : index
        %parallel_loop3A_635 = tpu.vector_load %arg10[%parallel_loop3A_633, %parallel_loop3A_634] {strides = array<i32>} : memref<256x64xf32, #tpu.memory_space<vmem>>, vector<16xf32>,
        %parallel_loop3A_636 = arith.addf %parallel_loop3A_635, %get3A_543 : vector<16xf32>
        %parallel_loop3A_637 = arith.constant 0 : i32
        %parallel_loop3A_638 = arith.constant 0 : i32
        %parallel_loop3A_639 = arith.constant 0 : i32
        %parallel_loop3A_640 = tpu.memref_slice %arg12[%parallel_loop3A_547, %parallel_loop3A_637, %parallel_loop3A_638, %parallel_loop3A_639] : memref<2x8x8x129xf32, #tpu.memory_space<vmem>> -> memref<1x8x8x129xf32, #tpu.memory_space<vmem>>
        %parallel_loop3A_641 = tpu.memref_squeeze %parallel_loop3A_640 : memref<1x8x8x129xf32, #tpu.memory_space<vmem>> -> memref<8x8x129xf32, #tpu.memory_space<vmem>>
        tpu.vector_store_idx %parallel_loop3A_641[%select_n3A_133, %select_n3A_219, %parallel_loop3A_597], %parallel_loop3A_636 : memref<8x8x129xf32, #tpu.memory_space<vmem>>[vector<16xi32>, vector<16xi32>, vector<16xi32>], vector<16xf32>,
      } {sc.loop_unroll_factor = 8 : i64, sc.parallel_access}
      %add3A_548 = arith.constant 2 : i32
      %add3A_549 = arith.addi %mul3A_337, %add3A_548 : i32
      %add3A_550 = arith.constant 0 : i32
      %add3A_551 = arith.addi %add3A_549, %add3A_550 : i32
      %dma_start3A_552 = arith.constant 0 : i32
      %dma_start3A_553 = arith.constant 0 : i32
      %dma_start3A_554 = arith.constant 0 : i32
      %dma_start3A_555 = arith.constant 0 : i32
      %dma_start3A_556 = tpu.memref_slice %arg12[%dma_start3A_552, %dma_start3A_553, %dma_start3A_554, %dma_start3A_555] : memref<2x8x8x129xf32, #tpu.memory_space<vmem>> -> memref<1x8x8x128xf32, #tpu.memory_space<vmem>>
      %dma_start3A_557 = tpu.memref_squeeze %dma_start3A_556 : memref<1x8x8x128xf32, #tpu.memory_space<vmem>> -> memref<8x8x128xf32, #tpu.memory_space<vmem>>
      %dma_start3A_558 = arith.constant 0 : i32
      %dma_start3A_559 = arith.constant 0 : i32
      %dma_start3A_560 = arith.constant 0 : i32
      %dma_start3A_561 = tpu.memref_slice %arg5[%add3A_551, %dma_start3A_558, %add3A, %dma_start3A_559, %dma_start3A_560] : memref<200x8x32x8x128xf32, #tpu.memory_space<hbm>> -> memref<1x8x1x8x128xf32, #tpu.memory_space<hbm>>
      %dma_start3A_562 = tpu.memref_squeeze %dma_start3A_561 : memref<1x8x1x8x128xf32, #tpu.memory_space<hbm>> -> memref<8x8x128xf32, #tpu.memory_space<hbm>>
      %dma_start3A_563 = arith.constant 0 : i32
      %dma_start3A_564 = arith.constant 0 : i32
      %dma_start3A_565 = arith.constant 0 : i32
      %dma_start3A_566 = tpu.memref_slice %arg5[%add3A_551, %dma_start3A_563, %add3A, %dma_start3A_564, %dma_start3A_565] : memref<200x8x32x8x128xf32, #tpu.memory_space<hbm>> -> memref<1x8x1x8x128xf32, #tpu.memory_space<hbm>>
      %dma_start3A_567 = tpu.memref_squeeze %dma_start3A_566 : memref<1x8x1x8x128xf32, #tpu.memory_space<hbm>> -> memref<8x8x128xf32, #tpu.memory_space<hbm>>
      %dma_start3A_568 = arith.constant 0 : i32
      %dma_start3A_569 = arith.constant 0 : i32
      %dma_start3A_570 = arith.constant 0 : i32
      %dma_start3A_571 = tpu.memref_slice %arg12[%dma_start3A_552, %dma_start3A_568, %dma_start3A_569, %dma_start3A_570] : memref<2x8x8x129xf32, #tpu.memory_space<vmem>> -> memref<1x8x8x128xf32, #tpu.memory_space<vmem>>
      %dma_start3A_572 = tpu.memref_squeeze %dma_start3A_571 : memref<1x8x8x128xf32, #tpu.memory_space<vmem>> -> memref<8x8x128xf32, #tpu.memory_space<vmem>>
      tpu.enqueue_dma source(%dma_start3A_572 : memref<8x8x128xf32, #tpu.memory_space<vmem>>) target(%dma_start3A_567 : memref<8x8x128xf32, #tpu.memory_space<hbm>>) target_semaphore(%arg18 : memref<!tpu.dma_semaphore, #tpu.memory_space<semaphore_mem>>)
      %add3A_573 = arith.constant 1 : i32
      %add3A_574 = arith.addi %add3A_549, %add3A_573 : i32
      %dma_start3A_575 = arith.constant 1 : i32
      %dma_start3A_576 = arith.constant 0 : i32
      %dma_start3A_577 = arith.constant 0 : i32
      %dma_start3A_578 = arith.constant 0 : i32
      %dma_start3A_579 = tpu.memref_slice %arg12[%dma_start3A_575, %dma_start3A_576, %dma_start3A_577, %dma_start3A_578] : memref<2x8x8x129xf32, #tpu.memory_space<vmem>> -> memref<1x8x8x128xf32, #tpu.memory_space<vmem>>
      %dma_start3A_580 = tpu.memref_squeeze %dma_start3A_579 : memref<1x8x8x128xf32, #tpu.memory_space<vmem>> -> memref<8x8x128xf32, #tpu.memory_space<vmem>>
      %dma_start3A_581 = arith.constant 0 : i32
      %dma_start3A_582 = arith.constant 0 : i32
      %dma_start3A_583 = arith.constant 0 : i32
      %dma_start3A_584 = tpu.memref_slice %arg5[%add3A_574, %dma_start3A_581, %add3A, %dma_start3A_582, %dma_start3A_583] : memref<200x8x32x8x128xf32, #tpu.memory_space<hbm>> -> memref<1x8x1x8x128xf32, #tpu.memory_space<hbm>>
      %dma_start3A_585 = tpu.memref_squeeze %dma_start3A_584 : memref<1x8x1x8x128xf32, #tpu.memory_space<hbm>> -> memref<8x8x128xf32, #tpu.memory_space<hbm>>
      %dma_start3A_586 = arith.constant 0 : i32
      %dma_start3A_587 = arith.constant 0 : i32
      %dma_start3A_588 = arith.constant 0 : i32
      %dma_start3A_589 = tpu.memref_slice %arg5[%add3A_574, %dma_start3A_586, %add3A, %dma_start3A_587, %dma_start3A_588] : memref<200x8x32x8x128xf32, #tpu.memory_space<hbm>> -> memref<1x8x1x8x128xf32, #tpu.memory_space<hbm>>
      %dma_start3A_590 = tpu.memref_squeeze %dma_start3A_589 : memref<1x8x1x8x128xf32, #tpu.memory_space<hbm>> -> memref<8x8x128xf32, #tpu.memory_space<hbm>>
      %dma_start3A_591 = arith.constant 0 : i32
      %dma_start3A_592 = arith.constant 0 : i32
      %dma_start3A_593 = arith.constant 0 : i32
      %dma_start3A_594 = tpu.memref_slice %arg12[%dma_start3A_575, %dma_start3A_591, %dma_start3A_592, %dma_start3A_593] : memref<2x8x8x129xf32, #tpu.memory_space<vmem>> -> memref<1x8x8x128xf32, #tpu.memory_space<vmem>>
      %dma_start3A_595 = tpu.memref_squeeze %dma_start3A_594 : memref<1x8x8x128xf32, #tpu.memory_space<vmem>> -> memref<8x8x128xf32, #tpu.memory_space<vmem>>
      tpu.enqueue_dma source(%dma_start3A_595 : memref<8x8x128xf32, #tpu.memory_space<vmem>>) target(%dma_start3A_590 : memref<8x8x128xf32, #tpu.memory_space<hbm>>) target_semaphore(%arg18 : memref<!tpu.dma_semaphore, #tpu.memory_space<semaphore_mem>>)
    }
    %scan3A_247 = arith.constant 50 : i32
    %dma_wait3A = arith.constant 0 : i32
    %dma_wait3A_248 = arith.constant 0 : i32
    %dma_wait3A_249 = arith.constant 0 : i32
    %dma_wait3A_250 = arith.constant 0 : i32
    %dma_wait3A_251 = arith.constant 0 : i32
    %dma_wait3A_252 = tpu.memref_slice %arg11[%dma_wait3A, %dma_wait3A_249, %dma_wait3A_250, %dma_wait3A_251] : memref<2x8x8x129xf32, #tpu.memory_space<vmem>> -> memref<1x8x8x128xf32, #tpu.memory_space<vmem>>
    %dma_wait3A_253 = tpu.memref_squeeze %dma_wait3A_252 : memref<1x8x8x128xf32, #tpu.memory_space<vmem>> -> memref<8x8x128xf32, #tpu.memory_space<vmem>>
    %dma_wait3A_254 = arith.constant 0 : i32
    %dma_wait3A_255 = arith.constant 0 : i32
    %dma_wait3A_256 = arith.constant 0 : i32
    %dma_wait3A_257 = tpu.memref_slice %arg5[%dma_wait3A_248, %dma_wait3A_254, %add3A, %dma_wait3A_255, %dma_wait3A_256] : memref<200x8x32x8x128xf32, #tpu.memory_space<hbm>> -> memref<1x8x1x8x128xf32, #tpu.memory_space<hbm>>
    %dma_wait3A_258 = tpu.memref_squeeze %dma_wait3A_257 : memref<1x8x1x8x128xf32, #tpu.memory_space<hbm>> -> memref<8x8x128xf32, #tpu.memory_space<hbm>>
    %dma_wait3A_259 = arith.constant 0 : i32
    %dma_wait3A_260 = arith.constant 0 : i32
    %dma_wait3A_261 = arith.constant 0 : i32
    %dma_wait3A_262 = tpu.memref_slice %arg5[%dma_wait3A_248, %dma_wait3A_259, %add3A, %dma_wait3A_260, %dma_wait3A_261] : memref<200x8x32x8x128xf32, #tpu.memory_space<hbm>> -> memref<1x8x1x8x128xf32, #tpu.memory_space<hbm>>
    %dma_wait3A_263 = tpu.memref_squeeze %dma_wait3A_262 : memref<1x8x1x8x128xf32, #tpu.memory_space<hbm>> -> memref<8x8x128xf32, #tpu.memory_space<hbm>>
    %dma_wait3A_264 = arith.constant 0 : i32
    %dma_wait3A_265 = arith.constant 0 : i32
    %dma_wait3A_266 = arith.constant 0 : i32
    %dma_wait3A_267 = tpu.memref_slice %arg11[%dma_wait3A, %dma_wait3A_264, %dma_wait3A_265, %dma_wait3A_266] : memref<2x8x8x129xf32, #tpu.memory_space<vmem>> -> memref<1x8x8x128xf32, #tpu.memory_space<vmem>>
    %dma_wait3A_268 = tpu.memref_squeeze %dma_wait3A_267 : memref<1x8x8x128xf32, #tpu.memory_space<vmem>> -> memref<8x8x128xf32, #tpu.memory_space<vmem>>
    tpu.wait_dma2 semaphore(%arg17 : memref<!tpu.dma_semaphore, #tpu.memory_space<semaphore_mem>>) src(%dma_wait3A_268 : memref<8x8x128xf32, #tpu.memory_space<vmem>>) dst(%dma_wait3A_263 : memref<8x8x128xf32, #tpu.memory_space<hbm>>)
    %dma_wait3A_269 = arith.constant 1 : i32
    %dma_wait3A_270 = arith.constant 0 : i32
    %dma_wait3A_271 = arith.constant 0 : i32
    %dma_wait3A_272 = arith.constant 0 : i32
    %dma_wait3A_273 = arith.constant 0 : i32
    %dma_wait3A_274 = tpu.memref_slice %arg11[%dma_wait3A_269, %dma_wait3A_271, %dma_wait3A_272, %dma_wait3A_273] : memref<2x8x8x129xf32, #tpu.memory_space<vmem>> -> memref<1x8x8x128xf32, #tpu.memory_space<vmem>>
    %dma_wait3A_275 = tpu.memref_squeeze %dma_wait3A_274 : memref<1x8x8x128xf32, #tpu.memory_space<vmem>> -> memref<8x8x128xf32, #tpu.memory_space<vmem>>
    %dma_wait3A_276 = arith.constant 0 : i32
    %dma_wait3A_277 = arith.constant 0 : i32
    %dma_wait3A_278 = arith.constant 0 : i32
    %dma_wait3A_279 = tpu.memref_slice %arg5[%dma_wait3A_270, %dma_wait3A_276, %add3A, %dma_wait3A_277, %dma_wait3A_278] : memref<200x8x32x8x128xf32, #tpu.memory_space<hbm>> -> memref<1x8x1x8x128xf32, #tpu.memory_space<hbm>>
    %dma_wait3A_280 = tpu.memref_squeeze %dma_wait3A_279 : memref<1x8x1x8x128xf32, #tpu.memory_space<hbm>> -> memref<8x8x128xf32, #tpu.memory_space<hbm>>
    %dma_wait3A_281 = arith.constant 0 : i32
    %dma_wait3A_282 = arith.constant 0 : i32
    %dma_wait3A_283 = arith.constant 0 : i32
    %dma_wait3A_284 = tpu.memref_slice %arg5[%dma_wait3A_270, %dma_wait3A_281, %add3A, %dma_wait3A_282, %dma_wait3A_283] : memref<200x8x32x8x128xf32, #tpu.memory_space<hbm>> -> memref<1x8x1x8x128xf32, #tpu.memory_space<hbm>>
    %dma_wait3A_285 = tpu.memref_squeeze %dma_wait3A_284 : memref<1x8x1x8x128xf32, #tpu.memory_space<hbm>> -> memref<8x8x128xf32, #tpu.memory_space<hbm>>
    %dma_wait3A_286 = arith.constant 0 : i32
    %dma_wait3A_287 = arith.constant 0 : i32
    %dma_wait3A_288 = arith.constant 0 : i32
    %dma_wait3A_289 = tpu.memref_slice %arg11[%dma_wait3A_269, %dma_wait3A_286, %dma_wait3A_287, %dma_wait3A_288] : memref<2x8x8x129xf32, #tpu.memory_space<vmem>> -> memref<1x8x8x128xf32, #tpu.memory_space<vmem>>
    %dma_wait3A_290 = tpu.memref_squeeze %dma_wait3A_289 : memref<1x8x8x128xf32, #tpu.memory_space<vmem>> -> memref<8x8x128xf32, #tpu.memory_space<vmem>>
    tpu.wait_dma2 semaphore(%arg17 : memref<!tpu.dma_semaphore, #tpu.memory_space<semaphore_mem>>) src(%dma_wait3A_290 : memref<8x8x128xf32, #tpu.memory_space<vmem>>) dst(%dma_wait3A_285 : memref<8x8x128xf32, #tpu.memory_space<hbm>>)
    %dma_wait3A_291 = arith.constant 0 : i32
    %dma_wait3A_292 = arith.constant 0 : i32
    %dma_wait3A_293 = arith.constant 0 : i32
    %dma_wait3A_294 = arith.constant 0 : i32
    %dma_wait3A_295 = arith.constant 0 : i32
    %dma_wait3A_296 = tpu.memref_slice %arg12[%dma_wait3A_291, %dma_wait3A_293, %dma_wait3A_294, %dma_wait3A_295] : memref<2x8x8x129xf32, #tpu.memory_space<vmem>> -> memref<1x8x8x128xf32, #tpu.memory_space<vmem>>
    %dma_wait3A_297 = tpu.memref_squeeze %dma_wait3A_296 : memref<1x8x8x128xf32, #tpu.memory_space<vmem>> -> memref<8x8x128xf32, #tpu.memory_space<vmem>>
    %dma_wait3A_298 = arith.constant 0 : i32
    %dma_wait3A_299 = arith.constant 0 : i32
    %dma_wait3A_300 = arith.constant 0 : i32
    %dma_wait3A_301 = tpu.memref_slice %arg5[%dma_wait3A_292, %dma_wait3A_298, %add3A, %dma_wait3A_299, %dma_wait3A_300] : memref<200x8x32x8x128xf32, #tpu.memory_space<hbm>> -> memref<1x8x1x8x128xf32, #tpu.memory_space<hbm>>
    %dma_wait3A_302 = tpu.memref_squeeze %dma_wait3A_301 : memref<1x8x1x8x128xf32, #tpu.memory_space<hbm>> -> memref<8x8x128xf32, #tpu.memory_space<hbm>>
    %dma_wait3A_303 = arith.constant 0 : i32
    %dma_wait3A_304 = arith.constant 0 : i32
    %dma_wait3A_305 = arith.constant 0 : i32
    %dma_wait3A_306 = tpu.memref_slice %arg5[%dma_wait3A_292, %dma_wait3A_303, %add3A, %dma_wait3A_304, %dma_wait3A_305] : memref<200x8x32x8x128xf32, #tpu.memory_space<hbm>> -> memref<1x8x1x8x128xf32, #tpu.memory_space<hbm>>
    %dma_wait3A_307 = tpu.memref_squeeze %dma_wait3A_306 : memref<1x8x1x8x128xf32, #tpu.memory_space<hbm>> -> memref<8x8x128xf32, #tpu.memory_space<hbm>>
    %dma_wait3A_308 = arith.constant 0 : i32
    %dma_wait3A_309 = arith.constant 0 : i32
    %dma_wait3A_310 = arith.constant 0 : i32
    %dma_wait3A_311 = tpu.memref_slice %arg12[%dma_wait3A_291, %dma_wait3A_308, %dma_wait3A_309, %dma_wait3A_310] : memref<2x8x8x129xf32, #tpu.memory_space<vmem>> -> memref<1x8x8x128xf32, #tpu.memory_space<vmem>>
    %dma_wait3A_312 = tpu.memref_squeeze %dma_wait3A_311 : memref<1x8x8x128xf32, #tpu.memory_space<vmem>> -> memref<8x8x128xf32, #tpu.memory_space<vmem>>
    tpu.wait_dma2 semaphore(%arg18 : memref<!tpu.dma_semaphore, #tpu.memory_space<semaphore_mem>>) src(%dma_wait3A_312 : memref<8x8x128xf32, #tpu.memory_space<vmem>>) dst(%dma_wait3A_307 : memref<8x8x128xf32, #tpu.memory_space<hbm>>)
    %dma_wait3A_313 = arith.constant 1 : i32
    %dma_wait3A_314 = arith.constant 0 : i32
    %dma_wait3A_315 = arith.constant 0 : i32
    %dma_wait3A_316 = arith.constant 0 : i32
    %dma_wait3A_317 = arith.constant 0 : i32
    %dma_wait3A_318 = tpu.memref_slice %arg12[%dma_wait3A_313, %dma_wait3A_315, %dma_wait3A_316, %dma_wait3A_317] : memref<2x8x8x129xf32, #tpu.memory_space<vmem>> -> memref<1x8x8x128xf32, #tpu.memory_space<vmem>>
    %dma_wait3A_319 = tpu.memref_squeeze %dma_wait3A_318 : memref<1x8x8x128xf32, #tpu.memory_space<vmem>> -> memref<8x8x128xf32, #tpu.memory_space<vmem>>
    %dma_wait3A_320 = arith.constant 0 : i32
    %dma_wait3A_321 = arith.constant 0 : i32
    %dma_wait3A_322 = arith.constant 0 : i32
    %dma_wait3A_323 = tpu.memref_slice %arg5[%dma_wait3A_314, %dma_wait3A_320, %add3A, %dma_wait3A_321, %dma_wait3A_322] : memref<200x8x32x8x128xf32, #tpu.memory_space<hbm>> -> memref<1x8x1x8x128xf32, #tpu.memory_space<hbm>>
    %dma_wait3A_324 = tpu.memref_squeeze %dma_wait3A_323 : memref<1x8x1x8x128xf32, #tpu.memory_space<hbm>> -> memref<8x8x128xf32, #tpu.memory_space<hbm>>
    %dma_wait3A_325 = arith.constant 0 : i32
    %dma_wait3A_326 = arith.constant 0 : i32
    %dma_wait3A_327 = arith.constant 0 : i32
    %dma_wait3A_328 = tpu.memref_slice %arg5[%dma_wait3A_314, %dma_wait3A_325, %add3A, %dma_wait3A_326, %dma_wait3A_327] : memref<200x8x32x8x128xf32, #tpu.memory_space<hbm>> -> memref<1x8x1x8x128xf32, #tpu.memory_space<hbm>>
    %dma_wait3A_329 = tpu.memref_squeeze %dma_wait3A_328 : memref<1x8x1x8x128xf32, #tpu.memory_space<hbm>> -> memref<8x8x128xf32, #tpu.memory_space<hbm>>
    %dma_wait3A_330 = arith.constant 0 : i32
    %dma_wait3A_331 = arith.constant 0 : i32
    %dma_wait3A_332 = arith.constant 0 : i32
    %dma_wait3A_333 = tpu.memref_slice %arg12[%dma_wait3A_313, %dma_wait3A_330, %dma_wait3A_331, %dma_wait3A_332] : memref<2x8x8x129xf32, #tpu.memory_space<vmem>> -> memref<1x8x8x128xf32, #tpu.memory_space<vmem>>
    %dma_wait3A_334 = tpu.memref_squeeze %dma_wait3A_333 : memref<1x8x8x128xf32, #tpu.memory_space<vmem>> -> memref<8x8x128xf32, #tpu.memory_space<vmem>>
    tpu.wait_dma2 semaphore(%arg18 : memref<!tpu.dma_semaphore, #tpu.memory_space<semaphore_mem>>) src(%dma_wait3A_334 : memref<8x8x128xf32, #tpu.memory_space<vmem>>) dst(%dma_wait3A_329 : memref<8x8x128xf32, #tpu.memory_space<hbm>>)
    return
  }
}

</mosaic_0001>

<sc_bundles>
// kernel: _emb.3.cloned.1.call-start
scs
__scs_entry_jumppad:
0x0: {  	(pc) =	sbr.rel $0x88, $3  }
0x1: {  	(tag) =	ssettag $0x0;
	lr =	simm.s32 $0x1  }
0x2: {  	[smem:$0x3F9E] =	sst lr;
	_ =	strace $0xD0000000  }
0x3: {  	_ = 	snop  }
0x4: {  	_ = 	snop  }
0x5: {  	_ = 	snop  }
0x6: {  	_ = 	snop  }
0x7: {  	_ = 	snop  }
__scs_overlays_trampoline_lowered:
0x8: {  	[smem:$0x3FAD] =	sst s0  }
0x9: {  	[smem:$0x3FAE] =	sst s1  }
0xa: {  	[smem:$0x3FAF] =	sst s2  }
0xb: {  	[smem:$0x3FB0] =	sst s3  }
0xc: {  	[smem:$0x3FB1] =	sst s4  }
0xd: {  	[smem:$0x3FB2] =	sst s5  }
0xe: {  	[smem:$0x3FB3] =	sst s6  }
0xf: {  	[smem:$0x3FB4] =	sst s7  }
0x10: {  	[smem:$0x3FB5] =	sst s8  }
0x11: {  	[smem:$0x3FB6] =	sst s9;
	s0 =	simm.s32 @!p0 $0x0  }
0x12: {  	s1 =	sld [smem:$0x3F9C];
	s0 =	simm.s32 @p0 $0x1  }
0x13: {  	[smem:$0x3FB7] =	sst s0;
	s0 =	simm.s32 @!p1 $0x0  }
0x14: {  	s2 =	sld [smem:$0x3F9B];
	s0 =	simm.s32 @p1 $0x1  }
0x15: {  	[smem:$0x3FB8] =	sst s0;
	s0 =	simm.s32 @!p2 $0x0  }
0x16: {  	s3 =	sld [smem:$0x3FDB];
	s0 =	simm.s32 @p2 $0x1  }
0x17: {  	s4 =	simm.s32 $0x1BF5;
	[smem:$0x3FBA] =	sst s0  }
0x18: {  	s0 =	sld [smem:$0x3F9D];
	_ =	swait.ge [sflag:s4], $0x0  }
0x19: {  	s7 =	sld [smem:$0x3F9E]  }
0x1a: {  	s8 =	sadd.s32 $0xFFFFE003, lr  }
0x1b: {  	s9 =	sadd.s32 $0xFFFFFEF7, lr;
	s5 =	simm.s32 $0xFFFFFFFF;
	p2 =	slt.u32 s8, $0xFFFFF086  }
0x1c: {  	p1 =	slt.u32 s9, $0xF7A;
	s5 =	simm.s32 @!p2 $0x0  }
0x1d: {  	s5 =	simm.s32 @p1 $0x1;
	p0 =	seq.s32 s7, s2  }
0x1e: {  	s7 =	smul.u32 @!p0 $0xF7A, s2;
	p2 =	seq.s32 @!p0 s5, $0x0  }
0x1f: {  	s9 =	smul.u32 $0xF7A, s1;
	s8 =	simm.s32 @!p0 $0x1BF5;
	p2 =	por !p2, p0  }
0x20: {  	[sflag:s8] =	ssyncset.s32 @!p0 $0xFFFFF086;
	s6 =	sadd.s32 @!p0 s3, s7;
	s7 =	simm.s32 @!p0 $0x108  }
0x21: {  	s3 =	sadd.s32 s3, s9;
	s6 =	sadd.s32 @!p0 $0x88, s6;
	s7 =	simm.s32 @p2 $0x1082  }
0x22: {  	[simem:s7], [sflag:s8] =	dma.local @!p0 [hbm:s6], $0xF7A  }
0x23: {  	s9 =	sor.u32 $0xD0000000, s2;
	s6 =	simm.s32 $0x108;
	_ =	swait.ge @!p0 [sflag:s8], $0x0  }
0x24: {  	s3 =	sadd.s32 $0x88, s3;
	s6 =	simm.s32 @!p1 $0x1082;
	[sflag:s4] =	ssyncset.s32 $0xFFFFF086  }
0x25: {  	[simem:s6], [sflag:s4] =	dma.local [hbm:s3], $0xF7A  }
0x26: {  	[smem:$0x3F9E] =	sst s1;
	(tag) =	ssettag s2;
	_ =	strace s9  }
0x27: {  	s1 =	sld [smem:$0x3FAE]  }
0x28: {  	s2 =	sld [smem:$0x3FAF]  }
0x29: {  	s4 =	sld [smem:$0x3FB1]  }
0x2a: {  	p0 =	seq.s32 s5, $0x0;
	s5 =	sld [smem:$0x3FB2]  }
0x2b: {  	s6 =	sld [smem:$0x3FB3]  }
0x2c: {  	s7 =	sld [smem:$0x3FB4]  }
0x2d: {  	s3 =	simm.s32 $0x108;
	s8 =	sld [smem:$0x3FB5]  }
0x2e: {  	s3 =	simm.s32 @!p0 $0x1082;
	s9 =	sld [smem:$0x3FB6]  }
0x2f: {  	lr =	sadd.s32 s0, s3;
	s0 =	sld [smem:$0x3FAD]  }
0x30: {  	s3 =	sld [smem:$0x3FB0]  }
0x31: {  	[smem:$0x3FB9] =	sst s10  }
0x32: {  	s10 =	sld [smem:$0x3FB7];
	_ =	sdelay $0x3  }
0x33: {  	p0 =	seq.s32 s10, $0x1;
	s10 =	sld [smem:$0x3FB9];
	_ =	sdelay $0x3  }
0x34: {  	[smem:$0x3FB9] =	sst s10  }
0x35: {  	s10 =	sld [smem:$0x3FB8];
	_ =	sdelay $0x3  }
0x36: {  	p1 =	seq.s32 s10, $0x1;
	s10 =	sld [smem:$0x3FB9];
	_ =	sdelay $0x3  }
0x37: {  	[smem:$0x3FB9] =	sst s10  }
0x38: {  	s10 =	sld [smem:$0x3FBA]  }
0x39: {  	_ = 	snop;
	(pc) =	sbr.ind lr, $3  }
0x3a: {  	_ = 	snop  }
0x3b: {  	_ = 	snop  }
0x3c: {  	p2 =	seq.s32 s10, $0x1;
	s10 =	sld [smem:$0x3FB9]  }
0x3d: {  	_ =	shalt  }
0x3e: {  	_ =	shalt  }
0x3f: {  	_ =	shalt  }
0x40: {  	_ =	shalt  }
0x41: {  	_ =	shalt  }
0x42: {  	_ =	shalt  }
0x43: {  	_ =	shalt  }
0x44: {  	_ =	shalt  }
0x45: {  	_ =	shalt  }
0x46: {  	_ =	shalt  }
0x47: {  	_ =	shalt  }
0x48: {  	_ =	shalt  }
0x49: {  	_ =	shalt  }
0x4a: {  	_ =	shalt  }
0x4b: {  	_ =	shalt  }
0x4c: {  	_ =	shalt  }
0x4d: {  	_ =	shalt  }
0x4e: {  	_ =	shalt  }
0x4f: {  	_ =	shalt  }
0x50: {  	_ =	shalt  }
0x51: {  	_ =	shalt  }
0x52: {  	_ =	shalt  }
0x53: {  	_ =	shalt  }
0x54: {  	_ =	shalt  }
0x55: {  	_ =	shalt  }
0x56: {  	_ =	shalt  }
0x57: {  	_ =	shalt  }
0x58: {  	_ =	shalt  }
0x59: {  	_ =	shalt  }
0x5a: {  	_ =	shalt  }
0x5b: {  	_ =	shalt  }
0x5c: {  	_ =	shalt  }
0x5d: {  	_ =	shalt  }
0x5e: {  	_ =	shalt  }
0x5f: {  	_ =	shalt  }
0x60: {  	_ =	shalt  }
0x61: {  	_ =	shalt  }
0x62: {  	_ =	shalt  }
0x63: {  	_ =	shalt  }
0x64: {  	_ =	shalt  }
0x65: {  	_ =	shalt  }
0x66: {  	_ =	shalt  }
0x67: {  	_ =	shalt  }
0x68: {  	_ =	shalt  }
0x69: {  	_ =	shalt  }
0x6a: {  	_ =	shalt  }
0x6b: {  	_ =	shalt  }
0x6c: {  	_ =	shalt  }
0x6d: {  	_ =	shalt  }
0x6e: {  	_ =	shalt  }
0x6f: {  	_ =	shalt  }
0x70: {  	_ =	shalt  }
0x71: {  	_ =	shalt  }
0x72: {  	_ =	shalt  }
0x73: {  	_ =	shalt  }
0x74: {  	_ =	shalt  }
0x75: {  	_ =	shalt  }
0x76: {  	_ =	shalt  }
0x77: {  	_ =	shalt  }
0x78: {  	_ =	shalt  }
0x79: {  	_ =	shalt  }
0x7a: {  	_ =	shalt  }
0x7b: {  	_ =	shalt  }
0x7c: {  	_ =	shalt  }
0x7d: {  	_ =	shalt  }
0x7e: {  	_ =	shalt  }
0x7f: {  	_ =	shalt  }
0x80: {  	_ =	shalt  }
0x81: {  	_ =	shalt  }
0x82: {  	_ =	shalt  }
0x83: {  	_ =	shalt  }
0x84: {  	_ =	shalt  }
0x85: {  	_ =	shalt  }
0x86: {  	_ =	shalt  }
0x87: {  	_ =	shalt  }
.Lfunc_end0:
.L_simem_size_0:
called_computation_lowered:
.L_overlay_start_0:
0x88: {  	s2 =	sld [smem:$0x3FD9]  }
0x89: {  	s3 =	sld [smem:$0x3FFE];
	_ =	sdelay $0x1  }
0x8a: {  	s1 =	srdreg.scid  }
0x8b: {  	s0 =	sand.u32 $0x1, s1  }
0x8c: {  	s17 =	sshll.u32 s0, $0xA;
	s2 =	sadd.s32 s3, s2  }
0x8d: {  	s2 =	sadd.s32 s2, s17  }
0x8e: {  	[smem:$0x3FC5] =	sst s2  }
0x8f: {  	_ = 	snop  }
0x90: {  	s2 =	sld [smem:$0x3FD0];
	(tm) =	ssettm $0x1  }
0x91: {  	s18 =	sld [smem:$0x3FFB];
	_ =	sdelay $0x3  }
0x92: {  	_ =	strace s18  }
0x93: {  	s3 =	sld [smem:$0x3FFC];
	_ =	sdelay $0x3  }
0x94: {  	_ =	strace s3  }
0x95: {  	s3 =	sld [smem:$0x3FFD];
	_ =	sdelay $0x3  }
0x96: {  	_ =	strace s3  }
0x97: {  	_ =	strace $0x8FFFFFFF  }
0x98: {  	s19 =	sld [smem:$0x3FDB];
	_ =	sdelay $0x1  }
0x99: {  	s4 =	simm.s32 $_scs_section_size  }
0x9a: {  	s5 =	simm.s32 $_size__tile_overlayer_lowered;
	s6 =	simm.s32 $_tile_overlayer_lowered  }
0x9b: {  	s22 =	simm.s32 $0x1BFF;
	s21 =	sshll.u32 s6, $0x1;
	s3 =	sadd.s32 s4, s19  }
0x9c: {  	s7 =	simm.s32 $0x0;
	s20 =	sshll.u32 s5, $0x1;
	s5 =	sadd.s32 s21, s3  }
0x9d: {  	[timem:s7], [sflag:s22] =	dma.local [hbm:s5], s20  }
0x9e: {  	_ =	swait.ge [sflag:s22], s20  }
0x9f: {  	s4 =	ssub.s32 $0x0, s20;
	[sflag:s22] =	ssyncset.done $0x0  }
0xa0: {  	[sflag:s22] =	ssyncadd.s32 s4;
	_ =	sdelay $0x1  }
0xa1: {  	s23 =	simm.s32 $0x1B8B  }
0xa2: {  	_ =	swait.ge [sflag:s23], $0x1  }
0xa3: {  	[sflag:s23] =	ssyncset.done $0x0  }
0xa4: {  	s25 =	simm.s32 $0x1B8E;
	s24 =	sld [smem:$0x3FFE];
	[sflag:s23] =	ssyncadd.s32 $0xFFFFFFFF  }
0xa5: {  	s26 =	simm.s32 $execute0_lowered;
	[smem:$0x3FD2] =	sst s25  }
0xa6: {  	s5 =	sshll.u32 s26, $0x1;
	_ =	strace $0x80000046;
	[dreg:$0x1] =	wrdreg $0xFFFFFFFF  }
0xa7: {  	s28 =	simm.s32 $_size_execute0_lowered;
	s3 =	sadd.s32 s3, s5;
	[dreg:$0x0] =	wrdreg $0x0  }
0xa8: {  	s5 =	sshll.u32 s28, $0x1;
	[dreg:$0x2] =	wrdreg s3  }
0xa9: {  	[dreg:$0x3] =	wrdreg s5  }
0xaa: {  	[dreg:$0x4] =	wrdreg $0xC0  }
0xab: {  	_ =	task [dreg:s7], $0x5FFFF  }
0xac: {  	[dreg:$0x1] =	wrdreg $0xFFFFFFFF  }
0xad: {  	[dreg:$0x0] =	wrdreg $0x60  }
0xae: {  	[dreg:$0x2] =	wrdreg s24  }
0xaf: {  	[dreg:$0x3] =	wrdreg s2  }
0xb0: {  	[dreg:$0x4] =	wrdreg $0x9  }
0xb1: {  	_ =	task.clear_ibuf [dreg:s7], $0x5FFFF;
	_ =	strace $0x90000046  }
0xb2: {  	s29 =	simm.s32 $0x9;
	_ =	strace $0x80000048  }
0xb3: {  	_ =	swait.ge [sflag:s29], $0x1  }
0xb4: {  	[sflag:s29] =	ssyncadd.s32 $0xFFFFFFFF  }
0xb5: {  	_ =	strace $0x90000048  }
0xb6: {  	_ =	sfence  }
0xb7: {  	s30 =	sld [smem:$0x0];
	_ =	sdelay $0x2  }
0xb8: {  	s31 =	sshll.u32 s1, $0xD;
	s1 =	sshrl.u32 s1, $0x2  }
0xb9: {  	s3 =	sand.u32 $0x4000, s31;
	s1 =	sadd.s32 s1, s30  }
0xba: {  	s0 =	sor.u32 s3, s0;
	s1 =	sshll.u32 s1, $0x11  }
0xbb: {  	s0 =	sor.u32 s1, s0  }
0xbc: {  	s0 =	sadd.s32 $0x8F2B, s0  }
0xbd: {  	[sflag:s0] =	ssyncadd.remote.s32 $0x1  }
0xbe: {  	_ =	sfence.sel $0xFFFF  }
0xbf: {  	[dreg:$0x0] =	wrdreg $0xFFFFFFFF;
	(pc) =	sbr.abs _section_cstart, $3  }
0xc0: {  	[dreg:$0x1] =	wrdreg $0xFFFFFFFF  }
0xc1: {  	_ =	task.clear_ibuf [dreg:s7], $0x2FFFF;
	_ =	strace $0x9FFFFFFF  }
0xc2: {  	(tm) =	ssettm $0x7FFFFFFF  }
0xc3: {  	_ =	shalt  }
tec
execute0_lowered:
.L_overlay_start_1:
0x0: {  	(tag) =	ssettag $0x1  }
0x1: {  	v0 =	vlaneseq.u32  }
0x2: {  	s0 =	rddreg [dreg:$0x0];
	s3 =	simm.s32 $0x0;
	v25 =	vmul.u32 $0x88, v0  }
0x3: {  	vm0 =	vcmask $0x300;
	[smem:$0x7FF] =	sst s3;
	v0 =	vimm.s32 $0x0  }
0x4: {  	s2 =	rddreg [dreg:$0x1];
	_ =	strace $0x80000047;
	v1 =	vsel vm0, $0x3, v0;
	v0 =	vadd.s32 $0x1980, v25;
	[tilespmem:$0x1FFD0] =	vst v25  }
0x5: {  	v20 =	vadd.s32 $0x1100, v25;
	[tilespmem:$0x1FE00] =	vst v0  }
0x6: {  	v63 =	vadd.s32 $0x1982, v25;
	[tilespmem:$0x1FEA0] =	vst v20  }
0x7: {  	v31 =	vadd.s32 $0x881, v25;
	[tilespmem:$0x1FEB0] =	vst v63  }
0x8: {  	v19 =	vadd.s32 $0x1101, v25;
	[tilespmem:$0x1FEC0] =	vst v31  }
0x9: {  	v53 =	vor.u32 $0x4, v25;
	[tilespmem:$0x1FED0] =	vst v19  }
0xa: {  	v45 =	vadd.s32 $0x883, v25;
	[tilespmem:$0x1FEE0] =	vst v53  }
0xb: {  	v51 =	vadd.s32 $0x885, v25;
	[tilespmem:$0x1FEF0] =	vst v45  }
0xc: {  	v47 =	vadd.s32 $0x1102, v25;
	[tilespmem:$0x1FF00] =	vst v51  }
0xd: {  	v58 =	vadd.s32 $0x1105, v25;
	[tilespmem:$0x1FF10] =	vst v47  }
0xe: {  	v59 =	vor.u32 $0x6, v25;
	[tilespmem:$0x1FF20] =	vst v58  }
0xf: {  	v24 =	vor.u32 $0x1, v25;
	[tilespmem:$0x1FF30] =	vst v59  }
0x10: {  	v22 =	vadd.s32 $0x1981, v25;
	[tilespmem:$0x1FF40] =	vst v24  }
0x11: {  	v60 =	vadd.s32 $0x1103, v25;
	[tilespmem:$0x1FF50] =	vst v22  }
0x12: {  	v61 =	vor.u32 $0x3, v25;
	[tilespmem:$0x1FF60] =	vst v60  }
0x13: {  	v62 =	vadd.s32 $0x884, v25;
	[tilespmem:$0x1FF70] =	vst v61  }
0x14: {  	v57 =	vor.u32 $0x2, v25;
	[tilespmem:$0x1FF80] =	vst v62  }
0x15: {  	v49 =	vadd.s32 $0x1104, v25;
	[tilespmem:$0x1FF90] =	vst v57  }
0x16: {  	v30 =	vor.u32 $0x5, v25;
	[tilespmem:$0x1FFA0] =	vst v49  }
0x17: {  	v54 =	vor.u32 $0x7, v25;
	[tilespmem:$0x1FFB0] =	vst v30  }
0x18: {  	s1 =	srdreg.scid;
	s4 =	stileid.u32;
	v26 =	vadd.s32 $0x882, v25;
	[tilespmem:$0x1FFC0] =	vst v54  }
0x19: {  	s14 =	simm.s32 $0x80;
	s21 =	simm.s32 $0x8;
	s28 =	simm.s32 $0x2;
	v28 =	vadd.s32 $0x880, v25;
	[tilespmem:$0x1FFE0] =	vst v26  }
0x1a: {  	s29 =	simm.s32 $0xD600;
	s30 =	simm.s32 $0x3;
	s31 =	simm.s32 $0xF800;
	v0 =	vadd.s32 $0x1983, v25;
	[tilespmem:$0x1FFF0] =	vst v28  }
0x1b: {  	s18 =	simm.s32 $0x6;
	s1 =	sand.u32 $0x1, s1;
	s5 =	sshll.u32 s4, $0x1;
	[tilespmem:$0x1FE10] =	vst v0;
	v0 =	vadd.s32 $0x1984, v25  }
0x1c: {  	s4 =	sadd.s32 $0x19C00, s0;
	s6 =	sor.u32 s1, s5;
	s5 =	sadd.s32 $0xC00, s0;
	[tilespmem:$0x1FE20] =	vst v0;
	v0 =	vadd.s32 $0x1985, v25  }
0x1d: {  	s1 =	ssub.s32 $0x2, s1;
	s0 =	sadd.s32 $0x400, s0;
	s7 =	sshll.u32 s6, $0x4;
	[tilespmem:$0x1FE30] =	vst v0;
	v0 =	vadd.s32 $0x886, v25  }
0x1e: {  	[dreg:$0x3] =	wrdreg s0;
	s25 =	sshrl.u32 s1, $0x1;
	s26 =	sshll.u32 s6, $0x7;
	[tilespmem:$0x1FE40] =	vst v0;
	v0 =	vadd.s32 $0x1106, v25  }
0x1f: {  	s11 =	sshll.u32 s6, $0xA;
	s7 =	sadd.s32 s5, s7;
	s0 =	ssub.s32 s1, s25;
	[tilespmem:$0x1FE50] =	vst v0;
	v0 =	vadd.s32 $0x1986, v25  }
0x20: {  	s9 =	sor.u32 $0x4000, s26;
	s10 =	sor.u32 $0x6000, s26;
	s25 =	simm.s32 $0x1;
	[tilespmem:$0x1FE60] =	vst v0;
	v0 =	vadd.s32 $0x887, v25  }
0x21: {  	s26 =	simm.s32 $0xB400;
	[dreg:$0x4] =	wrdreg s7;
	s7 =	sadd.s32 $0x400, s7;
	[tilespmem:$0x1FE70] =	vst v0;
	v0 =	vadd.s32 $0x1107, v25  }
0x22: {  	s1 =	simm.s32 $0x11A00;
	s0 =	smax.u32 s0, $0x1;
	[dreg:$0x5] =	wrdreg s7;
	[tilespmem:$0x1FE80] =	vst v0;
	v0 =	vadd.s32 $0x1987, v25  }
0x23: {  	[dreg:$0x6] =	wrdreg s0;
	s0 =	simm.s32 $0x4;
	s7 =	simm.s32 $0x0;
	[tilespmem:$0x1FE90] =	vst v0  }
.LBB2_1:
0x24: {  	[dreg:$0x7] =	wrdreg s7  }
0x25: {  	s6 =	rddreg [dreg:$0x3];
	s16 =	simm.s32 $0x9  }
0x26: {  	[tilespmem:s3], [sflag:$0x9] =	stream.linear.gather [hbm4b:s6+s3], $0x3200, $0x38;
	[tilespmem:$0x13C00] =	vst v63  }
0x27: {  	_ =	swait.ge [sflag:s16], $0x3200  }
0x28: {  	s8 =	simm.s32 $0x1000;
	[sflag:s16] =	ssyncset.done $0x0  }
0x29: {  	s12 =	simm.s32 $0x3200;
	s17 =	rddreg [dreg:$0x4];
	[sflag:s16] =	ssyncadd.s32 $0xFFFFCE00  }
0x2a: {  	[tilespmem:s12], [sflag:$0x9] =	stream.strided.gather [hbm4b:s17+s14], $0x100, s8, s14, $0x38;
	[tilespmem:$0x13C00] =	vst v63  }
0x2b: {  	_ =	swait.ge [sflag:s16], $0x100  }
0x2c: {  	[sflag:s16] =	ssyncset.done $0x0  }
0x2d: {  	s19 =	simm.s32 $0x3400;
	[sflag:s16] =	ssyncadd.s32 $0xFFFFFF00  }
0x2e: {  	[tilespmem:s19], [sflag:$0x1] =	stream.indirect.gather [hbm4b:s4+s14], $0x40, s12, s14, $0xb8;
	[tilespmem:$0x13C00] =	vst v63  }
0x2f: {  	s20 =	simm.s32 $0x3280;
	s22 =	simm.s32 $0x5400  }
0x30: {  	[tilespmem:s22], [sflag:$0x2] =	stream.indirect.gather [hbm4b:s4+s14], $0x40, s20, s14, $0xb8;
	[tilespmem:$0x13C00] =	vst v63  }
0x31: {  	s24 =	simm.s32 $0x3300;
	s15 =	simm.s32 $0x0;
	s23 =	rddreg [dreg:$0x5]  }
0x32: {  	[tilespmem:s24], [sflag:$0x8] =	stream.strided.gather [hbm4b:s23+s14], $0x100, s8, s14, $0x38;
	[tilespmem:$0x13C00] =	vst v63  }
.LBB2_2:
0x33: {  	_ =	swait.ge [sflag:s21], $0x100  }
0x34: {  	s6 =	simm.s32 $0x3300;
	[sflag:s21] =	ssyncset.done $0x0  }
0x35: {  	s7 =	simm.s32 $0x7400;
	p0 =	seq.s32 s15, $0x0;
	[sflag:s21] =	ssyncadd.s32 $0xFFFFFF00  }
0x36: {  	[tilespmem:s7], [sflag:$0x3] =	stream.indirect.gather [hbm4b:s4+s14], $0x40, s6, s14, $0xb8;
	[tilespmem:$0x13C00] =	vst v63  }
0x37: {  	s17 =	simm.s32 $0x3380;
	s19 =	simm.s32 $0x9400;
	s6 =	simm.s32 @!p0 $0x5  }
0x38: {  	[tilespmem:s19], [sflag:$0x4] =	stream.indirect.gather [hbm4b:s4+s14], $0x40, s17, s14, $0xb8;
	[tilespmem:$0x13C00] =	vst v63  }
0x39: {  	_ =	swait.ge @!p0 [sflag:s6], $0x2000  }
0x3a: {  	[sflag:s6] =	ssyncset.done @!p0 $0x0  }
0x3b: {  	[sflag:s6] =	ssyncadd.s32 @!p0 $0xFFFFE000  }
0x3c: {  	_ =	swait.ge @!p0 [sflag:s6], $0x2000  }
0x3d: {  	[sflag:s6] =	ssyncset.done @!p0 $0x0  }
0x3e: {  	s24 =	simm.s32 $0x1;
	[sflag:s6] =	ssyncadd.s32 @!p0 $0xFFFFE000  }
0x3f: {  	s23 =	simm.s32 $0x4;
	v5 =	vmov s24;
	_ =	swait.ge [sflag:s25], $0x2000  }
0x40: {  	s20 =	sshll.u32 s15, $0x8;
	s8 =	simm.s32 $0x7;
	v3 =	vmov s23;
	v5 =	vshrl.u32 v5, $0x3;
	[sflag:s25] =	ssyncset.done $0x0  }
0x41: {  	s13 =	simm.s32 $0x2;
	v2 =	vmov s8;
	v3 =	vshrl.u32 v3, $0x3;
	v5 =	vshll.u32 v5, v1;
	s6 =	sand.u32 $0x3FFFFF00, s20;
	[sflag:s25] =	ssyncadd.s32 $0xFFFFE000  }
0x42: {  	v6 =	vmov s13;
	s8 =	simm.s32 $0x3;
	s7 =	simm.s32 $0x3500;
	v3 =	vshll.u32 v3, v1;
	v5 =	vbroadcast v5, $0x0;
	v36 =	vld [tilespmem:s6+$0x0]  }
0x43: {  	v6 =	vshrl.u32 v6, $0x3;
	v44 =	vbroadcast v3, $0x0;
	v3 =	vmov s8;
	v7 =	vld [tilespmem:s7+$0x0]  }
0x44: {  	v6 =	vshll.u32 v6, v1;
	v3 =	vshrl.u32 v3, $0x3;
	v11 =	vadd.s32 v22, v5;
	v8 =	vld [tilespmem:s7+$0xFFFFFF40]  }
0x45: {  	v37 =	vbroadcast v6, $0x0;
	v6 =	vadd.s32 v53, v44;
	v3 =	vshll.u32 v3, v1;
	v9 =	vld [tilespmem:s7+$0xFFFFFF80];
	[tilespmem:$0x1FDA0] =	vst v11  }
0x46: {  	s22 =	simm.s32 $0x0;
	v10 =	vadd.s32 v24, v5;
	v56 =	vbroadcast v3, $0x0;
	v11 =	vld [tilespmem:s7+$0xFFFFFFC0]  }
0x47: {  	v0 =	vmov s22;
	v12 =	vadd.s32 v57, v37;
	v35 =	vld [tilespmem:s6+$0x10]  }
0x48: {  	s12 =	simm.s32 $0x5;
	v0 =	vshrl.u32 v0, $0x3;
	v15 =	vadd.s32 v61, v56;
	v34 =	vld [tilespmem:s6+$0x20];
	v7 =	vadd.f32 v7, v36  }
0x49: {  	v4 =	vmov s12;
	v17 =	vshll.u32 v0, v1;
	v33 =	vld [tilespmem:s6+$0x30];
	v0 =	vadd.f32 v8, v36  }
0x4a: {  	v4 =	vshrl.u32 v4, $0x3;
	v3 =	vld [tilespmem:s7+$0xFFFFFF00];
	v9 =	vadd.f32 v9, v36;
	[tilespmem:v6+s26+$0x0] =	vst.idx.msk $0xffff, v7  }
0x4b: {  	v4 =	vshll.u32 v4, v1;
	v13 =	vld [tilespmem:s7+$0xC0];
	[tilespmem:v10+s26+$0x0] =	vst.idx.msk $0xffff, v0;
	v7 =	vadd.f32 v11, v36  }
0x4c: {  	v2 =	vshrl.u32 v2, $0x3;
	v55 =	vbroadcast v4, $0x0;
	[tilespmem:v12+s26+$0x0] =	vst.idx.msk $0xffff, v9;
	v4 =	vld [tilespmem:s7+$0xFFFFFF50]  }
0x4d: {  	s12 =	simm.s32 $0x6;
	v2 =	vshll.u32 v2, v1;
	v10 =	vld [tilespmem:s7+$0xFFFFFF90];
	[tilespmem:v15+s26+$0x0] =	vst.idx.msk $0xffff, v7  }
0x4e: {  	v14 =	vmov s12;
	v50 =	vbroadcast v2, $0x0;
	v32 =	vld [tilespmem:$0x1FE80]  }
0x4f: {  	v16 =	vld [tilespmem:s7+$0x80];
	v8 =	vshrl.u32 v14, $0x3  }
0x50: {  	v29 =	vmovc v54;
	v14 =	vld [tilespmem:s7+$0x40];
	v15 =	vadd.s32 v54, v50;
	v54 =	vbroadcast v17, $0x0;
	v17 =	vadd.s32 v26, v37  }
0x51: {  	v8 =	vshll.u32 v8, v1;
	v0 =	vadd.s32 v60, v56;
	v6 =	vld [tilespmem:s7+$0x10]  }
0x52: {  	v52 =	vbroadcast v8, $0x0;
	v8 =	vadd.f32 v13, v36;
	v13 =	vld [tilespmem:s7+$0xFFFFFFD0];
	[tilespmem:$0x1FDC0] =	vst v0;
	v0 =	vadd.s32 v58, v55  }
0x53: {  	[tilespmem:$0x1FDE0] =	vst v0;
	v39 =	vadd.f32 v4, v35;
	v4 =	vadd.f32 v10, v35;
	v0 =	vadd.s32 v32, v50  }
0x54: {  	v27 =	vld [tilespmem:$0x1FE40];
	[tilespmem:$0x1FDB0] =	vst v0  }
0x55: {  	v18 =	vld [tilespmem:$0x1FE70];
	[tilespmem:v17+s26+$0x0] =	vst.idx.msk $0xffff, v4  }
0x56: {  	v23 =	vmov v45;
	v43 =	vadd.s32 v45, v56;
	v45 =	vadd.s32 v19, v5;
	v19 =	vld [tilespmem:$0x1FE50];
	_ =	sdelay $0x4  }
0x57: {  	s6 =	simm.s32 $0x3700;
	v2 =	vadd.s32 v19, v52  }
0x58: {  	v48 =	vld [tilespmem:s6+$0xFFFFFF40];
	[tilespmem:$0x1FDD0] =	vst v2;
	v2 =	vadd.s32 v20, v54  }
0x59: {  	[tilespmem:$0x1FDF0] =	vst v2  }
0x5a: {  	v2 =	vld [tilespmem:s6+$0x80]  }
0x5b: {  	v21 =	vmovc v47;
	s17 =	simm.s32 $0x9;
	v40 =	vadd.s32 v30, v55;
	v47 =	vadd.s32 v47, v37;
	v7 =	vadd.s32 v59, v52  }
0x5c: {  	v9 =	vadd.s32 v31, v5;
	v12 =	vadd.s32 v51, v55;
	v5 =	vmovc v51;
	v51 =	vmov s17  }
0x5d: {  	v30 =	vmovc v59;
	v3 =	vadd.f32 v3, v36;
	v16 =	vadd.f32 v16, v36;
	v59 =	vshrl.u32 v51, $0x3  }
0x5e: {  	v11 =	vadd.s32 v62, v44;
	v14 =	vadd.f32 v14, v36;
	v51 =	vshll.u32 v59, v1  }
0x5f: {  	v41 =	vadd.s32 v25, v54;
	v46 =	vadd.s32 v28, v54;
	v17 =	vadd.s32 v49, v44;
	v49 =	vld [tilespmem:s7+$0xFFFFFFA0];
	[tilespmem:$0x1FD90] =	vst v2  }
0x60: {  	v63 =	vmovc v28;
	s16 =	simm.s32 $0xF;
	v28 =	vmov v58;
	v51 =	vbroadcast v51, $0x0;
	v38 =	vadd.f32 v6, v35;
	[tilespmem:v7+s26+$0x0] =	vst.idx.msk $0xffff, v16  }
0x61: {  	s19 =	simm.s32 $0xC;
	s20 =	simm.s32 $0xA;
	v58 =	vmov s16;
	v6 =	vmovc v60;
	v42 =	vadd.s32 v27, v52;
	v10 =	vadd.s32 v18, v50;
	v60 =	vld [tilespmem:s6+$0xFFFFFF80];
	[tilespmem:v9+s26+$0x0] =	vst.idx.msk $0xffff, v39  }
0x62: {  	s13 =	simm.s32 $0x8;
	v13 =	vadd.f32 v13, v35;
	v7 =	vmov s19;
	v16 =	vmov s20;
	[tilespmem:v40+s26+$0x0] =	vst.idx.msk $0xffff, v14;
	v59 =	vld [tilespmem:s7+$0x90]  }
0x63: {  	v0 =	vmovc v53;
	v53 =	vmov s13;
	v2 =	vmovc v62;
	[tilespmem:v11+s26+$0x0] =	vst.idx.msk $0xffff, v38;
	v62 =	vld [tilespmem:s6+$0x0];
	v16 =	vshrl.u32 v16, $0x3;
	v7 =	vshrl.u32 v7, $0x3  }
0x64: {  	s23 =	simm.s32 $0xB;
	v38 =	vadd.s32 v22, v51;
	v14 =	vshll.u32 v16, v1;
	v16 =	vld [tilespmem:s7+$0xFFFFFF60];
	v7 =	vshll.u32 v7, v1  }
0x65: {  	[tilespmem:v43+s26+$0x0] =	vst.idx.msk $0xffff, v13;
	v13 =	vshrl.u32 v53, $0x3;
	v22 =	vmov s23;
	v40 =	vbroadcast v7, $0x0;
	v7 =	vld [tilespmem:s6+$0xFFFFFF00]  }
0x66: {  	[tilespmem:v15+s26+$0x0] =	vst.idx.msk $0xffff, v8;
	v43 =	vshrl.u32 v22, $0x3;
	v39 =	vbroadcast v14, $0x0;
	v14 =	vadd.f32 v49, v34  }
0x67: {  	[tilespmem:v41+s26+$0x0] =	vst.idx.msk $0xffff, v3;
	v49 =	vshrl.u32 v58, $0x3;
	v58 =	vadd.s32 v24, v51;
	v15 =	vadd.f32 v59, v35  }
0x68: {  	s24 =	simm.s32 $0xE;
	v11 =	vld [tilespmem:s7+$0x50];
	v22 =	vmovc v63;
	v63 =	vadd.f32 v48, v36;
	v53 =	vadd.s32 v57, v39;
	v8 =	vadd.s32 v0, v40  }
0x69: {  	v57 =	vld [tilespmem:s7+$0xD0];
	v3 =	vadd.f32 v60, v36;
	v16 =	vadd.f32 v16, v34;
	[tilespmem:v42+s26+$0x0] =	vst.idx.msk $0xffff, v15;
	v15 =	vmov s24  }
0x6a: {  	[tilespmem:v47+s26+$0x0] =	vst.idx.msk $0xffff, v14;
	v60 =	vld [tilespmem:s7+$0xFFFFFF10];
	v59 =	vadd.f32 v62, v36;
	v48 =	vadd.f32 v7, v36;
	v15 =	vshrl.u32 v15, $0x3  }
0x6b: {  	[tilespmem:v45+s26+$0x0] =	vst.idx.msk $0xffff, v16;
	v16 =	vld [tilespmem:s7+$0x20];
	v7 =	vshll.u32 v15, v1;
	v15 =	vshll.u32 v43, v1  }
0x6c: {  	v62 =	vld [tilespmem:s6+$0xFFFFFFC0];
	[tilespmem:v58+s26+$0x0] =	vst.idx.msk $0xffff, v63;
	v43 =	vbroadcast v15, $0x0  }
0x6d: {  	v11 =	vadd.f32 v11, v35;
	[tilespmem:v8+s26+$0x0] =	vst.idx.msk $0xffff, v59  }
0x6e: {  	[tilespmem:v53+s26+$0x0] =	vst.idx.msk $0xffff, v3;
	v3 =	vadd.f32 v57, v35;
	v8 =	vadd.s32 v61, v43  }
0x6f: {  	[tilespmem:v12+s26+$0x0] =	vst.idx.msk $0xffff, v11;
	v11 =	vadd.f32 v60, v35  }
0x70: {  	[tilespmem:v10+s26+$0x0] =	vst.idx.msk $0xffff, v3;
	v3 =	vadd.f32 v16, v34  }
0x71: {  	v12 =	vadd.f32 v62, v36;
	v0 =	vld [tilespmem:$0x1FE20];
	[tilespmem:v46+s26+$0x0] =	vst.idx.msk $0xffff, v11  }
0x72: {  	[tilespmem:v17+s26+$0x0] =	vst.idx.msk $0xffff, v3  }
0x73: {  	[tilespmem:v8+s26+$0x0] =	vst.idx.msk $0xffff, v12  }
0x74: {  	v57 =	vadd.s32 v2, v40;
	v2 =	vld [tilespmem:$0x1FD90];
	_ =	sdelay $0x4  }
0x75: {  	v8 =	vadd.f32 v2, v36;
	v2 =	vld [tilespmem:$0x1FE30];
	_ =	sdelay $0x4  }
0x76: {  	v60 =	vadd.s32 v2, v55;
	v2 =	vld [tilespmem:$0x1FDA0]  }
0x77: {  	v41 =	vbroadcast v7, $0x0;
	v7 =	vld [tilespmem:s7+$0xFFFFFF70];
	_ =	sdelay $0x4  }
0x78: {  	v7 =	vadd.f32 v7, v33;
	_ =	sdelay $0x1  }
0x79: {  	[tilespmem:v2+s26+$0x0] =	vst.idx.msk $0xffff, v7  }
0x7a: {  	s22 =	simm.s32 $0xD;
	v46 =	vadd.s32 v6, v43;
	v6 =	vld [tilespmem:$0x1FDB0]  }
0x7b: {  	v9 =	vmov s22;
	v10 =	vld [tilespmem:s7+$0xE0]  }
0x7c: {  	v9 =	vshrl.u32 v9, $0x3  }
0x7d: {  	v9 =	vshll.u32 v9, v1  }
0x7e: {  	v42 =	vbroadcast v9, $0x0;
	v9 =	vld [tilespmem:s7+$0xA0];
	_ =	sdelay $0x1  }
0x7f: {  	v10 =	vadd.f32 v10, v34;
	_ =	sdelay $0x1  }
0x80: {  	[tilespmem:v6+s26+$0x0] =	vst.idx.msk $0xffff, v10  }
0x81: {  	v12 =	vadd.f32 v9, v34;
	v9 =	vld [tilespmem:$0x1FDC0]  }
0x82: {  	v16 =	vld [tilespmem:s7+$0xFFFFFFE0];
	_ =	sdelay $0x4  }
0x83: {  	v2 =	vadd.f32 v16, v34;
	_ =	sdelay $0x1  }
0x84: {  	[tilespmem:v9+s26+$0x0] =	vst.idx.msk $0xffff, v2  }
0x85: {  	v2 =	vld [tilespmem:$0x1FE10];
	_ =	sdelay $0x4  }
0x86: {  	v59 =	vadd.s32 v30, v41;
	v30 =	vmov v2;
	v9 =	vadd.s32 v2, v56;
	v2 =	vld [tilespmem:$0x1FDD0];
	_ =	sdelay $0x2  }
0x87: {  	v47 =	vshll.u32 v49, v1  }
0x88: {  	v45 =	vbroadcast v47, $0x0;
	v47 =	vadd.s32 v5, v42;
	v5 =	vld [tilespmem:s7+$0x30];
	_ =	sdelay $0x3  }
0x89: {  	v11 =	vld [tilespmem:s7+$0x60];
	[tilespmem:v2+s26+$0x0] =	vst.idx.msk $0xffff, v12  }
0x8a: {  	v12 =	vadd.f32 v5, v33;
	v5 =	vld [tilespmem:$0x1FE90];
	_ =	sdelay $0x4  }
0x8b: {  	v58 =	vadd.s32 v27, v41;
	v10 =	vadd.f32 v11, v34;
	v27 =	vmovc v5;
	v11 =	vadd.s32 v5, v50;
	v5 =	vld [tilespmem:$0x1FDE0]  }
0x8c: {  	v4 =	vld [tilespmem:s7+$0xFFFFFFB0]  }
0x8d: {  	v17 =	vld [tilespmem:s6+$0xFFFFFF50];
	_ =	sdelay $0x2  }
0x8e: {  	v14 =	vld [tilespmem:s6+$0x40]  }
0x8f: {  	v15 =	vld [tilespmem:s6+$0x10]  }
0x90: {  	v61 =	vadd.f32 v4, v33;
	v0 =	vadd.s32 v0, v44;
	v4 =	vadd.f32 v17, v35;
	v17 =	vld [tilespmem:s7+$0xFFFFFF20]  }
0x91: {  	v7 =	vld [tilespmem:s6+$0xFFFFFF90];
	[tilespmem:v5+s26+$0x0] =	vst.idx.msk $0xffff, v10  }
0x92: {  	v5 =	vld [tilespmem:$0x1FE60]  }
0x93: {  	v2 =	vld [tilespmem:s7+$0xF0]  }
0x94: {  	v13 =	vshll.u32 v13, v1;
	v49 =	vld [tilespmem:s6+$0xC0]  }
0x95: {  	v44 =	vbroadcast v13, $0x0;
	v13 =	vadd.f32 v15, v35;
	v56 =	vadd.s32 v18, v45;
	v18 =	vld [tilespmem:$0x1FE00];
	[tilespmem:v0+s26+$0x0] =	vst.idx.msk $0xffff, v12  }
0x96: {  	v62 =	vadd.f32 v14, v36;
	v0 =	vld [tilespmem:$0x1FED0]  }
0x97: {  	v14 =	vadd.f32 v7, v35;
	v10 =	vadd.s32 v5, v52;
	v52 =	vld [tilespmem:$0x1FFB0];
	[tilespmem:v57+s26+$0x0] =	vst.idx.msk $0xffff, v13  }
0x98: {  	v7 =	vadd.f32 v17, v34;
	v17 =	vadd.f32 v2, v33;
	v2 =	vld [tilespmem:$0x1FDF0]  }
0x99: {  	v6 =	vld [tilespmem:s6+$0xFFFFFFD0]  }
0x9a: {  	v24 =	vadd.s32 v31, v51;
	_ =	sdelay $0x1  }
0x9b: {  	v49 =	vadd.f32 v49, v36  }
0x9c: {  	v53 =	vadd.s32 v29, v45;
	v63 =	vadd.s32 v23, v43;
	v3 =	vadd.s32 v26, v39  }
0x9d: {  	v55 =	vadd.s32 v25, v44;
	v6 =	vadd.f32 v6, v35;
	v15 =	vld [tilespmem:s7+$0xFFFFFFF0];
	v50 =	vadd.s32 v28, v42  }
0x9e: {  	v12 =	vld [tilespmem:s7+$0xB0];
	v31 =	vmov v5;
	v5 =	vadd.s32 v18, v54;
	v54 =	vadd.s32 v22, v44;
	[tilespmem:v24+s26+$0x0] =	vst.idx.msk $0xffff, v4  }
0x9f: {  	v29 =	vmov v20;
	v0 =	vadd.s32 v0, v51;
	v16 =	vadd.s32 v52, v42;
	[tilespmem:v2+s26+$0x0] =	vst.idx.msk $0xffff, v7;
	v2 =	vld [tilespmem:s7+$0x70]  }
0xa0: {  	s12 =	simm.s32 $0x3900;
	s8 =	simm.s32 $0x10;
	s16 =	sshll.u32 s15, $0x2;
	v28 =	vmovc v18;
	v4 =	vadd.s32 v21, v39;
	v51 =	vadd.s32 v19, v41;
	v52 =	vadd.s32 v32, v45;
	v13 =	vld [tilespmem:s7+$0xFFFFFF30]  }
.LBB2_3:
0xa1: {  	v18 =	vld [tilespmem:s12+$0xFFFFFF40]  }
0xa2: {  	v7 =	vld [tilespmem:$0x1FFA0]  }
0xa3: {  	v21 =	vld [tilespmem:$0x1FEB0]  }
0xa4: {  	[tilespmem:v16+s26+$0x0] =	vst.idx.msk $0xffff, v62;
	v32 =	vld [tilespmem:s12+$0x0]  }
0xa5: {  	v62 =	vld [tilespmem:$0x1FF90];
	[tilespmem:v59+s26+$0x0] =	vst.idx.msk $0xffff, v8  }
0xa6: {  	s17 =	smov.u32 s8;
	[tilespmem:v3+s26+$0x0] =	vst.idx.msk $0xffff, v14;
	v8 =	vld [tilespmem:s12+$0x80]  }
0xa7: {  	s23 =	sadd.s32 $0x2, s17;
	v20 =	vld [tilespmem:s6+$0xFFFFFFA0]  }
0xa8: {  	[tilespmem:v11+s26+$0x0] =	vst.idx.msk $0xffff, v17;
	v17 =	vmov s23;
	v22 =	vld [tilespmem:s12+$0xFFFFFF80];
	v3 =	vadd.f32 v15, v33  }
0xa9: {  	v16 =	vshrl.u32 v17, $0x3;
	v17 =	vld [tilespmem:s6+$0x50];
	v12 =	vadd.f32 v12, v33  }
0xaa: {  	s19 =	sadd.s32 $0x4, s17;
	v13 =	vadd.f32 v13, v33;
	[tilespmem:v9+s26+$0x0] =	vst.idx.msk $0xffff, v3;
	v9 =	vshll.u32 v16, v1;
	v16 =	vld [tilespmem:s6+$0x90]  }
0xab: {  	v14 =	vmov s19;
	[tilespmem:v10+s26+$0x0] =	vst.idx.msk $0xffff, v12;
	v12 =	vld [tilespmem:s6+$0xFFFFFF60]  }
0xac: {  	v10 =	vshrl.u32 v14, $0x3;
	v14 =	vld [tilespmem:$0x1FF40];
	[tilespmem:v5+s26+$0x0] =	vst.idx.msk $0xffff, v13  }
0xad: {  	v5 =	vld [tilespmem:s12+$0xFFFFFF00]  }
0xae: {  	s24 =	sadd.s32 $0x1, s17;
	v21 =	vadd.s32 v21, v37;
	v3 =	vadd.f32 v2, v33;
	[tilespmem:v63+s26+$0x0] =	vst.idx.msk $0xffff, v6;
	v6 =	vld [tilespmem:$0x1FEE0]  }
0xaf: {  	s13 =	sadd.s32 $0x7, s8;
	v11 =	vmov s24;
	[tilespmem:v55+s26+$0x0] =	vst.idx.msk $0xffff, v48;
	v63 =	vld [tilespmem:$0x1FF30]  }
0xb0: {  	v59 =	vmov s17;
	s22 =	sadd.s32 $0x5, s17;
	s7 =	sadd.s32 $0x6, s17;
	s17 =	sadd.s32 $0x3, s17;
	v11 =	vshrl.u32 v11, $0x3;
	[tilespmem:v60+s26+$0x0] =	vst.idx.msk $0xffff, v3;
	v60 =	vld [tilespmem:s6+$0x20]  }
0xb1: {  	v19 =	vmov s13;
	v23 =	vmov s17;
	v2 =	vshll.u32 v11, v1;
	v55 =	vld [tilespmem:s6+$0xFFFFFF10]  }
0xb2: {  	v37 =	vmovc v39;
	v11 =	vshrl.u32 v19, $0x3;
	v13 =	vshrl.u32 v59, $0x3;
	v39 =	vbroadcast v9, $0x0;
	v9 =	vld [tilespmem:s12+$0x40]  }
0xb3: {  	v2 =	vbroadcast v2, $0x0;
	v3 =	vshll.u32 v10, v1;
	v10 =	vadd.f32 v20, v34;
	[tilespmem:v21+s26+$0x0] =	vst.idx.msk $0xffff, v61;
	v61 =	vld [tilespmem:s12+$0xC0]  }
0xb4: {  	v11 =	vshll.u32 v11, v1;
	v21 =	vadd.s32 v62, v39;
	v62 =	vld [tilespmem:$0x1FEC0];
	v12 =	vadd.f32 v12, v34  }
0xb5: {  	v59 =	vshrl.u32 v23, $0x3;
	v20 =	vadd.f32 v32, v36;
	v14 =	vadd.s32 v14, v2;
	[tilespmem:v4+s26+$0x0] =	vst.idx.msk $0xffff, v10;
	v10 =	vld [tilespmem:s12+$0xFFFFFFC0]  }
0xb6: {  	v32 =	vshll.u32 v59, v1;
	v3 =	vbroadcast v3, $0x0;
	v5 =	vadd.f32 v5, v36;
	[tilespmem:v0+s26+$0x0] =	vst.idx.msk $0xffff, v12;
	v0 =	vld [tilespmem:s6+$0xFFFFFFB0]  }
0xb7: {  	v4 =	vadd.f32 v18, v36;
	v18 =	vmov s7;
	v12 =	vadd.f32 v22, v36;
	v22 =	vld [tilespmem:s6+$0xFFFFFF70]  }
0xb8: {  	[tilespmem:v53+s26+$0x0] =	vst.idx.msk $0xffff, v49;
	v6 =	vadd.s32 v6, v3;
	v18 =	vshrl.u32 v18, $0x3;
	v48 =	vmovc v5;
	v5 =	vbroadcast v32, $0x0;
	v32 =	vld [tilespmem:$0x1FFC0]  }
0xb9: {  	v16 =	vadd.f32 v16, v35;
	v18 =	vshll.u32 v18, v1;
	[tilespmem:v21+s26+$0x0] =	vst.idx.msk $0xffff, v12;
	v21 =	vbroadcast v11, $0x0;
	v11 =	vld [tilespmem:$0x1FF80]  }
0xba: {  	v15 =	vmov s22;
	v18 =	vbroadcast v18, $0x0;
	[tilespmem:v14+s26+$0x0] =	vst.idx.msk $0xffff, v4;
	v14 =	vld [tilespmem:$0x1FE20]  }
0xbb: {  	v15 =	vshrl.u32 v15, $0x3;
	[tilespmem:v58+s26+$0x0] =	vst.idx.msk $0xffff, v16;
	v16 =	vld [tilespmem:s6+$0xD0]  }
0xbc: {  	v7 =	vadd.s32 v7, v40;
	v15 =	vshll.u32 v15, v1;
	v59 =	vadd.s32 v63, v18;
	v63 =	vld [tilespmem:$0x1FE30]  }
0xbd: {  	[tilespmem:v6+s26+$0x0] =	vst.idx.msk $0xffff, v20;
	v6 =	vbroadcast v15, $0x0;
	v15 =	vld [tilespmem:s6+$0xA0]  }
0xbe: {  	v17 =	vadd.f32 v17, v35;
	v23 =	vadd.s32 v11, v3;
	v11 =	vld [tilespmem:$0x1FF00]  }
0xbf: {  	v53 =	vadd.s32 v32, v21;
	v32 =	vadd.f32 v60, v34;
	v24 =	vadd.s32 v14, v40;
	v40 =	vmovc v3;
	v3 =	vld [tilespmem:$0x1FF70]  }
0xc0: {  	[tilespmem:v47+s26+$0x0] =	vst.idx.msk $0xffff, v17;
	v12 =	vld [tilespmem:s12+$0x10]  }
0xc1: {  	v16 =	vadd.f32 v16, v35;
	[tilespmem:v7+s26+$0x0] =	vst.idx.msk $0xffff, v32;
	v7 =	vld [tilespmem:s6+$0x60]  }
0xc2: {  	v4 =	vadd.f32 v10, v36;
	v10 =	vld [tilespmem:s6+$0xFFFFFFE0]  }
0xc3: {  	v49 =	vadd.f32 v61, v36;
	[tilespmem:v56+s26+$0x0] =	vst.idx.msk $0xffff, v16;
	v14 =	vld [tilespmem:s12+$0xFFFFFF50];
	v60 =	vadd.s32 v63, v42  }
0xc4: {  	v42 =	vmovc v6;
	v11 =	vadd.s32 v11, v6;
	v6 =	vadd.f32 v22, v33;
	v16 =	vadd.s32 v3, v5;
	v3 =	vld [tilespmem:$0x1FF60]  }
0xc5: {  	v61 =	vadd.f32 v0, v33;
	v0 =	vadd.f32 v15, v34;
	v47 =	vmov v11;
	v11 =	vld [tilespmem:s6+$0x30]  }
0xc6: {  	v20 =	vadd.s32 v62, v2;
	[tilespmem:v38+s26+$0x0] =	vst.idx.msk $0xffff, v6;
	v6 =	vadd.f32 v7, v34;
	v7 =	vld [tilespmem:$0x1FE40]  }
0xc7: {  	v62 =	vadd.f32 v9, v36;
	v9 =	vadd.f32 v55, v35;
	[tilespmem:v51+s26+$0x0] =	vst.idx.msk $0xffff, v0;
	v0 =	vld [tilespmem:$0x1FE70];
	_ =	sdelay $0x1  }
0xc8: {  	[tilespmem:v54+s26+$0x0] =	vst.idx.msk $0xffff, v9;
	v9 =	vadd.s32 v30, v43  }
0xc9: {  	v43 =	vmov v5;
	v10 =	vadd.f32 v10, v34;
	v56 =	vadd.s32 v3, v5;
	[tilespmem:v16+s26+$0x0] =	vst.idx.msk $0xffff, v4;
	v5 =	vld [tilespmem:$0x1FEF0]  }
0xca: {  	v16 =	vld [tilespmem:s12+$0xFFFFFFD0];
	v58 =	vadd.s32 v7, v18;
	v7 =	vadd.f32 v11, v33;
	v11 =	vadd.s32 v27, v45;
	v45 =	vmovc v21  }
0xcb: {  	[tilespmem:v46+s26+$0x0] =	vst.idx.msk $0xffff, v10;
	v46 =	vmov v56;
	v56 =	vadd.s32 v0, v45;
	v0 =	vld [tilespmem:$0x1FFF0]  }
0xcc: {  	v13 =	vshll.u32 v13, v1  }
0xcd: {  	v13 =	vbroadcast v13, $0x0;
	_ =	sdelay $0x1  }
0xce: {  	v57 =	vadd.s32 v29, v44;
	v63 =	vadd.s32 v5, v43;
	v5 =	vadd.s32 v28, v44;
	v44 =	vmovc v13  }
0xcf: {  	v54 =	vadd.s32 v0, v44;
	v0 =	vld [tilespmem:$0x1FFB0];
	_ =	sdelay $0x2  }
0xd0: {  	v17 =	vld [tilespmem:s6+$0xE0]  }
0xd1: {  	v19 =	vld [tilespmem:$0x1FF50]  }
0xd2: {  	[tilespmem:v50+s26+$0x0] =	vst.idx.msk $0xffff, v6;
	v6 =	vadd.f32 v16, v35;
	v16 =	vadd.s32 v0, v42;
	v0 =	vld [tilespmem:$0x1FED0];
	_ =	sdelay $0x1  }
0xd3: {  	v4 =	vld [tilespmem:s6+$0xFFFFFF20]  }
0xd4: {  	v15 =	vadd.f32 v17, v34;
	_ =	sdelay $0x1  }
0xd5: {  	v19 =	vadd.s32 v19, v2;
	[tilespmem:v52+s26+$0x0] =	vst.idx.msk $0xffff, v15;
	v0 =	vadd.s32 v0, v2;
	v2 =	vld [tilespmem:$0x1FF20]  }
0xd6: {  	v55 =	vadd.s32 v25, v13;
	v32 =	vmov v26;
	v17 =	vld [tilespmem:s6+$0xF0]  }
0xd7: {  	v3 =	vadd.s32 v26, v39;
	v26 =	vmovc v25;
	v25 =	vadd.f32 v12, v35;
	v12 =	vld [tilespmem:s12+$0xFFFFFF90];
	v4 =	vadd.f32 v4, v34  }
0xd8: {  	[tilespmem:v24+s26+$0x0] =	vst.idx.msk $0xffff, v7;
	v7 =	vld [tilespmem:$0x1FE50]  }
0xd9: {  	[tilespmem:v57+s26+$0x0] =	vst.idx.msk $0xffff, v4;
	v4 =	vld [tilespmem:$0x1FF10]  }
0xda: {  	p0 =	slt.u32 s8, $0x78;
	v50 =	vadd.s32 v2, v42;
	v2 =	vld [tilespmem:$0x1FE80]  }
.Ltmp0:
0xdb: {  	v22 =	vadd.f32 v14, v35;
	(pc) =	sbr.rel @p0 .LBB2_3-.Ltmp0, $4  }
0xdc: {  	v8 =	vadd.f32 v8, v36;
	v15 =	vld [tilespmem:s6+$0xFFFFFFF0]  }
0xdd: {  	[tilespmem:v20+s26+$0x0] =	vst.idx.msk $0xffff, v22;
	v10 =	vadd.s32 v31, v41;
	v14 =	vadd.f32 v12, v35;
	v12 =	vld [tilespmem:s6+$0xB0]  }
0xde: {  	v38 =	vmovc v19;
	v41 =	vmov v18;
	v17 =	vadd.f32 v17, v33;
	[tilespmem:v23+s26+$0x0] =	vst.idx.msk $0xffff, v25;
	v25 =	vmov v26;
	v13 =	vld [tilespmem:s6+$0xFFFFFF30]  }
0xdf: {  	s8 =	sadd.s32 $0x8, s8;
	v26 =	vmovc v32;
	v51 =	vadd.s32 v7, v41;
	v4 =	vadd.s32 v4, v39;
	v52 =	vadd.s32 v2, v45;
	v2 =	vld [tilespmem:s6+$0x70];
	s6 =	smov.u32 s12;
	s12 =	sadd.s32 $0x200, s12  }
0xe0: {  	_ =	sdelay $0x3  }
0xe1: {  	[tilespmem:v59+s26+$0x0] =	vst.idx.msk $0xffff, v8  }
0xe2: {  	[tilespmem:v3+s26+$0x0] =	vst.idx.msk $0xffff, v14  }
0xe3: {  	[tilespmem:v53+s26+$0x0] =	vst.idx.msk $0xffff, v49  }
0xe4: {  	[tilespmem:v11+s26+$0x0] =	vst.idx.msk $0xffff, v17  }
0xe5: {  	[tilespmem:v16+s26+$0x0] =	vst.idx.msk $0xffff, v62  }
0xe6: {  	v3 =	vadd.f32 v15, v33;
	v62 =	vld [tilespmem:$0x1FEB0]  }
0xe7: {  	v7 =	vld [tilespmem:s6+$0xD0]  }
0xe8: {  	[tilespmem:v9+s26+$0x0] =	vst.idx.msk $0xffff, v3;
	v3 =	vld [tilespmem:s6+$0x90];
	_ =	sdelay $0x1  }
0xe9: {  	[tilespmem:v55+s26+$0x0] =	vst.idx.msk $0xffff, v48;
	v11 =	vadd.f32 v12, v33  }
0xea: {  	[tilespmem:v63+s26+$0x0] =	vst.idx.msk $0xffff, v6;
	v2 =	vadd.f32 v2, v33;
	v8 =	vadd.s32 v62, v37  }
0xeb: {  	[tilespmem:v10+s26+$0x0] =	vst.idx.msk $0xffff, v11;
	v7 =	vadd.f32 v7, v35  }
0xec: {  	[tilespmem:v60+s26+$0x0] =	vst.idx.msk $0xffff, v2;
	v3 =	vadd.f32 v3, v35  }
0xed: {  	[tilespmem:v56+s26+$0x0] =	vst.idx.msk $0xffff, v7  }
0xee: {  	[tilespmem:v58+s26+$0x0] =	vst.idx.msk $0xffff, v3  }
0xef: {  	v9 =	vld [tilespmem:s6+$0x50];
	[tilespmem:v8+s26+$0x0] =	vst.idx.msk $0xffff, v61  }
0xf0: {  	v16 =	vld [tilespmem:$0x1FFA0]  }
0xf1: {  	v2 =	vld [tilespmem:s6+$0xFFFFFF10]  }
0xf2: {  	v8 =	vld [tilespmem:s6+$0xFFFFFF60]  }
0xf3: {  	v7 =	vld [tilespmem:s6+$0x20]  }
0xf4: {  	v6 =	vadd.f32 v9, v35;
	v9 =	vld [tilespmem:s6+$0xE0]  }
0xf5: {  	v10 =	vadd.f32 v13, v33;
	v11 =	vld [tilespmem:s6+$0xFFFFFFE0];
	v3 =	vadd.s32 v16, v40  }
0xf6: {  	v2 =	vadd.f32 v2, v35;
	[tilespmem:v47+s26+$0x0] =	vst.idx.msk $0xffff, v6;
	v6 =	vld [tilespmem:s6+$0xA0]  }
0xf7: {  	[tilespmem:v5+s26+$0x0] =	vst.idx.msk $0xffff, v10;
	v5 =	vadd.f32 v8, v34;
	v8 =	vld [tilespmem:s6+$0x60]  }
0xf8: {  	v10 =	vld [tilespmem:s6+$0xFFFFFFA0];
	v7 =	vadd.f32 v7, v34;
	[tilespmem:v54+s26+$0x0] =	vst.idx.msk $0xffff, v2  }
0xf9: {  	v2 =	vadd.f32 v9, v34;
	[tilespmem:v0+s26+$0x0] =	vst.idx.msk $0xffff, v5;
	v0 =	vld [tilespmem:s6+$0xFFFFFF20]  }
0xfa: {  	[tilespmem:v3+s26+$0x0] =	vst.idx.msk $0xffff, v7;
	v3 =	vadd.f32 v11, v34  }
0xfb: {  	[tilespmem:v52+s26+$0x0] =	vst.idx.msk $0xffff, v2;
	v6 =	vadd.f32 v6, v34;
	v7 =	vadd.s32 v29, v44  }
0xfc: {  	v2 =	vadd.f32 v8, v34;
	[tilespmem:v46+s26+$0x0] =	vst.idx.msk $0xffff, v3  }
0xfd: {  	v8 =	vadd.f32 v10, v34;
	v60 =	vld [tilespmem:$0x1FE20];
	[tilespmem:v51+s26+$0x0] =	vst.idx.msk $0xffff, v6  }
0xfe: {  	v5 =	vld [tilespmem:s6+$0xFFFFFF70];
	v0 =	vadd.f32 v0, v34;
	[tilespmem:v50+s26+$0x0] =	vst.idx.msk $0xffff, v2  }
0xff: {  	v9 =	vld [tilespmem:s6+$0x30];
	[tilespmem:v4+s26+$0x0] =	vst.idx.msk $0xffff, v8  }
0x100: {  	v3 =	vld [tilespmem:s6+$0xF0];
	[tilespmem:v7+s26+$0x0] =	vst.idx.msk $0xffff, v0  }
0x101: {  	v63 =	vld [tilespmem:$0x1FE30]  }
0x102: {  	v11 =	vld [tilespmem:s6+$0xFFFFFFF0];
	v10 =	vadd.s32 v60, v40  }
0x103: {  	v6 =	vadd.s32 v27, v45;
	v2 =	vld [tilespmem:s6+$0xB0]  }
0x104: {  	v4 =	vadd.f32 v5, v33;
	v5 =	vadd.s32 v30, v43;
	v8 =	vld [tilespmem:s6+$0x70]  }
0x105: {  	v13 =	vadd.s32 v31, v41;
	v12 =	vld [tilespmem:s6+$0xFFFFFFB0];
	v9 =	vadd.f32 v9, v33  }
0x106: {  	[tilespmem:v38+s26+$0x0] =	vst.idx.msk $0xffff, v4;
	v4 =	vld [tilespmem:s6+$0xFFFFFF30];
	v3 =	vadd.f32 v3, v33;
	v0 =	vadd.s32 v63, v42  }
0x107: {  	v7 =	vadd.f32 v11, v33;
	[tilespmem:v10+s26+$0x0] =	vst.idx.msk $0xffff, v9;
	v9 =	vadd.s32 v62, v39  }
0x108: {  	[tilespmem:v6+s26+$0x0] =	vst.idx.msk $0xffff, v3;
	v2 =	vadd.f32 v2, v33;
	v10 =	vadd.s32 v28, v44  }
0x109: {  	v3 =	vadd.f32 v8, v33;
	[tilespmem:v5+s26+$0x0] =	vst.idx.msk $0xffff, v7  }
0x10a: {  	v5 =	vadd.f32 v12, v33;
	[tilespmem:v13+s26+$0x0] =	vst.idx.msk $0xffff, v2  }
0x10b: {  	v2 =	vadd.f32 v4, v33;
	[tilespmem:v0+s26+$0x0] =	vst.idx.msk $0xffff, v3  }
0x10c: {  	p0 =	seq.s32 s15, $0x31;
	[tilespmem:v9+s26+$0x0] =	vst.idx.msk $0xffff, v5  }
0x10d: {  	s20 =	simm.s32 $0x0;
	s6 =	sshll.u32 @!p0 s15, $0xE;
	[tilespmem:v10+s26+$0x0] =	vst.idx.msk $0xffff, v2  }
0x10e: {  	s8 =	simm.s32 @!p0 $0x80;
	s7 =	sadd.s32 @!p0 s9, s6;
	_ =	swait.ge [sflag:s28], $0x2000  }
0x10f: {  	s12 =	simm.s32 @!p0 $0x1000;
	s7 =	sshrl.u32 @!p0 s7, $0x3;
	[sflag:s28] =	ssyncset.done $0x0  }
0x110: {  	s13 =	simm.s32 @!p0 $0x3200;
	s7 =	sadd.s32 @!p0 s5, s7;
	[sflag:s28] =	ssyncadd.s32 $0xFFFFE000  }
0x111: {  	[tilespmem:s13], [sflag:$0x7] =	stream.strided.gather @!p0 [hbm4b:s7+s8], $0x100, s12, s8, $0x38;
	[tilespmem:$0x13C00] =	vst v63  }
0x112: {  	v0 =	vmov s20;
	v55 =	vld [tilespmem:$0x1FFC0];
	s8 =	sor.u32 $0x1, s16  }
0x113: {  	s24 =	simm.s32 $0x55F0;
	v0 =	vshrl.u32 v0, $0x3;
	v59 =	vld [tilespmem:$0x1FF90];
	s22 =	sshll.u32 s8, $0x6  }
0x114: {  	v0 =	vshll.u32 v0, $0x3;
	v2 =	vld [tilespmem:s24+$0xFFFFFE10];
	s23 =	sand.u32 $0x3FFFFFC0, s22  }
0x115: {  	v39 =	vbroadcast v0, $0x0;
	v36 =	vld [tilespmem:s23+$0x0]  }
0x116: {  	v23 =	vld [tilespmem:$0x1FEE0]  }
0x117: {  	v0 =	vadd.s32 v25, v39;
	v3 =	vld [tilespmem:s24+$0xFFFFFFD0]  }
0x118: {  	v4 =	vld [tilespmem:s24+$0xFFFFFE90]  }
0x119: {  	v5 =	vld [tilespmem:s24+$0xFFFFFF10]  }
0x11a: {  	v35 =	vld [tilespmem:s23+$0x10];
	v6 =	vadd.s32 v55, v39;
	v2 =	vadd.f32 v2, v36  }
0x11b: {  	v34 =	vld [tilespmem:s23+$0x20];
	v7 =	vadd.s32 v59, v39  }
0x11c: {  	v33 =	vld [tilespmem:s23+$0x30];
	[tilespmem:v0+s29+$0x0] =	vst.idx.msk $0xffff, v2  }
0x11d: {  	v8 =	vadd.s32 v23, v39;
	v0 =	vadd.f32 v3, v36;
	v24 =	vld [tilespmem:$0x1FF40]  }
0x11e: {  	v2 =	vadd.f32 v4, v36  }
0x11f: {  	[tilespmem:v6+s29+$0x0] =	vst.idx.msk $0xffff, v0  }
0x120: {  	v9 =	vld [tilespmem:s24+$0xFFFFFE50];
	v5 =	vadd.f32 v5, v36;
	[tilespmem:v7+s29+$0x0] =	vst.idx.msk $0xffff, v2  }
0x121: {  	v54 =	vld [tilespmem:$0x1FFF0]  }
0x122: {  	v50 =	vld [tilespmem:$0x1FF30];
	[tilespmem:v8+s29+$0x0] =	vst.idx.msk $0xffff, v5;
	v10 =	vadd.s32 v24, v39  }
0x123: {  	v52 =	vld [tilespmem:$0x1FE70]  }
0x124: {  	v3 =	vld [tilespmem:s24+$0xFFFFFE20]  }
0x125: {  	v4 =	vld [tilespmem:s24+$0xFFFFFF90];
	v5 =	vadd.f32 v9, v36  }
0x126: {  	v2 =	vld [tilespmem:s24+$0xFFFFFFE0];
	v0 =	vadd.s32 v54, v39  }
0x127: {  	v7 =	vld [tilespmem:s24+$0xFFFFFEA0];
	v6 =	vadd.s32 v50, v39;
	[tilespmem:v10+s29+$0x0] =	vst.idx.msk $0xffff, v5  }
0x128: {  	v45 =	vmov v28;
	v9 =	vadd.s32 v52, v39;
	v28 =	vld [tilespmem:$0x1FF80]  }
0x129: {  	v12 =	vadd.s32 v26, v39;
	v3 =	vadd.f32 v3, v35;
	v49 =	vld [tilespmem:$0x1FF70]  }
0x12a: {  	v4 =	vadd.f32 v4, v36  }
0x12b: {  	v8 =	vld [tilespmem:s24+$0xFFFFFF20];
	[tilespmem:v0+s29+$0x0] =	vst.idx.msk $0xffff, v3;
	v0 =	vadd.f32 v2, v35  }
0x12c: {  	v11 =	vld [tilespmem:s24+$0xFFFFFED0];
	[tilespmem:v6+s29+$0x0] =	vst.idx.msk $0xffff, v4;
	v2 =	vadd.f32 v7, v35  }
0x12d: {  	[tilespmem:v9+s29+$0x0] =	vst.idx.msk $0xffff, v0;
	v5 =	vadd.s32 v28, v39  }
0x12e: {  	[tilespmem:v12+s29+$0x0] =	vst.idx.msk $0xffff, v2;
	v10 =	vadd.s32 v49, v39  }
0x12f: {  	v41 =	vmov v31;
	v31 =	vld [tilespmem:$0x1FFB0]  }
0x130: {  	s12 =	simm.s32 $0x57F0;
	v13 =	vld [tilespmem:s24+$0xFFFFFF50];
	v0 =	vadd.f32 v8, v35  }
0x131: {  	v18 =	vld [tilespmem:s12+$0xFFFFFF90];
	v2 =	vadd.f32 v11, v36  }
0x132: {  	v3 =	vld [tilespmem:s24+$0xFFFFFE30];
	[tilespmem:v5+s29+$0x0] =	vst.idx.msk $0xffff, v0  }
0x133: {  	v8 =	vld [tilespmem:s24+$0xFFFFFEB0];
	[tilespmem:v10+s29+$0x0] =	vst.idx.msk $0xffff, v2  }
0x134: {  	v7 =	vadd.s32 v31, v39;
	v32 =	vld [tilespmem:$0x1FEF0]  }
0x135: {  	v2 =	vadd.s32 v29, v39;
	v48 =	vld [tilespmem:$0x1FE40]  }
0x136: {  	v46 =	vmov v30;
	v30 =	vld [tilespmem:$0x1FF20]  }
0x137: {  	v56 =	vmov v29;
	v0 =	vadd.f32 v13, v36;
	v29 =	vld [tilespmem:$0x1FF10]  }
0x138: {  	v3 =	vadd.f32 v3, v34;
	v61 =	vld [tilespmem:$0x1FE50]  }
0x139: {  	v57 =	vld [tilespmem:$0x1FEC0];
	[tilespmem:v7+s29+$0x0] =	vst.idx.msk $0xffff, v0  }
0x13a: {  	v5 =	vld [tilespmem:s24+$0xFFFFFF30];
	[tilespmem:v2+s29+$0x0] =	vst.idx.msk $0xffff, v3  }
0x13b: {  	v20 =	vld [tilespmem:$0x1FE80]  }
0x13c: {  	v16 =	vadd.s32 v16, v39;
	v14 =	vld [tilespmem:s24+$0xFFFFFE60]  }
0x13d: {  	s7 =	simm.s32 $0x8;
	v12 =	vld [tilespmem:s24+$0xFFFFFEE0];
	v19 =	vadd.s32 v29, v39  }
0x13e: {  	v15 =	vmov s7;
	v6 =	vld [tilespmem:s24+$0xFFFFFFF0];
	v22 =	vadd.s32 v57, v39  }
0x13f: {  	v15 =	vshrl.u32 v15, $0x3;
	v4 =	vld [tilespmem:s24+$0xFFFFFFA0];
	v9 =	vadd.s32 v32, v39;
	v3 =	vadd.f32 v5, v34  }
0x140: {  	v15 =	vshll.u32 v15, $0x3;
	v8 =	vadd.f32 v8, v34;
	v13 =	vld [tilespmem:s12+$0xFFFFFE50];
	v0 =	vadd.s32 v20, v39  }
0x141: {  	v37 =	vbroadcast v15, $0x0;
	v14 =	vadd.f32 v14, v35;
	v2 =	vld [tilespmem:s12+$0xFFFFFE10];
	[tilespmem:v16+s29+$0x0] =	vst.idx.msk $0xffff, v3  }
0x142: {  	v7 =	vld [tilespmem:s12+$0xFFFFFE90];
	v12 =	vadd.f32 v12, v35;
	[tilespmem:v19+s29+$0x0] =	vst.idx.msk $0xffff, v8  }
0x143: {  	v6 =	vadd.f32 v6, v34;
	v3 =	vadd.s32 v25, v37;
	v47 =	vld [tilespmem:$0x1FED0];
	[tilespmem:v22+s29+$0x0] =	vst.idx.msk $0xffff, v14  }
0x144: {  	v5 =	vld [tilespmem:s12+$0xFFFFFF10];
	[tilespmem:v9+s29+$0x0] =	vst.idx.msk $0xffff, v12;
	v9 =	vadd.s32 v59, v37  }
0x145: {  	v10 =	vadd.s32 v48, v39;
	v12 =	vld [tilespmem:s24+$0xFFFFFE40];
	[tilespmem:v0+s29+$0x0] =	vst.idx.msk $0xffff, v6  }
0x146: {  	v2 =	vadd.f32 v2, v36;
	v8 =	vadd.s32 v24, v37;
	v53 =	vld [tilespmem:$0x1FF00]  }
0x147: {  	v15 =	vld [tilespmem:s12+$0xFFFFFFD0];
	v7 =	vadd.f32 v7, v36;
	v14 =	vadd.s32 v45, v39  }
0x148: {  	v21 =	vld [tilespmem:s12+$0xFFFFFF50];
	[tilespmem:v3+s29+$0x0] =	vst.idx.msk $0xffff, v2;
	v3 =	vadd.f32 v4, v35;
	v4 =	vadd.s32 v23, v37  }
0x149: {  	v13 =	vadd.f32 v13, v36;
	v19 =	vld [tilespmem:s24+$0xFFFFFF60];
	[tilespmem:v9+s29+$0x0] =	vst.idx.msk $0xffff, v7;
	v9 =	vadd.s32 v55, v37  }
0x14a: {  	v6 =	vld [tilespmem:s12+$0xFFFFFED0];
	v12 =	vadd.f32 v12, v33;
	[tilespmem:v10+s29+$0x0] =	vst.idx.msk $0xffff, v3;
	v10 =	vadd.s32 v50, v37  }
0x14b: {  	v5 =	vadd.f32 v5, v36;
	v2 =	vld [tilespmem:s24+$0xFFFFFEF0];
	[tilespmem:v8+s29+$0x0] =	vst.idx.msk $0xffff, v13;
	v0 =	vadd.s32 v53, v39  }
0x14c: {  	v15 =	vadd.f32 v15, v36;
	v8 =	vld [tilespmem:s24+$0xFFFFFEC0];
	[tilespmem:v14+s29+$0x0] =	vst.idx.msk $0xffff, v12  }
0x14d: {  	v7 =	vld [tilespmem:s24+$0xFFFFFE70];
	v12 =	vadd.f32 v18, v36;
	[tilespmem:v4+s29+$0x0] =	vst.idx.msk $0xffff, v5  }
0x14e: {  	v13 =	vadd.f32 v19, v35;
	v3 =	vld [tilespmem:s12+$0xFFFFFE20];
	[tilespmem:v9+s29+$0x0] =	vst.idx.msk $0xffff, v15  }
0x14f: {  	v16 =	vadd.s32 v47, v39;
	v18 =	vld [tilespmem:s24+$0xFFFFFFB0];
	[tilespmem:v10+s29+$0x0] =	vst.idx.msk $0xffff, v12  }
0x150: {  	[tilespmem:v0+s29+$0x0] =	vst.idx.msk $0xffff, v13;
	v0 =	vadd.s32 v54, v37;
	v13 =	vld [tilespmem:s12+$0xFFFFFEA0]  }
0x151: {  	v51 =	vmov v27;
	v27 =	vadd.s32 v61, v39;
	v58 =	vld [tilespmem:$0x1FF60]  }
0x152: {  	v5 =	vadd.s32 v26, v37;
	v7 =	vadd.f32 v7, v34;
	v10 =	vld [tilespmem:s24+$0xFFFFFF70]  }
0x153: {  	v44 =	vld [tilespmem:s12+$0xFFFFFE60];
	v3 =	vadd.f32 v3, v35  }
0x154: {  	v17 =	vadd.s32 v30, v39;
	v4 =	vld [tilespmem:s24+$0xFFFFFF40];
	[tilespmem:v16+s29+$0x0] =	vst.idx.msk $0xffff, v7;
	v7 =	vadd.f32 v18, v34  }
0x155: {  	v11 =	vadd.s32 v62, v39;
	v15 =	vld [tilespmem:s12+$0xFFFFFF20];
	[tilespmem:v0+s29+$0x0] =	vst.idx.msk $0xffff, v3;
	v0 =	vadd.f32 v13, v35  }
0x156: {  	v43 =	vadd.f32 v21, v36;
	[tilespmem:v27+s29+$0x0] =	vst.idx.msk $0xffff, v7;
	v3 =	vld [tilespmem:s12+$0xFFFFFFE0];
	v9 =	vadd.s32 v58, v39  }
0x157: {  	v12 =	vld [tilespmem:s24+$0x0];
	[tilespmem:v5+s29+$0x0] =	vst.idx.msk $0xffff, v0;
	v0 =	vadd.f32 v2, v34;
	v2 =	vadd.f32 v10, v34  }
0x158: {  	v21 =	vadd.s32 v28, v37;
	v8 =	vadd.f32 v8, v33;
	v19 =	vld [tilespmem:s24+$0xFFFFFFC0];
	v5 =	vadd.s32 v52, v37  }
0x159: {  	v38 =	vadd.s32 v31, v37;
	v7 =	vadd.s32 v51, v39;
	v13 =	vld [tilespmem:s24+$0xFFFFFE80];
	[tilespmem:v17+s29+$0x0] =	vst.idx.msk $0xffff, v2  }
0x15a: {  	v14 =	vadd.s32 v49, v37;
	[tilespmem:v11+s29+$0x0] =	vst.idx.msk $0xffff, v8;
	v8 =	vadd.s32 v60, v39;
	v17 =	vld [tilespmem:s24+$0xFFFFFF80]  }
0x15b: {  	v18 =	vadd.f32 v4, v33;
	v4 =	vadd.f32 v3, v35;
	[tilespmem:v9+s29+$0x0] =	vst.idx.msk $0xffff, v0;
	v9 =	vld [tilespmem:s12+$0xFFFFFE30]  }
0x15c: {  	v40 =	vadd.s32 v32, v37;
	v42 =	vadd.s32 v48, v37;
	v12 =	vadd.f32 v12, v33;
	v0 =	vld [tilespmem:s12+$0xFFFFFFA0]  }
0x15d: {  	v2 =	vadd.s32 v41, v39;
	v41 =	vadd.s32 v30, v37;
	[tilespmem:v5+s29+$0x0] =	vst.idx.msk $0xffff, v4;
	v11 =	vld [tilespmem:s24+$0xFFFFFF00]  }
0x15e: {  	v3 =	vadd.s32 v46, v39;
	v4 =	vadd.f32 v6, v36;
	v22 =	vld [tilespmem:$0x1FF50];
	[tilespmem:v7+s29+$0x0] =	vst.idx.msk $0xffff, v12  }
0x15f: {  	v13 =	vadd.f32 v13, v33;
	v5 =	vadd.f32 v15, v35;
	v7 =	vld [tilespmem:s12+$0xFFFFFFF0];
	[tilespmem:v8+s29+$0x0] =	vst.idx.msk $0xffff, v18  }
0x160: {  	v27 =	vmovc v56;
	v46 =	vmov v60;
	v60 =	vmov v30;
	v12 =	vadd.s32 v63, v39;
	[tilespmem:v14+s29+$0x0] =	vst.idx.msk $0xffff, v4;
	v4 =	vld [tilespmem:s12+$0xFFFFFEB0]  }
0x161: {  	v30 =	vmovc v20;
	v63 =	vmov v61;
	v14 =	vadd.f32 v19, v33;
	[tilespmem:v21+s29+$0x0] =	vst.idx.msk $0xffff, v5;
	v21 =	vmov v57;
	v5 =	vld [tilespmem:s12+$0xFFFFFEE0]  }
0x162: {  	v19 =	vmovc v47;
	v47 =	vmovc v32;
	v57 =	vmov v23;
	v8 =	vld [tilespmem:s12+$0xFFFFFF30];
	v15 =	vadd.f32 v17, v33;
	v6 =	vadd.f32 v9, v34  }
0x163: {  	s13 =	simm.s32 $0x59F0;
	v23 =	vld [tilespmem:$0x1FFA0];
	v9 =	vadd.s32 v56, v37;
	v56 =	vmovc v48;
	v10 =	vadd.s32 v22, v39;
	v39 =	vadd.s32 v62, v37  }
.LBB2_5:
0x164: {  	_ =	sdelay $0x2  }
0x165: {  	s7 =	sadd.s32 $0x8, s7;
	v16 =	vld [tilespmem:s13+$0xFFFFFE50];
	[tilespmem:v12+s29+$0x0] =	vst.idx.msk $0xffff, v15;
	v15 =	vadd.s32 v19, v37  }
0x166: {  	v61 =	vmovc v19;
	v22 =	vld [tilespmem:s13+$0xFFFFFFD0];
	[tilespmem:v10+s29+$0x0] =	vst.idx.msk $0xffff, v13;
	v19 =	vadd.s32 v29, v37;
	v10 =	vadd.f32 v11, v33;
	v11 =	vmov s7  }
0x167: {  	v18 =	vadd.s32 v23, v37;
	v13 =	vld [tilespmem:s13+$0xFFFFFF90];
	[tilespmem:v2+s29+$0x0] =	vst.idx.msk $0xffff, v14;
	v11 =	vshrl.u32 v11, $0x3  }
0x168: {  	v20 =	vadd.s32 v21, v37;
	v12 =	vld [tilespmem:s13+$0xFFFFFF50];
	[tilespmem:v38+s29+$0x0] =	vst.idx.msk $0xffff, v43;
	v2 =	vshll.u32 v11, $0x3  }
0x169: {  	v32 =	vmovc v60;
	v60 =	vmov v21;
	v4 =	vadd.f32 v4, v34;
	[tilespmem:v3+s29+$0x0] =	vst.idx.msk $0xffff, v10;
	v3 =	vld [tilespmem:s13+$0xFFFFFE10];
	v21 =	vbroadcast v2, $0x0  }
0x16a: {  	v11 =	vld [tilespmem:s13+$0xFFFFFF10];
	[tilespmem:v9+s29+$0x0] =	vst.idx.msk $0xffff, v6;
	v9 =	vadd.s32 v30, v37;
	v2 =	vadd.f32 v8, v34  }
0x16b: {  	v48 =	vmov v23;
	v23 =	vadd.f32 v44, v35;
	v8 =	vld [tilespmem:s13+$0xFFFFFE90];
	[tilespmem:v19+s29+$0x0] =	vst.idx.msk $0xffff, v4;
	v10 =	vadd.s32 v25, v21  }
0x16c: {  	v4 =	vadd.f32 v5, v35;
	v5 =	vld [tilespmem:s12+$0xFFFFFF60];
	[tilespmem:v18+s29+$0x0] =	vst.idx.msk $0xffff, v2;
	v2 =	vadd.s32 v24, v21  }
0x16d: {  	v7 =	vadd.f32 v7, v34;
	[tilespmem:v20+s29+$0x0] =	vst.idx.msk $0xffff, v23;
	v19 =	vld [tilespmem:s12+$0xFFFFFE40]  }
0x16e: {  	v20 =	vld [tilespmem:s13+$0xFFFFFED0];
	[tilespmem:v40+s29+$0x0] =	vst.idx.msk $0xffff, v4;
	v3 =	vadd.f32 v3, v36  }
0x16f: {  	v18 =	vadd.s32 v59, v21;
	v4 =	vadd.f32 v16, v36;
	v24 =	vld [tilespmem:s12+$0xFFFFFEF0];
	[tilespmem:v9+s29+$0x0] =	vst.idx.msk $0xffff, v7  }
0x170: {  	v0 =	vadd.f32 v0, v35;
	v6 =	vadd.s32 v53, v37;
	v7 =	vld [tilespmem:s12+$0xFFFFFEC0];
	[tilespmem:v10+s29+$0x0] =	vst.idx.msk $0xffff, v3  }
0x171: {  	v16 =	vadd.s32 v57, v21;
	v3 =	vadd.f32 v8, v36;
	[tilespmem:v2+s29+$0x0] =	vst.idx.msk $0xffff, v4;
	v8 =	vld [tilespmem:s13+$0xFFFFFE20]  }
0x172: {  	v14 =	vadd.s32 v45, v37;
	[tilespmem:v42+s29+$0x0] =	vst.idx.msk $0xffff, v0;
	v10 =	vld [tilespmem:s12+$0xFFFFFE70]  }
0x173: {  	v43 =	vadd.f32 v12, v36;
	v0 =	vadd.s32 v55, v21;
	v4 =	vadd.f32 v5, v35;
	v44 =	vld [tilespmem:s13+$0xFFFFFE60]  }
0x174: {  	v9 =	vadd.f32 v19, v33;
	v5 =	vadd.f32 v11, v36;
	[tilespmem:v18+s29+$0x0] =	vst.idx.msk $0xffff, v3;
	v3 =	vld [tilespmem:s12+$0xFFFFFF40]  }
0x175: {  	v2 =	vadd.s32 v50, v21;
	[tilespmem:v6+s29+$0x0] =	vst.idx.msk $0xffff, v4;
	v6 =	vadd.f32 v7, v33;
	v7 =	vld [tilespmem:s12+$0xFFFFFFB0]  }
0x176: {  	v11 =	vadd.s32 v54, v21;
	[tilespmem:v16+s29+$0x0] =	vst.idx.msk $0xffff, v5;
	v5 =	vadd.f32 v22, v36;
	v12 =	vld [tilespmem:s13+$0xFFFFFEA0]  }
0x177: {  	[tilespmem:v14+s29+$0x0] =	vst.idx.msk $0xffff, v9;
	v22 =	vld [tilespmem:$0x1FF50]  }
0x178: {  	v13 =	vadd.f32 v13, v36;
	v9 =	vld [tilespmem:s12+$0xFFFFFF70];
	[tilespmem:v0+s29+$0x0] =	vst.idx.msk $0xffff, v5  }
0x179: {  	v4 =	vadd.s32 v26, v21;
	v5 =	vld [tilespmem:s12+$0x0];
	v8 =	vadd.f32 v8, v35  }
0x17a: {  	v17 =	vadd.s32 v63, v37;
	[tilespmem:v2+s29+$0x0] =	vst.idx.msk $0xffff, v13;
	v0 =	vadd.f32 v10, v34;
	v10 =	vld [tilespmem:s13+$0xFFFFFFE0]  }
0x17b: {  	v2 =	vadd.s32 v58, v37;
	[tilespmem:v11+s29+$0x0] =	vst.idx.msk $0xffff, v8;
	v8 =	vadd.f32 v12, v35;
	v12 =	vld [tilespmem:s13+$0xFFFFFF20]  }
0x17c: {  	[tilespmem:v15+s29+$0x0] =	vst.idx.msk $0xffff, v0;
	v15 =	vadd.f32 v3, v33;
	v3 =	vadd.f32 v24, v34;
	v24 =	vld [tilespmem:$0x1FF40]  }
0x17d: {  	v0 =	vadd.f32 v7, v34;
	v7 =	vld [tilespmem:s12+$0xFFFFFE80]  }
0x17e: {  	[tilespmem:v4+s29+$0x0] =	vst.idx.msk $0xffff, v8;
	v4 =	vadd.s32 v52, v21;
	v8 =	vld [tilespmem:s13+$0xFFFFFE30]  }
0x17f: {  	v23 =	vadd.s32 v49, v21;
	v9 =	vadd.f32 v9, v34;
	[tilespmem:v17+s29+$0x0] =	vst.idx.msk $0xffff, v0;
	v0 =	vld [tilespmem:$0x1FE60]  }
0x180: {  	v38 =	vadd.s32 v31, v21;
	v16 =	vadd.s32 v28, v21;
	[tilespmem:v2+s29+$0x0] =	vst.idx.msk $0xffff, v3;
	v3 =	vld [tilespmem:$0x1FE10]  }
0x181: {  	v14 =	vadd.s32 v51, v37;
	[tilespmem:v41+s29+$0x0] =	vst.idx.msk $0xffff, v9;
	v17 =	vld [tilespmem:s12+$0xFFFFFFC0];
	v11 =	vadd.f32 v10, v35  }
0x182: {  	v18 =	vadd.s32 v46, v37;
	[tilespmem:v39+s29+$0x0] =	vst.idx.msk $0xffff, v6;
	v19 =	vld [tilespmem:s12+$0xFFFFFF80];
	v6 =	vadd.f32 v20, v36  }
0x183: {  	v40 =	vadd.s32 v47, v21;
	v9 =	vadd.f32 v12, v35;
	[tilespmem:v4+s29+$0x0] =	vst.idx.msk $0xffff, v11;
	v4 =	vld [tilespmem:$0x1FE30]  }
0x184: {  	p1 =	slt.u32 s7, $0x78;
	v42 =	vadd.s32 v56, v21;
	v5 =	vadd.f32 v5, v33;
	v11 =	vld [tilespmem:s12+$0xFFFFFF00];
	[tilespmem:v23+s29+$0x0] =	vst.idx.msk $0xffff, v6  }
.Ltmp1:
0x185: {  	v10 =	vadd.s32 v22, v37;
	v2 =	vadd.s32 v0, v37;
	v0 =	vld [tilespmem:s13+$0xFFFFFFA0];
	[tilespmem:v16+s29+$0x0] =	vst.idx.msk $0xffff, v9;
	(pc) =	sbr.rel @p1 .LBB2_5-.Ltmp1, $4  }
0x186: {  	v13 =	vadd.f32 v7, v33;
	v3 =	vadd.s32 v3, v37;
	s12 =	smov.u32 s13;
	v7 =	vld [tilespmem:s13+$0xFFFFFFF0];
	[tilespmem:v14+s29+$0x0] =	vst.idx.msk $0xffff, v5  }
0x187: {  	v23 =	vmov v48;
	v6 =	vadd.f32 v8, v34;
	v14 =	vadd.f32 v17, v33;
	v8 =	vld [tilespmem:s12+$0xFFFFFF30];
	[tilespmem:v18+s29+$0x0] =	vst.idx.msk $0xffff, v15  }
0x188: {  	v5 =	vld [tilespmem:s13+$0xFFFFFEE0];
	v15 =	vadd.f32 v19, v33;
	v19 =	vmovc v61;
	v12 =	vadd.s32 v4, v37;
	v37 =	vmovc v21;
	v21 =	vmov v60  }
0x189: {  	v60 =	vmovc v32;
	v4 =	vld [tilespmem:s13+$0xFFFFFEB0];
	s13 =	sadd.s32 $0x200, s13;
	v39 =	vadd.s32 v62, v37;
	v41 =	vadd.s32 v32, v37;
	v9 =	vadd.s32 v27, v37  }
0x18a: {  	_ =	sdelay $0x3  }
0x18b: {  	[tilespmem:v38+s29+$0x0] =	vst.idx.msk $0xffff, v43  }
0x18c: {  	v16 =	vld [tilespmem:s12+$0xFFFFFF60]  }
0x18d: {  	v17 =	vadd.s32 v21, v37;
	[tilespmem:v10+s29+$0x0] =	vst.idx.msk $0xffff, v13  }
0x18e: {  	v43 =	vadd.s32 v53, v37;
	[tilespmem:v12+s29+$0x0] =	vst.idx.msk $0xffff, v15;
	v0 =	vadd.f32 v0, v35  }
0x18f: {  	v11 =	vadd.f32 v11, v33;
	[tilespmem:v2+s29+$0x0] =	vst.idx.msk $0xffff, v14  }
0x190: {  	v2 =	vadd.f32 v44, v35;
	[tilespmem:v42+s29+$0x0] =	vst.idx.msk $0xffff, v0  }
0x191: {  	v44 =	vadd.s32 v29, v37;
	[tilespmem:v3+s29+$0x0] =	vst.idx.msk $0xffff, v11;
	v60 =	vld [tilespmem:s12+$0xFFFFFFB0];
	v3 =	vadd.f32 v16, v35  }
0x192: {  	v5 =	vadd.f32 v5, v35;
	[tilespmem:v17+s29+$0x0] =	vst.idx.msk $0xffff, v2;
	v2 =	vadd.s32 v30, v37  }
0x193: {  	v36 =	vmovc v28;
	v28 =	vmov v49;
	v49 =	vmov v54;
	v54 =	vld [tilespmem:s12+$0xFFFFFE70];
	v35 =	vadd.s32 v63, v37;
	[tilespmem:v43+s29+$0x0] =	vst.idx.msk $0xffff, v3  }
0x194: {  	v4 =	vadd.f32 v4, v34;
	[tilespmem:v40+s29+$0x0] =	vst.idx.msk $0xffff, v5;
	v3 =	vadd.s32 v23, v37;
	v0 =	vld [tilespmem:s12+$0xFFFFFF70]  }
0x195: {  	v18 =	vmov v57;
	v57 =	vadd.s32 v19, v37;
	[tilespmem:v9+s29+$0x0] =	vst.idx.msk $0xffff, v6;
	v7 =	vadd.f32 v7, v34;
	v62 =	vld [tilespmem:s12+$0xFFFFFEF0]  }
0x196: {  	v40 =	vld [tilespmem:s12+$0xFFFFFE40];
	[tilespmem:v44+s29+$0x0] =	vst.idx.msk $0xffff, v4;
	v5 =	vadd.f32 v60, v34  }
0x197: {  	v8 =	vadd.f32 v8, v34;
	v43 =	vadd.s32 v58, v37;
	[tilespmem:v2+s29+$0x0] =	vst.idx.msk $0xffff, v7  }
0x198: {  	v44 =	vadd.s32 v45, v37;
	v2 =	vld [tilespmem:s12+$0xFFFFFEC0];
	v42 =	vadd.f32 v54, v34;
	[tilespmem:v35+s29+$0x0] =	vst.idx.msk $0xffff, v5  }
0x199: {  	[tilespmem:v3+s29+$0x0] =	vst.idx.msk $0xffff, v8;
	v0 =	vadd.f32 v0, v34  }
0x19a: {  	v6 =	vadd.f32 v62, v34;
	[tilespmem:v57+s29+$0x0] =	vst.idx.msk $0xffff, v42  }
0x19b: {  	v3 =	vld [tilespmem:s12+$0x0];
	[tilespmem:v41+s29+$0x0] =	vst.idx.msk $0xffff, v0;
	v0 =	vadd.f32 v40, v33  }
0x19c: {  	[tilespmem:v43+s29+$0x0] =	vst.idx.msk $0xffff, v6;
	v8 =	vld [tilespmem:s12+$0xFFFFFF40]  }
0x19d: {  	v7 =	vld [tilespmem:s12+$0xFFFFFE80];
	v2 =	vadd.f32 v2, v33;
	[tilespmem:v44+s29+$0x0] =	vst.idx.msk $0xffff, v0  }
0x19e: {  	v11 =	vld [tilespmem:$0x1FE30]  }
0x19f: {  	v12 =	vld [tilespmem:$0x1FE60];
	[tilespmem:v39+s29+$0x0] =	vst.idx.msk $0xffff, v2  }
0x1a0: {  	v45 =	vadd.s32 v51, v37;
	v2 =	vld [tilespmem:$0x1FE10]  }
0x1a1: {  	v51 =	vadd.s32 v46, v37;
	v54 =	vld [tilespmem:s12+$0xFFFFFF80]  }
0x1a2: {  	v60 =	vadd.s32 v22, v37;
	v57 =	vld [tilespmem:s12+$0xFFFFFFC0]  }
0x1a3: {  	v0 =	vadd.f32 v3, v33;
	v3 =	vld [tilespmem:s12+$0xFFFFFF00];
	v11 =	vadd.s32 v11, v37  }
0x1a4: {  	v8 =	vadd.f32 v8, v33;
	v12 =	vadd.s32 v12, v37  }
0x1a5: {  	v7 =	vadd.f32 v7, v33;
	[tilespmem:v45+s29+$0x0] =	vst.idx.msk $0xffff, v0;
	v2 =	vadd.s32 v2, v37  }
0x1a6: {  	[tilespmem:v51+s29+$0x0] =	vst.idx.msk $0xffff, v8;
	v0 =	vadd.f32 v54, v33  }
0x1a7: {  	s7 =	sshll.u32 s15, $0x14;
	v62 =	vadd.f32 v57, v33;
	[tilespmem:v60+s29+$0x0] =	vst.idx.msk $0xffff, v7  }
0x1a8: {  	s7 =	sor.u32 s11, s7;
	v3 =	vadd.f32 v3, v33;
	[tilespmem:v11+s29+$0x0] =	vst.idx.msk $0xffff, v0  }
0x1a9: {  	s7 =	sshrl.u32 s7, $0x3;
	[tilespmem:v12+s29+$0x0] =	vst.idx.msk $0xffff, v62  }
0x1aa: {  	s17 =	simm.s32 $0xB400;
	s12 =	sadd.s32 s2, s7;
	[tilespmem:v2+s29+$0x0] =	vst.idx.msk $0xffff, v3  }
0x1ab: {  	[hbm4b:s12+s3] =	stream.linear.scatter [tilespmem:s17], [sflag:$0x5], $0x80, $0x38;
	[tilespmem:$0x13C00] =	vst v63  }
0x1ac: {  	s19 =	simm.s32 $0xB488;
	s13 =	sadd.s32 $0x10, s12  }
0x1ad: {  	[hbm4b:s13+s3] =	stream.linear.scatter [tilespmem:s19], [sflag:$0x5], $0x80, $0x38;
	[tilespmem:$0x13C00] =	vst v63  }
0x1ae: {  	s20 =	simm.s32 $0xB510;
	s23 =	simm.s32 $0xB598;
	s22 =	sadd.s32 $0x20, s12  }
0x1af: {  	[hbm4b:s22+s3] =	stream.linear.scatter [tilespmem:s20], [sflag:$0x5], $0x80, $0x38;
	[tilespmem:$0x13C00] =	vst v63  }
0x1b0: {  	s7 =	simm.s32 $0x440;
	s24 =	sadd.s32 $0x30, s12;
	s17 =	simm.s32 $0xB620  }
0x1b1: {  	[hbm4b:s24+s3] =	stream.linear.scatter [tilespmem:s23], [sflag:$0x5], $0x80, $0x38;
	[tilespmem:$0x13C00] =	vst v63  }
0x1b2: {  	s19 =	sadd.s32 $0x40, s12;
	s13 =	simm.s32 $0x2200;
	s20 =	simm.s32 $0xB6A8  }
0x1b3: {  	[hbm4b:s19+s3] =	stream.linear.scatter [tilespmem:s17], [sflag:$0x5], $0x80, $0x38;
	[tilespmem:$0x13C00] =	vst v63  }
0x1b4: {  	s22 =	sadd.s32 $0x50, s12;
	s23 =	simm.s32 $0xB730;
	s24 =	sadd.s32 $0x60, s12  }
0x1b5: {  	[hbm4b:s22+s3] =	stream.linear.scatter [tilespmem:s20], [sflag:$0x5], $0x80, $0x38;
	[tilespmem:$0x13C00] =	vst v63  }
0x1b6: {  	s17 =	simm.s32 $0xB7B8;
	s19 =	sadd.s32 $0x70, s12;
	s12 =	sadd.s32 $0x1000, s12  }
0x1b7: {  	v38 =	vmov v29;
	v23 =	vmov v30;
	v40 =	vmov v63;
	[hbm4b:s24+s3] =	stream.linear.scatter [tilespmem:s23], [sflag:$0x5], $0x80, $0x38;
	[tilespmem:$0x13C00] =	vst v63  }
.LBB2_7:
0x1b8: {  	[hbm4b:s19+s3] =	stream.linear.scatter [tilespmem:s17], [sflag:$0x5], $0x80, $0x38;
	[tilespmem:$0x13C00] =	vst v63  }
0x1b9: {  	s17 =	smov.u32 s7;
	s7 =	smov.u32 s13  }
0x1ba: {  	s22 =	sadd.s32 $0x1100, s13;
	s7 =	sshra.s32 s7, $0x2;
	s19 =	sadd.s32 $0xB400, s17  }
0x1bb: {  	[hbm4b:s12+s3] =	stream.linear.scatter [tilespmem:s19], [sflag:$0x5], $0x80, $0x38;
	[tilespmem:$0x13C00] =	vst v63  }
0x1bc: {  	p1 =	sne.s32 s13, $0x7700;
	s13 =	sadd.s32 $0xB488, s17;
	s19 =	sadd.s32 $0x10, s12  }
0x1bd: {  	[hbm4b:s19+s3] =	stream.linear.scatter [tilespmem:s13], [sflag:$0x5], $0x80, $0x38;
	[tilespmem:$0x13C00] =	vst v63  }
0x1be: {  	s13 =	sadd.s32 $0xB510, s17;
	s19 =	sadd.s32 $0x20, s12  }
0x1bf: {  	[hbm4b:s19+s3] =	stream.linear.scatter [tilespmem:s13], [sflag:$0x5], $0x80, $0x38;
	[tilespmem:$0x13C00] =	vst v63  }
0x1c0: {  	s13 =	sadd.s32 $0xB598, s17;
	s19 =	sadd.s32 $0x30, s12  }
0x1c1: {  	[hbm4b:s19+s3] =	stream.linear.scatter [tilespmem:s13], [sflag:$0x5], $0x80, $0x38;
	[tilespmem:$0x13C00] =	vst v63  }
0x1c2: {  	s13 =	sadd.s32 $0xB620, s17;
	s19 =	sadd.s32 $0x40, s12  }
0x1c3: {  	[hbm4b:s19+s3] =	stream.linear.scatter [tilespmem:s13], [sflag:$0x5], $0x80, $0x38;
	[tilespmem:$0x13C00] =	vst v63  }
.Ltmp2:
0x1c4: {  	s13 =	sadd.s32 $0xB6A8, s17;
	s19 =	sadd.s32 $0x50, s12;
	(pc) =	sbr.rel @p1 .LBB2_7-.Ltmp2, $4  }
0x1c5: {  	[hbm4b:s19+s3] =	stream.linear.scatter [tilespmem:s13], [sflag:$0x5], $0x80, $0x38;
	[tilespmem:$0x13C00] =	vst v63  }
0x1c6: {  	s13 =	sadd.s32 $0xB730, s17;
	s19 =	sadd.s32 $0x60, s12;
	s17 =	sadd.s32 $0xB7B8, s17  }
0x1c7: {  	[hbm4b:s19+s3] =	stream.linear.scatter [tilespmem:s13], [sflag:$0x5], $0x80, $0x38;
	[tilespmem:$0x13C00] =	vst v63  }
0x1c8: {  	s19 =	sadd.s32 $0x70, s12;
	s12 =	sadd.s32 $0x1000, s12;
	s13 =	smov.u32 s22  }
0x1c9: {  	[hbm4b:s19+s3] =	stream.linear.scatter [tilespmem:s17], [sflag:$0x5], $0x80, $0x38;
	[tilespmem:$0x13C00] =	vst v63  }
0x1ca: {  	s13 =	sadd.s32 $0xB400, s7  }
0x1cb: {  	[hbm4b:s12+s3] =	stream.linear.scatter [tilespmem:s13], [sflag:$0x5], $0x80, $0x38;
	[tilespmem:$0x13C00] =	vst v63  }
0x1cc: {  	s23 =	sadd.s32 $0xB488, s7;
	s24 =	sadd.s32 $0x10, s12  }
0x1cd: {  	[hbm4b:s24+s3] =	stream.linear.scatter [tilespmem:s23], [sflag:$0x5], $0x80, $0x38;
	[tilespmem:$0x13C00] =	vst v63  }
0x1ce: {  	s17 =	sadd.s32 $0xB510, s7;
	s19 =	sadd.s32 $0x20, s12  }
0x1cf: {  	[hbm4b:s19+s3] =	stream.linear.scatter [tilespmem:s17], [sflag:$0x5], $0x80, $0x38;
	[tilespmem:$0x13C00] =	vst v63  }
0x1d0: {  	s20 =	sadd.s32 $0xB598, s7;
	s22 =	sadd.s32 $0x30, s12  }
0x1d1: {  	[hbm4b:s22+s3] =	stream.linear.scatter [tilespmem:s20], [sflag:$0x5], $0x80, $0x38;
	[tilespmem:$0x13C00] =	vst v63  }
0x1d2: {  	s23 =	sadd.s32 $0xB620, s7;
	s24 =	sadd.s32 $0x40, s12;
	s19 =	sadd.s32 $0xB6A8, s7  }
0x1d3: {  	[hbm4b:s24+s3] =	stream.linear.scatter [tilespmem:s23], [sflag:$0x5], $0x80, $0x38;
	[tilespmem:$0x13C00] =	vst v63  }
0x1d4: {  	s17 =	sshll.u32 s8, $0x12;
	s20 =	sadd.s32 $0x50, s12;
	s22 =	sadd.s32 $0xB730, s7  }
0x1d5: {  	[hbm4b:s20+s3] =	stream.linear.scatter [tilespmem:s19], [sflag:$0x5], $0x80, $0x38;
	[tilespmem:$0x13C00] =	vst v63  }
0x1d6: {  	s23 =	sadd.s32 $0x60, s12;
	s24 =	sadd.s32 $0xB7B8, s7;
	s7 =	sor.u32 s11, s17  }
0x1d7: {  	[hbm4b:s23+s3] =	stream.linear.scatter [tilespmem:s22], [sflag:$0x5], $0x80, $0x38;
	[tilespmem:$0x13C00] =	vst v63  }
0x1d8: {  	s13 =	sadd.s32 $0x70, s12;
	s7 =	sshrl.u32 s7, $0x3  }
0x1d9: {  	[hbm4b:s13+s3] =	stream.linear.scatter [tilespmem:s24], [sflag:$0x5], $0x80, $0x38;
	[tilespmem:$0x13C00] =	vst v63  }
0x1da: {  	s8 =	sadd.s32 s2, s7;
	s19 =	simm.s32 $0xD600  }
0x1db: {  	[hbm4b:s8+s3] =	stream.linear.scatter [tilespmem:s19], [sflag:$0x5], $0x80, $0x38;
	[tilespmem:$0x13C00] =	vst v63  }
0x1dc: {  	s20 =	simm.s32 $0xD688;
	s22 =	sadd.s32 $0x10, s8  }
0x1dd: {  	[hbm4b:s22+s3] =	stream.linear.scatter [tilespmem:s20], [sflag:$0x5], $0x80, $0x38;
	[tilespmem:$0x13C00] =	vst v63  }
0x1de: {  	s12 =	simm.s32 $0xD798;
	s23 =	simm.s32 $0xD710;
	s24 =	sadd.s32 $0x20, s8  }
0x1df: {  	[hbm4b:s24+s3] =	stream.linear.scatter [tilespmem:s23], [sflag:$0x5], $0x80, $0x38;
	[tilespmem:$0x13C00] =	vst v63  }
0x1e0: {  	s17 =	simm.s32 $0xD820;
	s7 =	simm.s32 $0x440;
	s13 =	sadd.s32 $0x30, s8  }
0x1e1: {  	[hbm4b:s13+s3] =	stream.linear.scatter [tilespmem:s12], [sflag:$0x5], $0x80, $0x38;
	[tilespmem:$0x13C00] =	vst v63  }
0x1e2: {  	s19 =	sadd.s32 $0x40, s8;
	s20 =	simm.s32 $0xD8A8;
	s22 =	sadd.s32 $0x50, s8  }
0x1e3: {  	[hbm4b:s19+s3] =	stream.linear.scatter [tilespmem:s17], [sflag:$0x5], $0x80, $0x38;
	[tilespmem:$0x13C00] =	vst v63  }
0x1e4: {  	s23 =	simm.s32 $0xD930;
	s24 =	sadd.s32 $0x60, s8;
	s12 =	simm.s32 $0x2200  }
0x1e5: {  	[hbm4b:s22+s3] =	stream.linear.scatter [tilespmem:s20], [sflag:$0x5], $0x80, $0x38;
	[tilespmem:$0x13C00] =	vst v63  }
0x1e6: {  	s13 =	simm.s32 $0xD9B8;
	s17 =	sadd.s32 $0x70, s8;
	s8 =	sadd.s32 $0x1000, s8  }
0x1e7: {  	v27 =	vmovc v36;
	v26 =	vmov v50;
	v39 =	vmov v56;
	v56 =	vmov v52;
	[hbm4b:s24+s3] =	stream.linear.scatter [tilespmem:s23], [sflag:$0x5], $0x80, $0x38;
	[tilespmem:$0x13C00] =	vst v63  }
.LBB2_9:
0x1e8: {  	[hbm4b:s17+s3] =	stream.linear.scatter [tilespmem:s13], [sflag:$0x5], $0x80, $0x38;
	[tilespmem:$0x13C00] =	vst v63  }
0x1e9: {  	s13 =	smov.u32 s7;
	s7 =	smov.u32 s12  }
0x1ea: {  	s19 =	sadd.s32 $0x1100, s12;
	s7 =	sshra.s32 s7, $0x2;
	s17 =	sadd.s32 $0xD600, s13  }
0x1eb: {  	[hbm4b:s8+s3] =	stream.linear.scatter [tilespmem:s17], [sflag:$0x5], $0x80, $0x38;
	[tilespmem:$0x13C00] =	vst v63  }
0x1ec: {  	p1 =	sne.s32 s12, $0x7700;
	s12 =	sadd.s32 $0xD688, s13;
	s17 =	sadd.s32 $0x10, s8  }
0x1ed: {  	[hbm4b:s17+s3] =	stream.linear.scatter [tilespmem:s12], [sflag:$0x5], $0x80, $0x38;
	[tilespmem:$0x13C00] =	vst v63  }
0x1ee: {  	s12 =	sadd.s32 $0xD710, s13;
	s17 =	sadd.s32 $0x20, s8  }
0x1ef: {  	[hbm4b:s17+s3] =	stream.linear.scatter [tilespmem:s12], [sflag:$0x5], $0x80, $0x38;
	[tilespmem:$0x13C00] =	vst v63  }
0x1f0: {  	s12 =	sadd.s32 $0xD798, s13;
	s17 =	sadd.s32 $0x30, s8  }
0x1f1: {  	[hbm4b:s17+s3] =	stream.linear.scatter [tilespmem:s12], [sflag:$0x5], $0x80, $0x38;
	[tilespmem:$0x13C00] =	vst v63  }
0x1f2: {  	s12 =	sadd.s32 $0xD820, s13;
	s17 =	sadd.s32 $0x40, s8  }
0x1f3: {  	[hbm4b:s17+s3] =	stream.linear.scatter [tilespmem:s12], [sflag:$0x5], $0x80, $0x38;
	[tilespmem:$0x13C00] =	vst v63  }
.Ltmp3:
0x1f4: {  	s12 =	sadd.s32 $0xD8A8, s13;
	s17 =	sadd.s32 $0x50, s8;
	(pc) =	sbr.rel @p1 .LBB2_9-.Ltmp3, $4  }
0x1f5: {  	[hbm4b:s17+s3] =	stream.linear.scatter [tilespmem:s12], [sflag:$0x5], $0x80, $0x38;
	[tilespmem:$0x13C00] =	vst v63  }
0x1f6: {  	s12 =	sadd.s32 $0xD930, s13;
	s17 =	sadd.s32 $0x60, s8;
	s13 =	sadd.s32 $0xD9B8, s13  }
0x1f7: {  	[hbm4b:s17+s3] =	stream.linear.scatter [tilespmem:s12], [sflag:$0x5], $0x80, $0x38;
	[tilespmem:$0x13C00] =	vst v63  }
0x1f8: {  	s17 =	sadd.s32 $0x70, s8;
	s8 =	sadd.s32 $0x1000, s8;
	s12 =	smov.u32 s19  }
0x1f9: {  	[hbm4b:s17+s3] =	stream.linear.scatter [tilespmem:s13], [sflag:$0x5], $0x80, $0x38;
	[tilespmem:$0x13C00] =	vst v63  }
0x1fa: {  	s12 =	sadd.s32 $0xD600, s7  }
0x1fb: {  	[hbm4b:s8+s3] =	stream.linear.scatter [tilespmem:s12], [sflag:$0x5], $0x80, $0x38;
	[tilespmem:$0x13C00] =	vst v63  }
0x1fc: {  	s17 =	sadd.s32 $0xD688, s7;
	s19 =	sadd.s32 $0x10, s8  }
0x1fd: {  	[hbm4b:s19+s3] =	stream.linear.scatter [tilespmem:s17], [sflag:$0x5], $0x80, $0x38;
	[tilespmem:$0x13C00] =	vst v63  }
0x1fe: {  	s20 =	sadd.s32 $0xD710, s7;
	s22 =	sadd.s32 $0x20, s8  }
0x1ff: {  	[hbm4b:s22+s3] =	stream.linear.scatter [tilespmem:s20], [sflag:$0x5], $0x80, $0x38;
	[tilespmem:$0x13C00] =	vst v63  }
0x200: {  	s23 =	sadd.s32 $0xD798, s7;
	s24 =	sadd.s32 $0x30, s8  }
0x201: {  	[hbm4b:s24+s3] =	stream.linear.scatter [tilespmem:s23], [sflag:$0x5], $0x80, $0x38;
	[tilespmem:$0x13C00] =	vst v63  }
0x202: {  	s17 =	sadd.s32 $0xD820, s7;
	s19 =	sadd.s32 $0x40, s8  }
0x203: {  	[hbm4b:s19+s3] =	stream.linear.scatter [tilespmem:s17], [sflag:$0x5], $0x80, $0x38;
	[tilespmem:$0x13C00] =	vst v63  }
0x204: {  	s20 =	sadd.s32 $0xD8A8, s7;
	s22 =	sadd.s32 $0x50, s8  }
0x205: {  	[hbm4b:s22+s3] =	stream.linear.scatter [tilespmem:s20], [sflag:$0x5], $0x80, $0x38;
	[tilespmem:$0x13C00] =	vst v63  }
0x206: {  	s23 =	sadd.s32 $0xD930, s7;
	s24 =	sadd.s32 $0x60, s8  }
0x207: {  	[hbm4b:s24+s3] =	stream.linear.scatter [tilespmem:s23], [sflag:$0x5], $0x80, $0x38;
	[tilespmem:$0x13C00] =	vst v63  }
0x208: {  	s13 =	sadd.s32 $0x70, s8;
	s12 =	sadd.s32 $0xD9B8, s7;
	s7 =	simm.s32 @!p0 $0x7  }
0x209: {  	[hbm4b:s13+s3] =	stream.linear.scatter [tilespmem:s12], [sflag:$0x5], $0x80, $0x38;
	[tilespmem:$0x13C00] =	vst v63  }
0x20a: {  	_ =	swait.ge @!p0 [sflag:s7], $0x100  }
0x20b: {  	p1 =	seq.s32 @!p0 s15, $0x0;
	s8 =	simm.s32 @!p0 $0x3200;
	[sflag:s7] =	ssyncset.done @!p0 $0x0  }
0x20c: {  	s12 =	simm.s32 @!p0 $0x3400;
	[sflag:s7] =	ssyncadd.s32 @!p0 $0xFFFFFF00;
	s7 =	simm.s32 @!p0 $0x80  }
0x20d: {  	[tilespmem:s12], [sflag:$0x1] =	stream.indirect.gather @!p0 [hbm4b:s4+s7], $0x40, s8, s7, $0xb8;
	[tilespmem:$0x13C00] =	vst v63  }
0x20e: {  	p1 =	por p0, !p1;
	s8 =	simm.s32 @!p0 $0x3280;
	s12 =	simm.s32 @!p0 $0x5400  }
0x20f: {  	[tilespmem:s12], [sflag:$0x2] =	stream.indirect.gather @!p0 [hbm4b:s4+s7], $0x40, s8, s7, $0xb8;
	[tilespmem:$0x13C00] =	vst v63  }
0x210: {  	_ =	swait.ge @p1 [sflag:s18], $0x2000  }
0x211: {  	[sflag:s18] =	ssyncset.done @p1 $0x0  }
0x212: {  	[sflag:s18] =	ssyncadd.s32 @p1 $0xFFFFE000  }
0x213: {  	_ =	swait.ge @p1 [sflag:s18], $0x2000  }
0x214: {  	[sflag:s18] =	ssyncset.done @p1 $0x0  }
0x215: {  	[sflag:s18] =	ssyncadd.s32 @p1 $0xFFFFE000  }
0x216: {  	s8 =	sor.u32 $0x2, s16;
	_ =	swait.ge [sflag:s30], $0x2000  }
0x217: {  	s17 =	sshll.u32 s8, $0x6;
	[sflag:s30] =	ssyncset.done $0x0  }
0x218: {  	s24 =	simm.s32 $0x1;
	s7 =	sand.u32 $0x3FFFFFC0, s17;
	[sflag:s30] =	ssyncadd.s32 $0xFFFFE000  }
0x219: {  	s22 =	simm.s32 $0x4;
	v5 =	vmov s24;
	v36 =	vld [tilespmem:s7+$0x0]  }
0x21a: {  	v3 =	vmov s22;
	v5 =	vshrl.u32 v5, $0x3;
	v35 =	vld [tilespmem:s7+$0x10]  }
0x21b: {  	s19 =	simm.s32 $0x0;
	v3 =	vshrl.u32 v3, $0x3;
	v5 =	vshll.u32 v5, v1;
	v34 =	vld [tilespmem:s7+$0x20]  }
0x21c: {  	v0 =	vmov s19;
	s19 =	simm.s32 $0x2;
	v3 =	vshll.u32 v3, v1;
	v5 =	vbroadcast v5, $0x0;
	s17 =	simm.s32 $0x3;
	v33 =	vld [tilespmem:s7+$0x30];
	s7 =	simm.s32 $0x7500  }
0x21d: {  	v6 =	vmov s19;
	v44 =	vbroadcast v3, $0x0;
	v3 =	vmov s17;
	v7 =	vld [tilespmem:s7+$0x0]  }
0x21e: {  	v6 =	vshrl.u32 v6, $0x3;
	v11 =	vadd.s32 v22, v5;
	v3 =	vshrl.u32 v3, $0x3;
	v8 =	vld [tilespmem:s7+$0xFFFFFF40]  }
0x21f: {  	v6 =	vshll.u32 v6, v1;
	v3 =	vshll.u32 v3, v1;
	v9 =	vld [tilespmem:s7+$0xFFFFFF80];
	[tilespmem:$0x1FD30] =	vst v11  }
0x220: {  	v37 =	vbroadcast v6, $0x0;
	v6 =	vadd.s32 v18, v44;
	v50 =	vbroadcast v3, $0x0;
	v3 =	vld [tilespmem:s7+$0xFFFFFF00]  }
0x221: {  	v10 =	vadd.s32 v24, v5  }
0x222: {  	v11 =	vld [tilespmem:s7+$0xFFFFFFC0]  }
0x223: {  	v0 =	vshrl.u32 v0, $0x3;
	v12 =	vadd.s32 v59, v37;
	v7 =	vadd.f32 v7, v36  }
0x224: {  	s19 =	simm.s32 $0x6;
	v17 =	vshll.u32 v0, v1;
	v15 =	vadd.s32 v28, v50;
	v13 =	vld [tilespmem:s7+$0xC0];
	v0 =	vadd.f32 v8, v36  }
0x225: {  	v14 =	vmov s19;
	v16 =	vld [tilespmem:s7+$0x80];
	v3 =	vadd.f32 v3, v36;
	[tilespmem:v6+s31+$0x0] =	vst.idx.msk $0xffff, v7  }
0x226: {  	v8 =	vshrl.u32 v14, $0x3;
	v14 =	vld [tilespmem:s7+$0x40];
	v9 =	vadd.f32 v9, v36;
	[tilespmem:v10+s31+$0x0] =	vst.idx.msk $0xffff, v0  }
0x227: {  	v0 =	vadd.f32 v11, v36;
	v6 =	vld [tilespmem:s7+$0x10];
	[tilespmem:$0x1FCF0] =	vst v3  }
0x228: {  	s23 =	simm.s32 $0x5;
	[tilespmem:v12+s31+$0x0] =	vst.idx.msk $0xffff, v9  }
0x229: {  	s20 =	simm.s32 $0x7;
	v4 =	vmov s23;
	[tilespmem:v15+s31+$0x0] =	vst.idx.msk $0xffff, v0  }
0x22a: {  	v2 =	vmov s20;
	v4 =	vshrl.u32 v4, $0x3;
	v51 =	vld [tilespmem:$0x1FFE0]  }
0x22b: {  	v2 =	vshrl.u32 v2, $0x3;
	v4 =	vshll.u32 v4, v1  }
0x22c: {  	v2 =	vshll.u32 v2, v1;
	v4 =	vbroadcast v4, $0x0  }
0x22d: {  	v57 =	vbroadcast v17, $0x0;
	v54 =	vbroadcast v2, $0x0;
	v8 =	vshll.u32 v8, v1;
	v2 =	vld [tilespmem:s7+$0xFFFFFF90]  }
0x22e: {  	v52 =	vbroadcast v8, $0x0;
	v8 =	vadd.f32 v13, v36;
	v0 =	vadd.s32 v53, v4  }
0x22f: {  	v3 =	vadd.s32 v25, v57;
	v7 =	vld [tilespmem:s7+$0xFFFFFF50];
	[tilespmem:$0x1FD00] =	vst v0;
	v0 =	vadd.s32 v58, v50;
	v17 =	vadd.s32 v51, v37  }
0x230: {  	v25 =	vadd.s32 v61, v5;
	v9 =	vadd.s32 v21, v5;
	v5 =	vadd.s32 v32, v4;
	v13 =	vld [tilespmem:s7+$0xFFFFFFD0];
	[tilespmem:$0x1FD50] =	vst v0  }
0x231: {  	v0 =	vadd.s32 v49, v57;
	[tilespmem:$0x1FD70] =	vst v5  }
0x232: {  	v5 =	vadd.s32 v23, v54;
	[tilespmem:$0x1FD10] =	vst v0;
	v2 =	vadd.f32 v2, v35  }
0x233: {  	s12 =	simm.s32 $0x7700;
	[tilespmem:$0x1FD40] =	vst v5  }
0x234: {  	v42 =	vld [tilespmem:s12+$0xFFFFFF40];
	[tilespmem:v17+s31+$0x0] =	vst.idx.msk $0xffff, v2;
	v2 =	vadd.s32 v40, v52  }
0x235: {  	[tilespmem:$0x1FD60] =	vst v2;
	v2 =	vld [tilespmem:$0x1FEA0];
	_ =	sdelay $0x4  }
0x236: {  	v2 =	vadd.s32 v2, v57  }
0x237: {  	[tilespmem:$0x1FD80] =	vst v2  }
0x238: {  	v2 =	vld [tilespmem:s12+$0x80]  }
0x239: {  	v62 =	vmov v55;
	v10 =	vadd.s32 v26, v52  }
0x23a: {  	v60 =	vmovc v58;
	v41 =	vadd.s32 v38, v37;
	v16 =	vadd.f32 v16, v36;
	v11 =	vadd.s32 v27, v44  }
0x23b: {  	v63 =	vmovc v61;
	s20 =	simm.s32 $0x8;
	v15 =	vadd.s32 v55, v54;
	v20 =	vadd.s32 v39, v52;
	v0 =	vadd.s32 v31, v4  }
0x23c: {  	v43 =	vmov s20;
	s23 =	simm.s32 $0x9;
	v55 =	vmovc v27;
	v27 =	vmovc v21;
	v21 =	vadd.s32 v47, v50;
	v14 =	vadd.f32 v14, v36  }
0x23d: {  	v61 =	vmov s23;
	v58 =	vmovc v22;
	v22 =	vmovc v32;
	v32 =	vmov v39;
	v7 =	vadd.f32 v7, v35;
	v38 =	vld [tilespmem:s7+$0xFFFFFFA0];
	[tilespmem:$0x1FD20] =	vst v2  }
0x23e: {  	s22 =	simm.s32 $0xF;
	s20 =	simm.s32 $0xA;
	v39 =	vshrl.u32 v61, $0x3;
	v19 =	vadd.f32 v6, v35;
	v13 =	vadd.f32 v13, v35;
	[tilespmem:v10+s31+$0x0] =	vst.idx.msk $0xffff, v16  }
0x23f: {  	s24 =	simm.s32 $0xC;
	v12 =	vmovc v26;
	v26 =	vmovc v48;
	v17 =	vadd.s32 v48, v44;
	v48 =	vmov s22;
	v16 =	vmov s20;
	[tilespmem:v9+s31+$0x0] =	vst.idx.msk $0xffff, v7;
	v46 =	vld [tilespmem:s7+$0x90]  }
0x240: {  	v10 =	vmov s24;
	[tilespmem:v0+s31+$0x0] =	vst.idx.msk $0xffff, v14;
	v9 =	vshrl.u32 v16, $0x3;
	v16 =	vshll.u32 v39, v1;
	v14 =	vld [tilespmem:s7+$0xFFFFFF60]  }
0x241: {  	v10 =	vshrl.u32 v10, $0x3;
	v9 =	vshll.u32 v9, v1;
	v2 =	vbroadcast v16, $0x0  }
0x242: {  	[tilespmem:v11+s31+$0x0] =	vst.idx.msk $0xffff, v19;
	v16 =	vshrl.u32 v48, $0x3;
	v48 =	vld [tilespmem:s12+$0x0];
	v39 =	vbroadcast v9, $0x0;
	v9 =	vshll.u32 v10, v1  }
0x243: {  	[tilespmem:v21+s31+$0x0] =	vst.idx.msk $0xffff, v13;
	v10 =	vadd.f32 v38, v34;
	v40 =	vbroadcast v9, $0x0;
	v9 =	vld [tilespmem:s12+$0xFFFFFF00]  }
0x244: {  	[tilespmem:v15+s31+$0x0] =	vst.idx.msk $0xffff, v8;
	v15 =	vadd.f32 v46, v35  }
0x245: {  	s24 =	simm.s32 $0xE;
	[tilespmem:v41+s31+$0x0] =	vst.idx.msk $0xffff, v10;
	v14 =	vadd.f32 v14, v34  }
0x246: {  	[tilespmem:v20+s31+$0x0] =	vst.idx.msk $0xffff, v15;
	v15 =	vmov s24  }
0x247: {  	v45 =	vld [tilespmem:s12+$0xFFFFFF80];
	[tilespmem:v25+s31+$0x0] =	vst.idx.msk $0xffff, v14;
	v15 =	vshrl.u32 v15, $0x3  }
0x248: {  	v25 =	vadd.f32 v48, v36;
	v48 =	vadd.f32 v9, v36;
	v9 =	vshll.u32 v15, v1;
	v15 =	vld [tilespmem:$0x1FCF0]  }
0x249: {  	v5 =	vadd.s32 v24, v2  }
0x24a: {  	v21 =	vadd.s32 v59, v39;
	v20 =	vld [tilespmem:s7+$0xD0]  }
0x24b: {  	v8 =	vadd.s32 v18, v40  }
0x24c: {  	v29 =	vadd.s32 v56, v54;
	s22 =	simm.s32 $0xD;
	v46 =	vadd.f32 v42, v36  }
0x24d: {  	v7 =	vmov s22;
	[tilespmem:v3+s31+$0x0] =	vst.idx.msk $0xffff, v15;
	v3 =	vadd.f32 v45, v36  }
0x24e: {  	v7 =	vshrl.u32 v7, $0x3;
	[tilespmem:v5+s31+$0x0] =	vst.idx.msk $0xffff, v46  }
0x24f: {  	v7 =	vshll.u32 v7, v1;
	[tilespmem:v21+s31+$0x0] =	vst.idx.msk $0xffff, v3;
	v3 =	vadd.f32 v20, v35  }
0x250: {  	v42 =	vbroadcast v7, $0x0;
	[tilespmem:v8+s31+$0x0] =	vst.idx.msk $0xffff, v25  }
0x251: {  	v0 =	vmov v53;
	[tilespmem:v29+s31+$0x0] =	vst.idx.msk $0xffff, v3  }
0x252: {  	v6 =	vmov v47;
	v47 =	vadd.s32 v0, v42;
	v0 =	vld [tilespmem:$0x1FD00]  }
0x253: {  	v11 =	vld [tilespmem:s7+$0x50]  }
0x254: {  	v14 =	vld [tilespmem:s7+$0x20];
	_ =	sdelay $0x2  }
0x255: {  	v13 =	vshrl.u32 v43, $0x3;
	v43 =	vld [tilespmem:s12+$0xC0]  }
0x256: {  	s23 =	simm.s32 $0xB;
	v11 =	vadd.f32 v11, v35  }
0x257: {  	v59 =	vmov s23;
	v3 =	vadd.f32 v14, v34  }
0x258: {  	v61 =	vld [tilespmem:s12+$0xFFFFFFC0];
	v41 =	vshrl.u32 v59, $0x3;
	[tilespmem:v0+s31+$0x0] =	vst.idx.msk $0xffff, v11  }
0x259: {  	v19 =	vmov v31;
	v15 =	vshll.u32 v41, v1;
	v31 =	vld [tilespmem:$0x1FE20];
	[tilespmem:v17+s31+$0x0] =	vst.idx.msk $0xffff, v3  }
0x25a: {  	v24 =	vmov v49;
	v49 =	vadd.f32 v43, v36;
	v43 =	vbroadcast v15, $0x0;
	v3 =	vld [tilespmem:$0x1FD10]  }
0x25b: {  	v18 =	vld [tilespmem:s7+$0xFFFFFF10]  }
0x25c: {  	v41 =	vbroadcast v9, $0x0;
	v9 =	vadd.s32 v28, v43;
	_ =	sdelay $0x2  }
0x25d: {  	v14 =	vadd.f32 v61, v36  }
0x25e: {  	v59 =	vadd.s32 v12, v41;
	v12 =	vadd.f32 v18, v35  }
0x25f: {  	[tilespmem:v9+s31+$0x0] =	vst.idx.msk $0xffff, v14  }
0x260: {  	v8 =	vld [tilespmem:s7+$0xFFFFFF70];
	[tilespmem:v3+s31+$0x0] =	vst.idx.msk $0xffff, v12  }
0x261: {  	v0 =	vld [tilespmem:$0x1FD20];
	_ =	sdelay $0x4  }
0x262: {  	v12 =	vadd.f32 v8, v33;
	v8 =	vadd.f32 v0, v36;
	v0 =	vld [tilespmem:$0x1FE30];
	_ =	sdelay $0x4  }
0x263: {  	v46 =	vadd.s32 v60, v43;
	v29 =	vmov v0;
	v60 =	vadd.s32 v0, v4;
	v0 =	vld [tilespmem:$0x1FD30];
	_ =	sdelay $0x7  }
0x264: {  	[tilespmem:v0+s31+$0x0] =	vst.idx.msk $0xffff, v12  }
0x265: {  	v0 =	vld [tilespmem:$0x1FFD0];
	_ =	sdelay $0x1  }
0x266: {  	v13 =	vshll.u32 v13, v1  }
0x267: {  	v18 =	vadd.s32 v31, v44;
	v44 =	vbroadcast v13, $0x0;
	_ =	sdelay $0x1  }
0x268: {  	v21 =	vadd.s32 v55, v40;
	v55 =	vadd.s32 v0, v44;
	v0 =	vld [tilespmem:$0x1FD40]  }
0x269: {  	v11 =	vld [tilespmem:s7+$0xE0];
	_ =	sdelay $0x4  }
0x26a: {  	v11 =	vadd.f32 v11, v34;
	_ =	sdelay $0x1  }
0x26b: {  	[tilespmem:v0+s31+$0x0] =	vst.idx.msk $0xffff, v11  }
0x26c: {  	v16 =	vshll.u32 v16, v1;
	v0 =	vld [tilespmem:$0x1FD50]  }
0x26d: {  	v45 =	vbroadcast v16, $0x0;
	v16 =	vld [tilespmem:s7+$0xFFFFFFE0];
	_ =	sdelay $0x4  }
0x26e: {  	v13 =	vadd.f32 v16, v34;
	_ =	sdelay $0x1  }
0x26f: {  	[tilespmem:v0+s31+$0x0] =	vst.idx.msk $0xffff, v13  }
0x270: {  	v5 =	vld [tilespmem:$0x1FD60]  }
0x271: {  	v7 =	vld [tilespmem:s7+$0xA0];
	_ =	sdelay $0x4  }
0x272: {  	v7 =	vadd.f32 v7, v34  }
0x273: {  	v10 =	vld [tilespmem:s12+$0x40]  }
0x274: {  	v0 =	vld [tilespmem:$0x1FE10];
	[tilespmem:v5+s31+$0x0] =	vst.idx.msk $0xffff, v7  }
0x275: {  	v5 =	vld [tilespmem:$0x1FD70]  }
0x276: {  	v9 =	vld [tilespmem:s7+$0x60]  }
0x277: {  	v38 =	vadd.s32 v58, v2;
	v58 =	vld [tilespmem:s7+$0xFFFFFFB0];
	_ =	sdelay $0x3  }
0x278: {  	v15 =	vld [tilespmem:s12+$0x10];
	v53 =	vadd.s32 v62, v45;
	v16 =	vadd.f32 v9, v34  }
0x279: {  	v62 =	vadd.f32 v10, v36;
	v61 =	vadd.f32 v58, v33;
	v58 =	vadd.s32 v32, v41;
	v10 =	vld [tilespmem:s7+$0x30]  }
0x27a: {  	v32 =	vmov v0;
	v9 =	vadd.s32 v0, v50;
	v0 =	vadd.s32 v6, v43;
	v6 =	vld [tilespmem:$0x1FE90];
	[tilespmem:v5+s31+$0x0] =	vst.idx.msk $0xffff, v16  }
0x27b: {  	v5 =	vld [tilespmem:$0x1FE60];
	_ =	sdelay $0x2  }
0x27c: {  	v17 =	vld [tilespmem:s12+$0xFFFFFF50];
	v13 =	vadd.f32 v10, v33  }
0x27d: {  	v4 =	vadd.f32 v15, v35  }
0x27e: {  	v25 =	vadd.s32 v27, v2;
	v27 =	vmov v5;
	v10 =	vadd.s32 v5, v52;
	v5 =	vld [tilespmem:$0x1FE00];
	[tilespmem:v18+s31+$0x0] =	vst.idx.msk $0xffff, v13  }
0x27f: {  	[tilespmem:v21+s31+$0x0] =	vst.idx.msk $0xffff, v4  }
0x280: {  	v63 =	vadd.s32 v63, v2;
	v2 =	vld [tilespmem:$0x1FD80]  }
0x281: {  	v20 =	vadd.f32 v17, v35;
	v17 =	vld [tilespmem:s7+$0xFFFFFF20];
	_ =	sdelay $0x3  }
0x282: {  	v7 =	vld [tilespmem:s7+$0xF0]  }
0x283: {  	v12 =	vld [tilespmem:s12+$0xFFFFFF90];
	v13 =	vadd.f32 v17, v34  }
0x284: {  	v15 =	vld [tilespmem:s12+$0xFFFFFFD0];
	[tilespmem:v25+s31+$0x0] =	vst.idx.msk $0xffff, v20  }
0x285: {  	[tilespmem:v2+s31+$0x0] =	vst.idx.msk $0xffff, v13  }
0x286: {  	v4 =	vld [tilespmem:$0x1FF10]  }
0x287: {  	v17 =	vadd.f32 v7, v33;
	v7 =	vld [tilespmem:$0x1FE50]  }
0x288: {  	v14 =	vadd.f32 v12, v35;
	v12 =	vld [tilespmem:s7+$0xB0]  }
0x289: {  	v11 =	vadd.s32 v6, v54;
	v6 =	vadd.f32 v15, v35;
	v15 =	vld [tilespmem:s7+$0xFFFFFFF0];
	v16 =	vadd.s32 v19, v42  }
0x28a: {  	v56 =	vadd.s32 v56, v45;
	v3 =	vadd.s32 v51, v39;
	v2 =	vld [tilespmem:s7+$0x70]  }
0x28b: {  	v50 =	vadd.s32 v22, v42;
	v54 =	vadd.s32 v24, v44;
	v52 =	vadd.s32 v23, v45;
	v13 =	vld [tilespmem:s7+$0xFFFFFF30]  }
0x28c: {  	s13 =	simm.s32 $0x10;
	s17 =	simm.s32 $0x7900;
	v5 =	vadd.s32 v5, v57;
	v28 =	vld [tilespmem:$0x1FEB0];
	v4 =	vadd.s32 v4, v39;
	v51 =	vadd.s32 v7, v41  }
.LBB2_11:
0x28d: {  	v18 =	vld [tilespmem:s17+$0xFFFFFF40]  }
0x28e: {  	v7 =	vld [tilespmem:$0x1FEA0];
	[tilespmem:v16+s31+$0x0] =	vst.idx.msk $0xffff, v62  }
0x28f: {  	v62 =	vld [tilespmem:s17+$0x0];
	[tilespmem:v59+s31+$0x0] =	vst.idx.msk $0xffff, v8  }
0x290: {  	[tilespmem:v3+s31+$0x0] =	vst.idx.msk $0xffff, v14;
	v8 =	vld [tilespmem:s17+$0x80]  }
0x291: {  	s22 =	smov.u32 s13;
	v21 =	vld [tilespmem:s12+$0xFFFFFFA0]  }
0x292: {  	s20 =	sadd.s32 $0x2, s22;
	[tilespmem:v11+s31+$0x0] =	vst.idx.msk $0xffff, v17;
	v23 =	vld [tilespmem:s17+$0xFFFFFF80]  }
0x293: {  	v22 =	vadd.s32 v28, v37;
	v17 =	vmov s20;
	v24 =	vld [tilespmem:s17+$0xC0];
	v3 =	vadd.f32 v15, v33  }
0x294: {  	[tilespmem:v53+s31+$0x0] =	vst.idx.msk $0xffff, v49;
	v16 =	vshrl.u32 v17, $0x3;
	v17 =	vld [tilespmem:s12+$0x50];
	v13 =	vadd.f32 v13, v33  }
0x295: {  	s19 =	sadd.s32 $0x7, s13;
	v19 =	vmov s22;
	s23 =	sadd.s32 $0x4, s22;
	s24 =	sadd.s32 $0x5, s22;
	v12 =	vadd.f32 v12, v33;
	[tilespmem:v9+s31+$0x0] =	vst.idx.msk $0xffff, v3;
	v9 =	vshll.u32 v16, v1;
	v16 =	vld [tilespmem:s12+$0x90]  }
0x296: {  	s7 =	sadd.s32 $0x6, s22;
	v20 =	vmov s19;
	s19 =	sadd.s32 $0x1, s22;
	s22 =	sadd.s32 $0x3, s22;
	v14 =	vmov s23;
	[tilespmem:v5+s31+$0x0] =	vst.idx.msk $0xffff, v13;
	v13 =	vshrl.u32 v19, $0x3;
	v19 =	vld [tilespmem:$0x1FF90]  }
0x297: {  	v11 =	vmov s19;
	v59 =	vmov s22;
	[tilespmem:v10+s31+$0x0] =	vst.idx.msk $0xffff, v12;
	v12 =	vld [tilespmem:s12+$0xFFFFFF60]  }
0x298: {  	v11 =	vshrl.u32 v11, $0x3;
	v57 =	vadd.s32 v7, v44;
	[tilespmem:v22+s31+$0x0] =	vst.idx.msk $0xffff, v61;
	v3 =	vadd.f32 v2, v33;
	v5 =	vld [tilespmem:s17+$0xFFFFFF00]  }
0x299: {  	v37 =	vmovc v39;
	v7 =	vadd.s32 v26, v40;
	v61 =	vld [tilespmem:$0x1FF50];
	v10 =	vshrl.u32 v14, $0x3;
	v39 =	vbroadcast v9, $0x0;
	[tilespmem:v0+s31+$0x0] =	vst.idx.msk $0xffff, v6  }
0x29a: {  	v2 =	vshll.u32 v11, v1;
	v11 =	vshrl.u32 v20, $0x3;
	v0 =	vld [tilespmem:$0x1FEE0];
	[tilespmem:v60+s31+$0x0] =	vst.idx.msk $0xffff, v3;
	v3 =	vshll.u32 v10, v1  }
0x29b: {  	v10 =	vadd.f32 v21, v34;
	v21 =	vadd.f32 v62, v36;
	v62 =	vld [tilespmem:$0x1FF80];
	v19 =	vadd.s32 v19, v39  }
0x29c: {  	v22 =	vshrl.u32 v59, $0x3;
	v14 =	vld [tilespmem:$0x1FF40];
	v6 =	vshll.u32 v11, v1;
	[tilespmem:v55+s31+$0x0] =	vst.idx.msk $0xffff, v48;
	v16 =	vadd.f32 v16, v35  }
0x29d: {  	v11 =	vld [tilespmem:s12+$0x20];
	v3 =	vbroadcast v3, $0x0;
	[tilespmem:v4+s31+$0x0] =	vst.idx.msk $0xffff, v10;
	v12 =	vadd.f32 v12, v34;
	v5 =	vadd.f32 v5, v36  }
0x29e: {  	v22 =	vshll.u32 v22, v1;
	v23 =	vadd.f32 v23, v36;
	[tilespmem:v58+s31+$0x0] =	vst.idx.msk $0xffff, v16;
	v16 =	vld [tilespmem:s12+$0xD0]  }
0x29f: {  	v0 =	vadd.s32 v0, v3;
	[tilespmem:v63+s31+$0x0] =	vst.idx.msk $0xffff, v12;
	v12 =	vld [tilespmem:s12+$0xFFFFFFB0];
	v48 =	vmov v5;
	v5 =	vbroadcast v22, $0x0  }
0x2a0: {  	v22 =	vadd.s32 v31, v40;
	v40 =	vmov v3;
	[tilespmem:v19+s31+$0x0] =	vst.idx.msk $0xffff, v23;
	v23 =	vadd.s32 v62, v3;
	v3 =	vld [tilespmem:$0x1FF70]  }
0x2a1: {  	v55 =	vld [tilespmem:s12+$0xFFFFFF10]  }
0x2a2: {  	v15 =	vmov s24;
	v2 =	vbroadcast v2, $0x0;
	v9 =	vld [tilespmem:s17+$0x40]  }
0x2a3: {  	v15 =	vshrl.u32 v15, $0x3;
	v10 =	vld [tilespmem:s17+$0xFFFFFFC0];
	v16 =	vadd.f32 v16, v35  }
0x2a4: {  	v15 =	vshll.u32 v15, v1;
	v20 =	vadd.s32 v61, v2;
	v61 =	vld [tilespmem:$0x1FF30]  }
0x2a5: {  	v11 =	vadd.f32 v11, v34;
	[tilespmem:v56+s31+$0x0] =	vst.idx.msk $0xffff, v16;
	v16 =	vadd.s32 v3, v5;
	v3 =	vld [tilespmem:$0x1FF60]  }
0x2a6: {  	[tilespmem:v0+s31+$0x0] =	vst.idx.msk $0xffff, v21;
	v0 =	vbroadcast v15, $0x0;
	v15 =	vld [tilespmem:s12+$0xA0]  }
0x2a7: {  	v17 =	vadd.f32 v17, v35;
	v4 =	vadd.f32 v18, v36;
	v18 =	vmov s7;
	v19 =	vld [tilespmem:s17+$0x10];
	[tilespmem:v7+s31+$0x0] =	vst.idx.msk $0xffff, v11  }
0x2a8: {  	v14 =	vadd.s32 v14, v2;
	v62 =	vadd.f32 v9, v36;
	v9 =	vadd.f32 v55, v35;
	v11 =	vld [tilespmem:s12+$0x30]  }
0x2a9: {  	[tilespmem:v47+s31+$0x0] =	vst.idx.msk $0xffff, v17;
	v18 =	vshrl.u32 v18, $0x3;
	v17 =	vld [tilespmem:s12+$0xE0]  }
0x2aa: {  	[tilespmem:v54+s31+$0x0] =	vst.idx.msk $0xffff, v9;
	v9 =	vadd.s32 v32, v43;
	v43 =	vmov v5;
	v56 =	vadd.s32 v3, v5;
	v5 =	vld [tilespmem:$0x1FE90]  }
0x2ab: {  	v18 =	vshll.u32 v18, v1  }
0x2ac: {  	v18 =	vbroadcast v18, $0x0;
	v25 =	vld [tilespmem:s12+$0xFFFFFF70]  }
0x2ad: {  	[tilespmem:v14+s31+$0x0] =	vst.idx.msk $0xffff, v4;
	v4 =	vadd.f32 v10, v36;
	v10 =	vld [tilespmem:s12+$0xFFFFFFE0]  }
0x2ae: {  	v59 =	vadd.s32 v61, v18;
	v7 =	vld [tilespmem:s12+$0x60];
	v61 =	vadd.f32 v12, v33;
	v12 =	vadd.f32 v15, v34  }
0x2af: {  	v15 =	vadd.f32 v17, v34;
	v17 =	vadd.f32 v11, v33;
	v11 =	vadd.s32 v5, v45;
	v5 =	vld [tilespmem:$0x1FE70];
	_ =	sdelay $0x1  }
0x2b0: {  	v49 =	vadd.f32 v24, v36;
	v24 =	vld [tilespmem:$0x1FF00];
	v6 =	vbroadcast v6, $0x0  }
0x2b1: {  	v60 =	vld [tilespmem:$0x1FEC0];
	v10 =	vadd.f32 v10, v34;
	[tilespmem:v16+s31+$0x0] =	vst.idx.msk $0xffff, v4  }
0x2b2: {  	v7 =	vadd.f32 v7, v34;
	v16 =	vld [tilespmem:s17+$0xFFFFFFD0];
	v45 =	vmov v6  }
0x2b3: {  	[tilespmem:v46+s31+$0x0] =	vst.idx.msk $0xffff, v10;
	v46 =	vmov v56;
	v56 =	vadd.s32 v5, v45;
	v5 =	vld [tilespmem:$0x1FE00]  }
0x2b4: {  	[tilespmem:v50+s31+$0x0] =	vst.idx.msk $0xffff, v7;
	v7 =	vld [tilespmem:$0x1FFF0]  }
0x2b5: {  	v13 =	vshll.u32 v13, v1  }
0x2b6: {  	v13 =	vbroadcast v13, $0x0  }
0x2b7: {  	v63 =	vld [tilespmem:$0x1FFC0];
	v21 =	vadd.s32 v60, v2;
	v60 =	vadd.s32 v29, v42  }
0x2b8: {  	v24 =	vadd.s32 v24, v0;
	v42 =	vmovc v0;
	v0 =	vld [tilespmem:$0x1FFD0];
	v5 =	vadd.s32 v5, v44;
	v44 =	vmov v13  }
0x2b9: {  	v54 =	vadd.s32 v7, v44;
	v7 =	vld [tilespmem:$0x1FFB0];
	_ =	sdelay $0x3  }
0x2ba: {  	v14 =	vld [tilespmem:s17+$0xFFFFFF50];
	v53 =	vadd.s32 v63, v6;
	v55 =	vadd.s32 v0, v13  }
0x2bb: {  	v0 =	vadd.f32 v25, v33;
	v6 =	vadd.f32 v16, v35;
	v16 =	vadd.s32 v7, v42;
	v7 =	vld [tilespmem:$0x1FED0]  }
0x2bc: {  	v4 =	vld [tilespmem:s12+$0xFFFFFF20]  }
0x2bd: {  	[tilespmem:v38+s31+$0x0] =	vst.idx.msk $0xffff, v0;
	v0 =	vld [tilespmem:$0x1FE40]  }
0x2be: {  	v47 =	vmov v24;
	v24 =	vld [tilespmem:s17+$0xFFFFFF90]  }
0x2bf: {  	v3 =	vld [tilespmem:$0x1FFE0]  }
0x2c0: {  	[tilespmem:v52+s31+$0x0] =	vst.idx.msk $0xffff, v15;
	v63 =	vadd.s32 v7, v2;
	v2 =	vld [tilespmem:$0x1FF20]  }
0x2c1: {  	v38 =	vmov v20;
	v20 =	vld [tilespmem:s12+$0xF0];
	v4 =	vadd.f32 v4, v34  }
0x2c2: {  	v58 =	vadd.s32 v0, v18;
	v0 =	vld [tilespmem:$0x1FEF0]  }
0x2c3: {  	[tilespmem:v57+s31+$0x0] =	vst.idx.msk $0xffff, v4;
	v4 =	vld [tilespmem:$0x1FF10]  }
0x2c4: {  	v25 =	vadd.f32 v14, v35;
	v7 =	vld [tilespmem:$0x1FE50]  }
0x2c5: {  	p1 =	slt.u32 s13, $0x78;
	[tilespmem:v51+s31+$0x0] =	vst.idx.msk $0xffff, v12;
	v50 =	vadd.s32 v2, v42;
	v2 =	vld [tilespmem:$0x1FE80]  }
.Ltmp4:
0x2c6: {  	v19 =	vadd.f32 v19, v35;
	[tilespmem:v21+s31+$0x0] =	vst.idx.msk $0xffff, v25;
	(pc) =	sbr.rel @p1 .LBB2_11-.Ltmp4, $4  }
0x2c7: {  	v8 =	vadd.f32 v8, v36;
	v12 =	vld [tilespmem:s12+$0xB0];
	[tilespmem:v22+s31+$0x0] =	vst.idx.msk $0xffff, v17  }
0x2c8: {  	v14 =	vadd.f32 v24, v35;
	v10 =	vadd.s32 v27, v41;
	v15 =	vld [tilespmem:s12+$0xFFFFFFF0];
	[tilespmem:v23+s31+$0x0] =	vst.idx.msk $0xffff, v19  }
0x2c9: {  	v41 =	vmovc v18;
	v3 =	vadd.s32 v3, v39;
	v17 =	vadd.f32 v20, v33;
	v0 =	vadd.s32 v0, v43;
	v13 =	vld [tilespmem:s12+$0xFFFFFF30]  }
0x2ca: {  	s13 =	sadd.s32 $0x8, s13;
	v4 =	vadd.s32 v4, v39;
	v51 =	vadd.s32 v7, v41;
	v52 =	vadd.s32 v2, v45;
	v2 =	vld [tilespmem:s12+$0x70];
	s12 =	smov.u32 s17;
	s17 =	sadd.s32 $0x200, s17  }
0x2cb: {  	_ =	sdelay $0x3  }
0x2cc: {  	[tilespmem:v59+s31+$0x0] =	vst.idx.msk $0xffff, v8  }
0x2cd: {  	[tilespmem:v3+s31+$0x0] =	vst.idx.msk $0xffff, v14  }
0x2ce: {  	[tilespmem:v53+s31+$0x0] =	vst.idx.msk $0xffff, v49  }
0x2cf: {  	[tilespmem:v11+s31+$0x0] =	vst.idx.msk $0xffff, v17;
	v7 =	vld [tilespmem:s12+$0xD0];
	v3 =	vadd.f32 v15, v33  }
0x2d0: {  	[tilespmem:v16+s31+$0x0] =	vst.idx.msk $0xffff, v62;
	v8 =	vadd.s32 v28, v37  }
0x2d1: {  	[tilespmem:v9+s31+$0x0] =	vst.idx.msk $0xffff, v3;
	v3 =	vld [tilespmem:s12+$0x90]  }
0x2d2: {  	[tilespmem:v55+s31+$0x0] =	vst.idx.msk $0xffff, v48;
	v9 =	vld [tilespmem:s12+$0x50];
	v2 =	vadd.f32 v2, v33  }
0x2d3: {  	[tilespmem:v0+s31+$0x0] =	vst.idx.msk $0xffff, v6  }
0x2d4: {  	[tilespmem:v60+s31+$0x0] =	vst.idx.msk $0xffff, v2;
	v2 =	vld [tilespmem:s12+$0xFFFFFF10];
	v7 =	vadd.f32 v7, v35  }
0x2d5: {  	v11 =	vadd.f32 v12, v33;
	[tilespmem:v8+s31+$0x0] =	vst.idx.msk $0xffff, v61;
	v8 =	vld [tilespmem:s12+$0xFFFFFF60]  }
0x2d6: {  	[tilespmem:v56+s31+$0x0] =	vst.idx.msk $0xffff, v7;
	v7 =	vld [tilespmem:s12+$0x20];
	v3 =	vadd.f32 v3, v35  }
0x2d7: {  	[tilespmem:v10+s31+$0x0] =	vst.idx.msk $0xffff, v11;
	v0 =	vadd.f32 v9, v35  }
0x2d8: {  	v9 =	vadd.f32 v13, v33;
	[tilespmem:v58+s31+$0x0] =	vst.idx.msk $0xffff, v3;
	v3 =	vadd.s32 v26, v40  }
0x2d9: {  	v10 =	vld [tilespmem:s12+$0xFFFFFFE0];
	[tilespmem:v47+s31+$0x0] =	vst.idx.msk $0xffff, v0;
	v2 =	vadd.f32 v2, v35  }
0x2da: {  	v6 =	vld [tilespmem:s12+$0xE0];
	[tilespmem:v5+s31+$0x0] =	vst.idx.msk $0xffff, v9;
	v5 =	vadd.f32 v8, v34  }
0x2db: {  	v0 =	vld [tilespmem:s12+$0xA0];
	v7 =	vadd.f32 v7, v34;
	[tilespmem:v54+s31+$0x0] =	vst.idx.msk $0xffff, v2  }
0x2dc: {  	v8 =	vld [tilespmem:s12+$0x60];
	[tilespmem:v63+s31+$0x0] =	vst.idx.msk $0xffff, v5  }
0x2dd: {  	v9 =	vld [tilespmem:s12+$0xFFFFFFA0];
	[tilespmem:v3+s31+$0x0] =	vst.idx.msk $0xffff, v7  }
0x2de: {  	v47 =	vld [tilespmem:$0x1FEA0]  }
0x2df: {  	v5 =	vadd.f32 v6, v34;
	v6 =	vld [tilespmem:s12+$0xFFFFFF70]  }
0x2e0: {  	v3 =	vadd.f32 v10, v34;
	v10 =	vld [tilespmem:s12+$0x30]  }
0x2e1: {  	v2 =	vld [tilespmem:s12+$0xFFFFFF20];
	v0 =	vadd.f32 v0, v34;
	[tilespmem:v52+s31+$0x0] =	vst.idx.msk $0xffff, v5;
	v5 =	vadd.f32 v8, v34  }
0x2e2: {  	v8 =	vadd.f32 v9, v34;
	v9 =	vadd.s32 v31, v40;
	[tilespmem:v46+s31+$0x0] =	vst.idx.msk $0xffff, v3  }
0x2e3: {  	[tilespmem:v51+s31+$0x0] =	vst.idx.msk $0xffff, v0;
	v7 =	vadd.s32 v47, v44  }
0x2e4: {  	v25 =	vld [tilespmem:$0x1FE90];
	[tilespmem:v4+s31+$0x0] =	vst.idx.msk $0xffff, v8;
	v4 =	vadd.f32 v6, v33  }
0x2e5: {  	[tilespmem:v50+s31+$0x0] =	vst.idx.msk $0xffff, v5;
	v10 =	vadd.f32 v10, v33  }
0x2e6: {  	v3 =	vld [tilespmem:s12+$0xF0];
	v2 =	vadd.f32 v2, v34;
	[tilespmem:v38+s31+$0x0] =	vst.idx.msk $0xffff, v4  }
0x2e7: {  	v11 =	vld [tilespmem:s12+$0xFFFFFFF0];
	[tilespmem:v9+s31+$0x0] =	vst.idx.msk $0xffff, v10  }
0x2e8: {  	v5 =	vld [tilespmem:s12+$0xB0];
	[tilespmem:v7+s31+$0x0] =	vst.idx.msk $0xffff, v2  }
0x2e9: {  	v0 =	vadd.s32 v25, v45;
	v24 =	vld [tilespmem:$0x1FE00]  }
0x2ea: {  	v6 =	vadd.s32 v32, v43;
	v8 =	vld [tilespmem:s12+$0x70]  }
0x2eb: {  	v13 =	vadd.s32 v27, v41;
	v12 =	vld [tilespmem:s12+$0xFFFFFFB0]  }
0x2ec: {  	v3 =	vadd.f32 v3, v33;
	v2 =	vadd.s32 v29, v42;
	v4 =	vld [tilespmem:s12+$0xFFFFFF30]  }
0x2ed: {  	v9 =	vadd.s32 v28, v39;
	v7 =	vadd.f32 v11, v33  }
0x2ee: {  	[tilespmem:v0+s31+$0x0] =	vst.idx.msk $0xffff, v3;
	v0 =	vadd.f32 v5, v33;
	v10 =	vadd.s32 v24, v44  }
0x2ef: {  	[tilespmem:v6+s31+$0x0] =	vst.idx.msk $0xffff, v7;
	v3 =	vadd.f32 v8, v33  }
0x2f0: {  	v5 =	vadd.f32 v12, v33;
	[tilespmem:v13+s31+$0x0] =	vst.idx.msk $0xffff, v0  }
0x2f1: {  	[tilespmem:v2+s31+$0x0] =	vst.idx.msk $0xffff, v3;
	v0 =	vadd.f32 v4, v33  }
0x2f2: {  	[tilespmem:v9+s31+$0x0] =	vst.idx.msk $0xffff, v5  }
0x2f3: {  	s6 =	sadd.s32 @!p0 s10, s6;
	[tilespmem:v10+s31+$0x0] =	vst.idx.msk $0xffff, v0  }
0x2f4: {  	s7 =	simm.s32 @!p0 $0x80;
	s13 =	simm.s32 @!p0 $0x3300;
	_ =	swait.ge [sflag:s0], $0x2000  }
0x2f5: {  	s20 =	simm.s32 $0x0;
	s6 =	sshrl.u32 @!p0 s6, $0x3;
	[sflag:s0] =	ssyncset.done $0x0  }
0x2f6: {  	s6 =	sadd.s32 @!p0 s5, s6;
	s12 =	simm.s32 @!p0 $0x1000;
	[sflag:s0] =	ssyncadd.s32 $0xFFFFE000  }
0x2f7: {  	v45 =	vld [tilespmem:$0x1FFD0];
	[tilespmem:s13], [sflag:$0x8] =	stream.strided.gather @!p0 [hbm4b:s6+s7], $0x100, s12, s7, $0x38  }
0x2f8: {  	v0 =	vmov s20;
	v54 =	vld [tilespmem:$0x1FFC0];
	s6 =	sor.u32 $0x3, s16  }
0x2f9: {  	s24 =	simm.s32 $0x95F0;
	v0 =	vshrl.u32 v0, $0x3;
	v57 =	vld [tilespmem:$0x1FF90];
	s22 =	sshll.u32 s6, $0x6  }
0x2fa: {  	v0 =	vshll.u32 v0, $0x3;
	v2 =	vld [tilespmem:s24+$0xFFFFFE10];
	s23 =	sand.u32 $0x3FFFFFC0, s22  }
0x2fb: {  	v39 =	vbroadcast v0, $0x0;
	v36 =	vld [tilespmem:s23+$0x0]  }
0x2fc: {  	v53 =	vld [tilespmem:$0x1FEE0]  }
0x2fd: {  	v3 =	vld [tilespmem:s24+$0xFFFFFFD0];
	v0 =	vadd.s32 v45, v39  }
0x2fe: {  	v4 =	vld [tilespmem:s24+$0xFFFFFE90]  }
0x2ff: {  	v5 =	vld [tilespmem:s24+$0xFFFFFF10]  }
0x300: {  	v35 =	vld [tilespmem:s23+$0x10];
	v6 =	vadd.s32 v54, v39;
	v2 =	vadd.f32 v2, v36  }
0x301: {  	v34 =	vld [tilespmem:s23+$0x20];
	v7 =	vadd.s32 v57, v39  }
0x302: {  	v33 =	vld [tilespmem:s23+$0x30];
	[tilespmem:v0+s1+$0x0] =	vst.idx.msk $0xffff, v2  }
0x303: {  	v8 =	vadd.s32 v53, v39;
	v0 =	vadd.f32 v3, v36;
	v23 =	vld [tilespmem:$0x1FF40]  }
0x304: {  	v2 =	vadd.f32 v4, v36  }
0x305: {  	v9 =	vld [tilespmem:s24+$0xFFFFFE50];
	[tilespmem:v6+s1+$0x0] =	vst.idx.msk $0xffff, v0  }
0x306: {  	v5 =	vadd.f32 v5, v36;
	v3 =	vld [tilespmem:s24+$0xFFFFFE20];
	[tilespmem:v7+s1+$0x0] =	vst.idx.msk $0xffff, v2  }
0x307: {  	v20 =	vld [tilespmem:$0x1FFF0]  }
0x308: {  	v59 =	vld [tilespmem:$0x1FF30];
	[tilespmem:v8+s1+$0x0] =	vst.idx.msk $0xffff, v5;
	v10 =	vadd.s32 v23, v39  }
0x309: {  	v55 =	vld [tilespmem:$0x1FE70]  }
0x30a: {  	v30 =	vmov v31;
	v31 =	vld [tilespmem:$0x1FFE0]  }
0x30b: {  	v4 =	vld [tilespmem:s24+$0xFFFFFF90];
	v5 =	vadd.f32 v9, v36  }
0x30c: {  	v2 =	vld [tilespmem:s24+$0xFFFFFFE0];
	v0 =	vadd.s32 v20, v39  }
0x30d: {  	v7 =	vld [tilespmem:s24+$0xFFFFFEA0];
	v6 =	vadd.s32 v59, v39;
	[tilespmem:v10+s1+$0x0] =	vst.idx.msk $0xffff, v5  }
0x30e: {  	v9 =	vadd.s32 v55, v39;
	v62 =	vld [tilespmem:$0x1FF80]  }
0x30f: {  	v3 =	vadd.f32 v3, v35;
	v12 =	vadd.s32 v31, v39;
	v61 =	vld [tilespmem:$0x1FF70]  }
0x310: {  	v4 =	vadd.f32 v4, v36  }
0x311: {  	v8 =	vld [tilespmem:s24+$0xFFFFFF20];
	[tilespmem:v0+s1+$0x0] =	vst.idx.msk $0xffff, v3;
	v0 =	vadd.f32 v2, v35  }
0x312: {  	v11 =	vld [tilespmem:s24+$0xFFFFFED0];
	[tilespmem:v6+s1+$0x0] =	vst.idx.msk $0xffff, v4;
	v2 =	vadd.f32 v7, v35  }
0x313: {  	[tilespmem:v9+s1+$0x0] =	vst.idx.msk $0xffff, v0;
	v5 =	vadd.s32 v62, v39  }
0x314: {  	[tilespmem:v12+s1+$0x0] =	vst.idx.msk $0xffff, v2;
	v10 =	vadd.s32 v61, v39  }
0x315: {  	v48 =	vld [tilespmem:$0x1FFB0]  }
0x316: {  	v0 =	vadd.f32 v8, v35  }
0x317: {  	v13 =	vld [tilespmem:s24+$0xFFFFFF50];
	v2 =	vadd.f32 v11, v36  }
0x318: {  	v3 =	vld [tilespmem:s24+$0xFFFFFE30];
	[tilespmem:v5+s1+$0x0] =	vst.idx.msk $0xffff, v0  }
0x319: {  	v8 =	vld [tilespmem:s24+$0xFFFFFEB0];
	[tilespmem:v10+s1+$0x0] =	vst.idx.msk $0xffff, v2  }
0x31a: {  	v41 =	vmov v27;
	v7 =	vadd.s32 v48, v39;
	v27 =	vld [tilespmem:$0x1FEF0]  }
0x31b: {  	v2 =	vadd.s32 v47, v39;
	v50 =	vld [tilespmem:$0x1FE40]  }
0x31c: {  	v58 =	vld [tilespmem:$0x1FF20]  }
0x31d: {  	v16 =	vmov v26;
	v26 =	vmov v29;
	v0 =	vadd.f32 v13, v36;
	v29 =	vld [tilespmem:$0x1FF10]  }
0x31e: {  	v3 =	vadd.f32 v3, v34;
	v52 =	vld [tilespmem:$0x1FE50]  }
0x31f: {  	v22 =	vld [tilespmem:$0x1FEC0];
	[tilespmem:v7+s1+$0x0] =	vst.idx.msk $0xffff, v0  }
0x320: {  	v5 =	vld [tilespmem:s24+$0xFFFFFF30];
	[tilespmem:v2+s1+$0x0] =	vst.idx.msk $0xffff, v3  }
0x321: {  	v56 =	vld [tilespmem:$0x1FE80]  }
0x322: {  	v46 =	vmov v32;
	v32 =	vmov v16;
	v16 =	vadd.s32 v16, v39;
	v14 =	vld [tilespmem:s24+$0xFFFFFE60]  }
0x323: {  	s7 =	simm.s32 $0x8;
	v12 =	vld [tilespmem:s24+$0xFFFFFEE0];
	v19 =	vadd.s32 v29, v39  }
0x324: {  	v15 =	vmov s7;
	v6 =	vld [tilespmem:s24+$0xFFFFFFF0];
	v22 =	vadd.s32 v22, v39  }
0x325: {  	s12 =	simm.s32 $0x97F0;
	v15 =	vshrl.u32 v15, $0x3;
	v4 =	vld [tilespmem:s24+$0xFFFFFFA0];
	v9 =	vadd.s32 v27, v39;
	v3 =	vadd.f32 v5, v34  }
0x326: {  	v15 =	vshll.u32 v15, $0x3;
	v8 =	vadd.f32 v8, v34;
	v13 =	vld [tilespmem:s12+$0xFFFFFE50];
	v0 =	vadd.s32 v56, v39  }
0x327: {  	v37 =	vbroadcast v15, $0x0;
	v14 =	vadd.f32 v14, v35;
	v2 =	vld [tilespmem:s12+$0xFFFFFE10];
	[tilespmem:v16+s1+$0x0] =	vst.idx.msk $0xffff, v3  }
0x328: {  	v7 =	vld [tilespmem:s12+$0xFFFFFE90];
	v12 =	vadd.f32 v12, v35;
	[tilespmem:v19+s1+$0x0] =	vst.idx.msk $0xffff, v8  }
0x329: {  	v6 =	vadd.f32 v6, v34;
	v3 =	vadd.s32 v45, v37;
	v16 =	vld [tilespmem:$0x1FED0];
	[tilespmem:v22+s1+$0x0] =	vst.idx.msk $0xffff, v14  }
0x32a: {  	v5 =	vld [tilespmem:s12+$0xFFFFFF10];
	[tilespmem:v9+s1+$0x0] =	vst.idx.msk $0xffff, v12;
	v9 =	vadd.s32 v57, v37  }
0x32b: {  	v10 =	vadd.s32 v50, v39;
	v12 =	vld [tilespmem:s24+$0xFFFFFE40];
	[tilespmem:v0+s1+$0x0] =	vst.idx.msk $0xffff, v6  }
0x32c: {  	v2 =	vadd.f32 v2, v36;
	v8 =	vadd.s32 v23, v37;
	v51 =	vld [tilespmem:$0x1FF00]  }
0x32d: {  	v15 =	vld [tilespmem:s12+$0xFFFFFFD0];
	v7 =	vadd.f32 v7, v36;
	v14 =	vadd.s32 v24, v39  }
0x32e: {  	v18 =	vld [tilespmem:s12+$0xFFFFFF90];
	[tilespmem:v3+s1+$0x0] =	vst.idx.msk $0xffff, v2;
	v3 =	vadd.f32 v4, v35;
	v4 =	vadd.s32 v53, v37  }
0x32f: {  	v63 =	vld [tilespmem:s24+$0xFFFFFF60];
	v13 =	vadd.f32 v13, v36;
	[tilespmem:v9+s1+$0x0] =	vst.idx.msk $0xffff, v7;
	v9 =	vadd.s32 v54, v37  }
0x330: {  	v12 =	vadd.f32 v12, v33;
	[tilespmem:v10+s1+$0x0] =	vst.idx.msk $0xffff, v3;
	v10 =	vadd.s32 v59, v37  }
0x331: {  	v5 =	vadd.f32 v5, v36;
	[tilespmem:v8+s1+$0x0] =	vst.idx.msk $0xffff, v13;
	v0 =	vadd.s32 v51, v39  }
0x332: {  	v15 =	vadd.f32 v15, v36;
	v2 =	vld [tilespmem:s24+$0xFFFFFEF0];
	[tilespmem:v14+s1+$0x0] =	vst.idx.msk $0xffff, v12  }
0x333: {  	v8 =	vld [tilespmem:s24+$0xFFFFFEC0];
	v12 =	vadd.f32 v18, v36;
	[tilespmem:v4+s1+$0x0] =	vst.idx.msk $0xffff, v5  }
0x334: {  	v13 =	vadd.f32 v63, v35;
	v3 =	vld [tilespmem:s12+$0xFFFFFE20];
	[tilespmem:v9+s1+$0x0] =	vst.idx.msk $0xffff, v15  }
0x335: {  	v7 =	vld [tilespmem:s24+$0xFFFFFE70];
	[tilespmem:v10+s1+$0x0] =	vst.idx.msk $0xffff, v12  }
0x336: {  	[tilespmem:v0+s1+$0x0] =	vst.idx.msk $0xffff, v13;
	v0 =	vadd.s32 v20, v37;
	v13 =	vld [tilespmem:s12+$0xFFFFFEA0]  }
0x337: {  	v16 =	vadd.s32 v16, v39;
	v60 =	vld [tilespmem:$0x1FF60]  }
0x338: {  	v22 =	vld [tilespmem:s24+$0xFFFFFFB0];
	v5 =	vadd.s32 v31, v37  }
0x339: {  	v11 =	vadd.s32 v28, v39;
	v3 =	vadd.f32 v3, v35;
	v10 =	vld [tilespmem:s24+$0xFFFFFF70]  }
0x33a: {  	v49 =	vmov v28;
	v28 =	vadd.s32 v52, v39;
	v4 =	vld [tilespmem:s24+$0xFFFFFF40];
	v7 =	vadd.f32 v7, v34  }
0x33b: {  	v17 =	vadd.s32 v58, v39;
	[tilespmem:v0+s1+$0x0] =	vst.idx.msk $0xffff, v3;
	v0 =	vadd.f32 v13, v35;
	v3 =	vld [tilespmem:s12+$0xFFFFFFE0]  }
0x33c: {  	v21 =	vld [tilespmem:s12+$0xFFFFFF50];
	v8 =	vadd.f32 v8, v33;
	[tilespmem:v16+s1+$0x0] =	vst.idx.msk $0xffff, v7;
	v9 =	vadd.s32 v60, v39  }
0x33d: {  	v6 =	vld [tilespmem:s12+$0xFFFFFED0];
	v7 =	vadd.f32 v22, v34;
	[tilespmem:v5+s1+$0x0] =	vst.idx.msk $0xffff, v0;
	v5 =	vadd.s32 v55, v37  }
0x33e: {  	v44 =	vld [tilespmem:s12+$0xFFFFFE60];
	[tilespmem:v11+s1+$0x0] =	vst.idx.msk $0xffff, v8;
	v0 =	vadd.f32 v2, v34;
	v2 =	vadd.f32 v10, v34  }
0x33f: {  	v15 =	vld [tilespmem:s12+$0xFFFFFF20];
	[tilespmem:v28+s1+$0x0] =	vst.idx.msk $0xffff, v7  }
0x340: {  	v12 =	vld [tilespmem:s24+$0x0];
	v18 =	vadd.f32 v4, v33;
	[tilespmem:v17+s1+$0x0] =	vst.idx.msk $0xffff, v2;
	v4 =	vadd.f32 v3, v35  }
0x341: {  	v63 =	vld [tilespmem:s24+$0xFFFFFFC0];
	[tilespmem:v9+s1+$0x0] =	vst.idx.msk $0xffff, v0  }
0x342: {  	v43 =	vadd.f32 v21, v36;
	v7 =	vadd.s32 v25, v39;
	v13 =	vld [tilespmem:s24+$0xFFFFFE80];
	[tilespmem:v5+s1+$0x0] =	vst.idx.msk $0xffff, v4  }
0x343: {  	v38 =	vadd.s32 v48, v37;
	v40 =	vadd.s32 v27, v37;
	v16 =	vadd.s32 v62, v37;
	v4 =	vld [tilespmem:$0x1FF50]  }
0x344: {  	v21 =	vmovc v41;
	v42 =	vadd.s32 v50, v37;
	v14 =	vadd.s32 v61, v37;
	v8 =	vadd.s32 v30, v39;
	v17 =	vld [tilespmem:s24+$0xFFFFFF80]  }
0x345: {  	v24 =	vmovc v23;
	v12 =	vadd.f32 v12, v33;
	v25 =	vmovc v45;
	v45 =	vmov v27;
	v2 =	vadd.s32 v41, v39;
	v9 =	vld [tilespmem:s12+$0xFFFFFE30]  }
0x346: {  	v27 =	vmovc v46;
	v41 =	vadd.s32 v58, v37;
	v3 =	vadd.s32 v46, v39;
	v0 =	vld [tilespmem:s12+$0xFFFFFFA0];
	v5 =	vadd.f32 v15, v35  }
0x347: {  	v28 =	vmov v20;
	v13 =	vadd.f32 v13, v33;
	v11 =	vld [tilespmem:s24+$0xFFFFFF00];
	[tilespmem:v7+s1+$0x0] =	vst.idx.msk $0xffff, v12;
	v12 =	vadd.s32 v26, v39  }
0x348: {  	v46 =	vmov v30;
	v7 =	vld [tilespmem:s12+$0xFFFFFFF0];
	[tilespmem:v16+s1+$0x0] =	vst.idx.msk $0xffff, v5;
	v10 =	vadd.s32 v4, v39;
	v4 =	vadd.f32 v6, v36  }
0x349: {  	v30 =	vmov v48;
	[tilespmem:v8+s1+$0x0] =	vst.idx.msk $0xffff, v18;
	v8 =	vld [tilespmem:s12+$0xFFFFFF30];
	v15 =	vadd.f32 v17, v33;
	v39 =	vadd.s32 v49, v37  }
0x34a: {  	v6 =	vadd.f32 v9, v34;
	v9 =	vadd.s32 v47, v37;
	v47 =	vmov v29;
	[tilespmem:v14+s1+$0x0] =	vst.idx.msk $0xffff, v4;
	v4 =	vld [tilespmem:s12+$0xFFFFFEB0]  }
0x34b: {  	s13 =	simm.s32 $0x99F0;
	v29 =	vmovc v21;
	v14 =	vadd.f32 v63, v33;
	v63 =	vmovc v49;
	v49 =	vmov v32;
	v32 =	vmov v26;
	v5 =	vld [tilespmem:s12+$0xFFFFFEE0]  }
.LBB2_13:
0x34c: {  	v16 =	vld [tilespmem:s13+$0xFFFFFE50]  }
0x34d: {  	v20 =	vld [tilespmem:$0x1FEC0]  }
0x34e: {  	v22 =	vld [tilespmem:s13+$0xFFFFFFD0]  }
0x34f: {  	s7 =	sadd.s32 $0x8, s7;
	[tilespmem:v10+s1+$0x0] =	vst.idx.msk $0xffff, v13;
	v13 =	vld [tilespmem:s13+$0xFFFFFF90]  }
0x350: {  	v19 =	vadd.s32 v47, v37;
	[tilespmem:v12+s1+$0x0] =	vst.idx.msk $0xffff, v15;
	v15 =	vld [tilespmem:$0x1FED0];
	v10 =	vadd.f32 v11, v33;
	v11 =	vmov s7  }
0x351: {  	v18 =	vadd.s32 v49, v37;
	[tilespmem:v2+s1+$0x0] =	vst.idx.msk $0xffff, v14;
	v14 =	vld [tilespmem:$0x1FE00];
	v11 =	vshrl.u32 v11, $0x3  }
0x352: {  	v12 =	vld [tilespmem:s13+$0xFFFFFF50];
	[tilespmem:v38+s1+$0x0] =	vst.idx.msk $0xffff, v43;
	v2 =	vshll.u32 v11, $0x3;
	v20 =	vadd.s32 v20, v37  }
0x353: {  	v4 =	vadd.f32 v4, v34;
	[tilespmem:v3+s1+$0x0] =	vst.idx.msk $0xffff, v10;
	v3 =	vld [tilespmem:s13+$0xFFFFFE10];
	v21 =	vbroadcast v2, $0x0  }
0x354: {  	v11 =	vld [tilespmem:s13+$0xFFFFFF10];
	[tilespmem:v9+s1+$0x0] =	vst.idx.msk $0xffff, v6;
	v9 =	vadd.s32 v56, v37;
	v2 =	vadd.f32 v8, v34  }
0x355: {  	v23 =	vadd.f32 v44, v35;
	v8 =	vld [tilespmem:s13+$0xFFFFFE90];
	[tilespmem:v19+s1+$0x0] =	vst.idx.msk $0xffff, v4;
	v10 =	vadd.s32 v25, v21  }
0x356: {  	v4 =	vadd.f32 v5, v35;
	v5 =	vld [tilespmem:s12+$0xFFFFFF60];
	[tilespmem:v18+s1+$0x0] =	vst.idx.msk $0xffff, v2;
	v2 =	vadd.s32 v24, v21  }
0x357: {  	v7 =	vadd.f32 v7, v34;
	v19 =	vld [tilespmem:s12+$0xFFFFFE40];
	[tilespmem:v20+s1+$0x0] =	vst.idx.msk $0xffff, v23  }
0x358: {  	v3 =	vadd.f32 v3, v36;
	v20 =	vld [tilespmem:s13+$0xFFFFFED0];
	[tilespmem:v40+s1+$0x0] =	vst.idx.msk $0xffff, v4  }
0x359: {  	v18 =	vadd.s32 v57, v21;
	v4 =	vadd.f32 v16, v36;
	[tilespmem:v9+s1+$0x0] =	vst.idx.msk $0xffff, v7;
	v7 =	vld [tilespmem:s12+$0xFFFFFEC0]  }
0x35a: {  	v0 =	vadd.f32 v0, v35;
	v6 =	vadd.s32 v51, v37;
	v24 =	vld [tilespmem:s12+$0xFFFFFEF0];
	[tilespmem:v10+s1+$0x0] =	vst.idx.msk $0xffff, v3  }
0x35b: {  	v16 =	vadd.s32 v53, v21;
	v3 =	vadd.f32 v8, v36;
	[tilespmem:v2+s1+$0x0] =	vst.idx.msk $0xffff, v4;
	v8 =	vld [tilespmem:s13+$0xFFFFFE20]  }
0x35c: {  	v15 =	vadd.s32 v15, v37;
	v14 =	vadd.s32 v14, v37;
	[tilespmem:v42+s1+$0x0] =	vst.idx.msk $0xffff, v0;
	v10 =	vld [tilespmem:s12+$0xFFFFFE70]  }
0x35d: {  	v0 =	vadd.s32 v54, v21;
	v9 =	vadd.f32 v19, v33;
	v4 =	vadd.f32 v5, v35;
	v44 =	vld [tilespmem:s13+$0xFFFFFE60]  }
0x35e: {  	v2 =	vadd.s32 v59, v21;
	v5 =	vadd.f32 v11, v36;
	[tilespmem:v18+s1+$0x0] =	vst.idx.msk $0xffff, v3;
	v3 =	vld [tilespmem:s12+$0xFFFFFF40]  }
0x35f: {  	v11 =	vadd.s32 v28, v21;
	[tilespmem:v6+s1+$0x0] =	vst.idx.msk $0xffff, v4;
	v6 =	vadd.f32 v7, v33;
	v7 =	vld [tilespmem:s12+$0xFFFFFFB0]  }
0x360: {  	v43 =	vadd.f32 v12, v36;
	[tilespmem:v16+s1+$0x0] =	vst.idx.msk $0xffff, v5;
	v5 =	vadd.f32 v22, v36;
	v12 =	vld [tilespmem:s13+$0xFFFFFEA0]  }
0x361: {  	v13 =	vadd.f32 v13, v36;
	[tilespmem:v14+s1+$0x0] =	vst.idx.msk $0xffff, v9;
	v22 =	vld [tilespmem:$0x1FF50]  }
0x362: {  	v9 =	vld [tilespmem:s12+$0xFFFFFF70];
	[tilespmem:v0+s1+$0x0] =	vst.idx.msk $0xffff, v5;
	v8 =	vadd.f32 v8, v35  }
0x363: {  	v17 =	vadd.s32 v52, v37;
	[tilespmem:v2+s1+$0x0] =	vst.idx.msk $0xffff, v13;
	v5 =	vld [tilespmem:s12+$0x0];
	v0 =	vadd.f32 v10, v34  }
0x364: {  	v4 =	vadd.s32 v31, v21;
	v10 =	vld [tilespmem:s13+$0xFFFFFFE0];
	[tilespmem:v11+s1+$0x0] =	vst.idx.msk $0xffff, v8  }
0x365: {  	v8 =	vadd.f32 v12, v35;
	v12 =	vld [tilespmem:s13+$0xFFFFFF20];
	[tilespmem:v15+s1+$0x0] =	vst.idx.msk $0xffff, v0;
	v15 =	vadd.f32 v3, v33  }
0x366: {  	v2 =	vadd.s32 v60, v37;
	v0 =	vadd.f32 v7, v34;
	v3 =	vadd.f32 v24, v34;
	v24 =	vld [tilespmem:$0x1FF40]  }
0x367: {  	v38 =	vadd.s32 v30, v21;
	v7 =	vld [tilespmem:s12+$0xFFFFFE80]  }
0x368: {  	v42 =	vadd.s32 v50, v21;
	v9 =	vadd.f32 v9, v34;
	[tilespmem:v17+s1+$0x0] =	vst.idx.msk $0xffff, v0;
	v0 =	vld [tilespmem:$0x1FE90]  }
0x369: {  	v23 =	vadd.s32 v61, v21;
	[tilespmem:v4+s1+$0x0] =	vst.idx.msk $0xffff, v8;
	v4 =	vadd.s32 v55, v21;
	v8 =	vld [tilespmem:s13+$0xFFFFFE30]  }
0x36a: {  	v40 =	vadd.s32 v45, v21;
	v16 =	vadd.s32 v62, v21;
	[tilespmem:v41+s1+$0x0] =	vst.idx.msk $0xffff, v9;
	v17 =	vld [tilespmem:s12+$0xFFFFFFC0]  }
0x36b: {  	v18 =	vadd.s32 v46, v37;
	[tilespmem:v2+s1+$0x0] =	vst.idx.msk $0xffff, v3;
	v2 =	vadd.s32 v29, v37;
	v19 =	vld [tilespmem:s12+$0xFFFFFF80]  }
0x36c: {  	v11 =	vadd.f32 v10, v35;
	[tilespmem:v39+s1+$0x0] =	vst.idx.msk $0xffff, v6;
	v6 =	vadd.f32 v20, v36;
	v20 =	vld [tilespmem:$0x1FEA0]  }
0x36d: {  	p0 =	slt.u32 s7, $0x78;
	v5 =	vadd.f32 v5, v33;
	v3 =	vadd.s32 v27, v37;
	v14 =	vadd.s32 v0, v37;
	v0 =	vld [tilespmem:s13+$0xFFFFFFA0]  }
.Ltmp5:
0x36e: {  	v10 =	vadd.s32 v22, v37;
	v9 =	vadd.f32 v12, v35;
	[tilespmem:v4+s1+$0x0] =	vst.idx.msk $0xffff, v11;
	v11 =	vld [tilespmem:s12+$0xFFFFFF00];
	(pc) =	sbr.rel @p0 .LBB2_13-.Ltmp5, $4  }
0x36f: {  	v12 =	vadd.s32 v32, v37;
	v13 =	vadd.f32 v7, v33;
	v37 =	vmov v21;
	v4 =	vld [tilespmem:s13+$0xFFFFFEB0];
	[tilespmem:v23+s1+$0x0] =	vst.idx.msk $0xffff, v6  }
0x370: {  	s12 =	smov.u32 s13;
	v6 =	vadd.f32 v8, v34;
	[tilespmem:v16+s1+$0x0] =	vst.idx.msk $0xffff, v9;
	v7 =	vld [tilespmem:s13+$0xFFFFFFF0];
	v39 =	vadd.s32 v63, v37  }
0x371: {  	v41 =	vadd.s32 v58, v37;
	v9 =	vadd.s32 v20, v37;
	v8 =	vld [tilespmem:s12+$0xFFFFFF30];
	[tilespmem:v18+s1+$0x0] =	vst.idx.msk $0xffff, v15  }
0x372: {  	v15 =	vadd.f32 v19, v33;
	[tilespmem:v14+s1+$0x0] =	vst.idx.msk $0xffff, v5;
	v14 =	vadd.f32 v17, v33;
	v5 =	vld [tilespmem:s13+$0xFFFFFEE0];
	s13 =	sadd.s32 $0x200, s13  }
0x373: {  	_ =	sdelay $0x3  }
0x374: {  	[tilespmem:v38+s1+$0x0] =	vst.idx.msk $0xffff, v43  }
0x375: {  	v26 =	vmov v31;
	v31 =	vld [tilespmem:$0x1FEC0];
	_ =	sdelay $0x1  }
0x376: {  	v16 =	vld [tilespmem:s12+$0xFFFFFF60];
	_ =	sdelay $0x1  }
0x377: {  	v50 =	vadd.s32 v51, v37;
	[tilespmem:v10+s1+$0x0] =	vst.idx.msk $0xffff, v13  }
0x378: {  	v11 =	vadd.f32 v11, v33;
	[tilespmem:v12+s1+$0x0] =	vst.idx.msk $0xffff, v15;
	v17 =	vadd.s32 v31, v37  }
0x379: {  	v0 =	vadd.f32 v0, v35;
	[tilespmem:v2+s1+$0x0] =	vst.idx.msk $0xffff, v14  }
0x37a: {  	[tilespmem:v3+s1+$0x0] =	vst.idx.msk $0xffff, v11;
	v3 =	vadd.f32 v16, v35  }
0x37b: {  	v2 =	vadd.f32 v44, v35;
	[tilespmem:v42+s1+$0x0] =	vst.idx.msk $0xffff, v0  }
0x37c: {  	v55 =	vadd.s32 v47, v37;
	[tilespmem:v50+s1+$0x0] =	vst.idx.msk $0xffff, v3  }
0x37d: {  	v5 =	vadd.f32 v5, v35;
	[tilespmem:v17+s1+$0x0] =	vst.idx.msk $0xffff, v2;
	v2 =	vadd.s32 v56, v37  }
0x37e: {  	v19 =	vld [tilespmem:$0x1FED0]  }
0x37f: {  	v4 =	vadd.f32 v4, v34;
	[tilespmem:v40+s1+$0x0] =	vst.idx.msk $0xffff, v5  }
0x380: {  	v7 =	vadd.f32 v7, v34;
	v35 =	vld [tilespmem:s12+$0xFFFFFFB0];
	[tilespmem:v9+s1+$0x0] =	vst.idx.msk $0xffff, v6  }
0x381: {  	v56 =	vld [tilespmem:s12+$0xFFFFFE70];
	[tilespmem:v55+s1+$0x0] =	vst.idx.msk $0xffff, v4  }
0x382: {  	v3 =	vadd.s32 v49, v37;
	v0 =	vld [tilespmem:s12+$0xFFFFFF70];
	[tilespmem:v2+s1+$0x0] =	vst.idx.msk $0xffff, v7  }
0x383: {  	v63 =	vadd.s32 v19, v37;
	v44 =	vld [tilespmem:$0x1FE00]  }
0x384: {  	v36 =	vld [tilespmem:s12+$0xFFFFFEF0]  }
0x385: {  	v38 =	vadd.s32 v52, v37;
	v8 =	vadd.f32 v8, v34;
	v40 =	vld [tilespmem:s12+$0xFFFFFE40]  }
0x386: {  	v2 =	vld [tilespmem:s12+$0xFFFFFEC0];
	v42 =	vadd.f32 v56, v34  }
0x387: {  	v43 =	vadd.s32 v60, v37;
	[tilespmem:v3+s1+$0x0] =	vst.idx.msk $0xffff, v8;
	v3 =	vld [tilespmem:s12+$0x0]  }
0x388: {  	v5 =	vadd.f32 v35, v34;
	v8 =	vld [tilespmem:s12+$0xFFFFFF40];
	v12 =	vadd.s32 v44, v37;
	[tilespmem:v63+s1+$0x0] =	vst.idx.msk $0xffff, v42  }
0x389: {  	v0 =	vadd.f32 v0, v34;
	v10 =	vld [tilespmem:$0x1FE90]  }
0x38a: {  	v6 =	vadd.f32 v36, v34;
	v7 =	vld [tilespmem:s12+$0xFFFFFE80];
	[tilespmem:v38+s1+$0x0] =	vst.idx.msk $0xffff, v5  }
0x38b: {  	v46 =	vadd.s32 v46, v37;
	[tilespmem:v41+s1+$0x0] =	vst.idx.msk $0xffff, v0;
	v0 =	vadd.f32 v40, v33;
	v50 =	vld [tilespmem:s12+$0xFFFFFFC0]  }
0x38c: {  	v52 =	vadd.s32 v22, v37;
	v56 =	vadd.s32 v29, v37;
	[tilespmem:v43+s1+$0x0] =	vst.idx.msk $0xffff, v6  }
0x38d: {  	v2 =	vadd.f32 v2, v33;
	[tilespmem:v12+s1+$0x0] =	vst.idx.msk $0xffff, v0;
	v0 =	vadd.f32 v3, v33;
	v3 =	vld [tilespmem:s12+$0xFFFFFF00]  }
0x38e: {  	v8 =	vadd.f32 v8, v33;
	v48 =	vld [tilespmem:s12+$0xFFFFFF80];
	v10 =	vadd.s32 v10, v37  }
0x38f: {  	[tilespmem:v39+s1+$0x0] =	vst.idx.msk $0xffff, v2;
	v2 =	vadd.s32 v27, v37;
	v7 =	vadd.f32 v7, v33  }
0x390: {  	v55 =	vadd.s32 v32, v37;
	[tilespmem:v46+s1+$0x0] =	vst.idx.msk $0xffff, v8;
	v63 =	vadd.f32 v50, v33  }
0x391: {  	[tilespmem:v52+s1+$0x0] =	vst.idx.msk $0xffff, v7  }
0x392: {  	s7 =	sshll.u32 s8, $0x12;
	[tilespmem:v56+s1+$0x0] =	vst.idx.msk $0xffff, v63;
	v3 =	vadd.f32 v3, v33  }
0x393: {  	s7 =	sor.u32 s11, s7;
	[tilespmem:v10+s1+$0x0] =	vst.idx.msk $0xffff, v0;
	v0 =	vadd.f32 v48, v33  }
0x394: {  	s7 =	sshrl.u32 s7, $0x3;
	[tilespmem:v2+s1+$0x0] =	vst.idx.msk $0xffff, v3  }
0x395: {  	s19 =	simm.s32 $0xF800;
	s8 =	sadd.s32 s2, s7;
	[tilespmem:v55+s1+$0x0] =	vst.idx.msk $0xffff, v0  }
0x396: {  	[hbm4b:s8+s3] =	stream.linear.scatter [tilespmem:s19], [sflag:$0x6], $0x80, $0x38;
	[tilespmem:$0x13C00] =	vst v63  }
0x397: {  	s20 =	simm.s32 $0xF888;
	s22 =	sadd.s32 $0x10, s8  }
0x398: {  	[hbm4b:s22+s3] =	stream.linear.scatter [tilespmem:s20], [sflag:$0x6], $0x80, $0x38;
	[tilespmem:$0x13C00] =	vst v63  }
0x399: {  	s23 =	simm.s32 $0xF910;
	s13 =	simm.s32 $0xF998;
	s24 =	sadd.s32 $0x20, s8  }
0x39a: {  	[hbm4b:s24+s3] =	stream.linear.scatter [tilespmem:s23], [sflag:$0x6], $0x80, $0x38;
	[tilespmem:$0x13C00] =	vst v63  }
0x39b: {  	s17 =	simm.s32 $0xFA20;
	s7 =	simm.s32 $0x440;
	s16 =	sadd.s32 $0x30, s8  }
0x39c: {  	[hbm4b:s16+s3] =	stream.linear.scatter [tilespmem:s13], [sflag:$0x6], $0x80, $0x38;
	[tilespmem:$0x13C00] =	vst v63  }
0x39d: {  	s12 =	simm.s32 $0x2200;
	s19 =	sadd.s32 $0x40, s8;
	s20 =	simm.s32 $0xFAA8  }
0x39e: {  	[hbm4b:s19+s3] =	stream.linear.scatter [tilespmem:s17], [sflag:$0x6], $0x80, $0x38;
	[tilespmem:$0x13C00] =	vst v63  }
0x39f: {  	s22 =	sadd.s32 $0x50, s8;
	s23 =	simm.s32 $0xFB30;
	s24 =	sadd.s32 $0x60, s8  }
0x3a0: {  	[hbm4b:s22+s3] =	stream.linear.scatter [tilespmem:s20], [sflag:$0x6], $0x80, $0x38;
	[tilespmem:$0x13C00] =	vst v63  }
0x3a1: {  	s13 =	simm.s32 $0xFBB8;
	s16 =	sadd.s32 $0x70, s8;
	s8 =	sadd.s32 $0x1000, s8  }
0x3a2: {  	[hbm4b:s24+s3] =	stream.linear.scatter [tilespmem:s23], [sflag:$0x6], $0x80, $0x38;
	[tilespmem:$0x13C00] =	vst v63  }
.LBB2_15:
0x3a3: {  	[hbm4b:s16+s3] =	stream.linear.scatter [tilespmem:s13], [sflag:$0x6], $0x80, $0x38;
	[tilespmem:$0x13C00] =	vst v63  }
0x3a4: {  	s13 =	smov.u32 s7;
	s7 =	smov.u32 s12  }
0x3a5: {  	s17 =	sadd.s32 $0x1100, s12;
	s7 =	sshra.s32 s7, $0x2;
	s16 =	sadd.s32 $0xF800, s13  }
0x3a6: {  	[hbm4b:s8+s3] =	stream.linear.scatter [tilespmem:s16], [sflag:$0x6], $0x80, $0x38;
	[tilespmem:$0x13C00] =	vst v63  }
0x3a7: {  	p0 =	sne.s32 s12, $0x7700;
	s12 =	sadd.s32 $0xF888, s13;
	s16 =	sadd.s32 $0x10, s8  }
0x3a8: {  	[hbm4b:s16+s3] =	stream.linear.scatter [tilespmem:s12], [sflag:$0x6], $0x80, $0x38;
	[tilespmem:$0x13C00] =	vst v63  }
0x3a9: {  	s12 =	sadd.s32 $0xF910, s13;
	s16 =	sadd.s32 $0x20, s8  }
0x3aa: {  	[hbm4b:s16+s3] =	stream.linear.scatter [tilespmem:s12], [sflag:$0x6], $0x80, $0x38;
	[tilespmem:$0x13C00] =	vst v63  }
0x3ab: {  	s12 =	sadd.s32 $0xF998, s13;
	s16 =	sadd.s32 $0x30, s8  }
0x3ac: {  	[hbm4b:s16+s3] =	stream.linear.scatter [tilespmem:s12], [sflag:$0x6], $0x80, $0x38;
	[tilespmem:$0x13C00] =	vst v63  }
0x3ad: {  	s12 =	sadd.s32 $0xFA20, s13;
	s16 =	sadd.s32 $0x40, s8  }
0x3ae: {  	[hbm4b:s16+s3] =	stream.linear.scatter [tilespmem:s12], [sflag:$0x6], $0x80, $0x38;
	[tilespmem:$0x13C00] =	vst v63  }
.Ltmp6:
0x3af: {  	s12 =	sadd.s32 $0xFAA8, s13;
	s16 =	sadd.s32 $0x50, s8;
	(pc) =	sbr.rel @p0 .LBB2_15-.Ltmp6, $4  }
0x3b0: {  	[hbm4b:s16+s3] =	stream.linear.scatter [tilespmem:s12], [sflag:$0x6], $0x80, $0x38;
	[tilespmem:$0x13C00] =	vst v63  }
0x3b1: {  	s12 =	sadd.s32 $0xFB30, s13;
	s16 =	sadd.s32 $0x60, s8;
	s13 =	sadd.s32 $0xFBB8, s13  }
0x3b2: {  	[hbm4b:s16+s3] =	stream.linear.scatter [tilespmem:s12], [sflag:$0x6], $0x80, $0x38;
	[tilespmem:$0x13C00] =	vst v63  }
0x3b3: {  	s16 =	sadd.s32 $0x70, s8;
	s8 =	sadd.s32 $0x1000, s8;
	s12 =	smov.u32 s17  }
0x3b4: {  	[hbm4b:s16+s3] =	stream.linear.scatter [tilespmem:s13], [sflag:$0x6], $0x80, $0x38;
	[tilespmem:$0x13C00] =	vst v63  }
0x3b5: {  	s12 =	sadd.s32 $0xF800, s7  }
0x3b6: {  	[hbm4b:s8+s3] =	stream.linear.scatter [tilespmem:s12], [sflag:$0x6], $0x80, $0x38;
	[tilespmem:$0x13C00] =	vst v63  }
0x3b7: {  	s23 =	sadd.s32 $0xF888, s7;
	s24 =	sadd.s32 $0x10, s8  }
0x3b8: {  	[hbm4b:s24+s3] =	stream.linear.scatter [tilespmem:s23], [sflag:$0x6], $0x80, $0x38;
	[tilespmem:$0x13C00] =	vst v63  }
0x3b9: {  	s13 =	sadd.s32 $0xF910, s7;
	s16 =	sadd.s32 $0x20, s8  }
0x3ba: {  	[hbm4b:s16+s3] =	stream.linear.scatter [tilespmem:s13], [sflag:$0x6], $0x80, $0x38;
	[tilespmem:$0x13C00] =	vst v63  }
0x3bb: {  	s17 =	sadd.s32 $0xF998, s7;
	s19 =	sadd.s32 $0x30, s8  }
0x3bc: {  	[hbm4b:s19+s3] =	stream.linear.scatter [tilespmem:s17], [sflag:$0x6], $0x80, $0x38;
	[tilespmem:$0x13C00] =	vst v63  }
0x3bd: {  	s20 =	sadd.s32 $0xFA20, s7;
	s22 =	sadd.s32 $0x40, s8  }
0x3be: {  	[hbm4b:s22+s3] =	stream.linear.scatter [tilespmem:s20], [sflag:$0x6], $0x80, $0x38;
	[tilespmem:$0x13C00] =	vst v63  }
0x3bf: {  	s6 =	sshll.u32 s6, $0x12;
	s23 =	sadd.s32 $0xFAA8, s7;
	s24 =	sadd.s32 $0x50, s8  }
0x3c0: {  	[hbm4b:s24+s3] =	stream.linear.scatter [tilespmem:s23], [sflag:$0x6], $0x80, $0x38;
	[tilespmem:$0x13C00] =	vst v63  }
0x3c1: {  	s6 =	sor.u32 s11, s6;
	s16 =	sadd.s32 $0xFB30, s7;
	s17 =	sadd.s32 $0x60, s8  }
0x3c2: {  	[hbm4b:s17+s3] =	stream.linear.scatter [tilespmem:s16], [sflag:$0x6], $0x80, $0x38;
	[tilespmem:$0x13C00] =	vst v63  }
0x3c3: {  	s6 =	sshrl.u32 s6, $0x3;
	s19 =	sadd.s32 $0xFBB8, s7;
	s20 =	sadd.s32 $0x70, s8  }
0x3c4: {  	[hbm4b:s20+s3] =	stream.linear.scatter [tilespmem:s19], [sflag:$0x6], $0x80, $0x38;
	[tilespmem:$0x13C00] =	vst v63  }
0x3c5: {  	s7 =	sadd.s32 s2, s6;
	s22 =	simm.s32 $0x11A00  }
0x3c6: {  	[hbm4b:s7+s3] =	stream.linear.scatter [tilespmem:s22], [sflag:$0x6], $0x80, $0x38;
	[tilespmem:$0x13C00] =	vst v63  }
0x3c7: {  	s23 =	simm.s32 $0x11A88;
	s24 =	sadd.s32 $0x10, s7  }
0x3c8: {  	[hbm4b:s24+s3] =	stream.linear.scatter [tilespmem:s23], [sflag:$0x6], $0x80, $0x38;
	[tilespmem:$0x13C00] =	vst v63  }
0x3c9: {  	s13 =	simm.s32 $0x11B98;
	s12 =	sadd.s32 $0x20, s7;
	s8 =	simm.s32 $0x11B10  }
0x3ca: {  	[hbm4b:s12+s3] =	stream.linear.scatter [tilespmem:s8], [sflag:$0x6], $0x80, $0x38;
	[tilespmem:$0x13C00] =	vst v63  }
0x3cb: {  	s6 =	simm.s32 $0x440;
	s16 =	sadd.s32 $0x30, s7;
	s17 =	simm.s32 $0x11C20  }
0x3cc: {  	[hbm4b:s16+s3] =	stream.linear.scatter [tilespmem:s13], [sflag:$0x6], $0x80, $0x38;
	[tilespmem:$0x13C00] =	vst v63  }
0x3cd: {  	s19 =	sadd.s32 $0x40, s7;
	s20 =	simm.s32 $0x11CA8;
	s22 =	sadd.s32 $0x50, s7  }
0x3ce: {  	[hbm4b:s19+s3] =	stream.linear.scatter [tilespmem:s17], [sflag:$0x6], $0x80, $0x38;
	[tilespmem:$0x13C00] =	vst v63  }
0x3cf: {  	s23 =	simm.s32 $0x11D30;
	s24 =	sadd.s32 $0x60, s7;
	s8 =	simm.s32 $0x2200  }
0x3d0: {  	[hbm4b:s22+s3] =	stream.linear.scatter [tilespmem:s20], [sflag:$0x6], $0x80, $0x38;
	[tilespmem:$0x13C00] =	vst v63  }
0x3d1: {  	s12 =	simm.s32 $0x11DB8;
	s13 =	sadd.s32 $0x70, s7;
	s7 =	sadd.s32 $0x1000, s7  }
0x3d2: {  	[hbm4b:s24+s3] =	stream.linear.scatter [tilespmem:s23], [sflag:$0x6], $0x80, $0x38;
	[tilespmem:$0x13C00] =	vst v63  }
.LBB2_17:
0x3d3: {  	[hbm4b:s13+s3] =	stream.linear.scatter [tilespmem:s12], [sflag:$0x6], $0x80, $0x38;
	[tilespmem:$0x13C00] =	vst v63  }
0x3d4: {  	s12 =	smov.u32 s6;
	s6 =	smov.u32 s8  }
0x3d5: {  	s16 =	sadd.s32 $0x1100, s8;
	s6 =	sshra.s32 s6, $0x2;
	s13 =	sadd.s32 $0x11A00, s12  }
0x3d6: {  	[hbm4b:s7+s3] =	stream.linear.scatter [tilespmem:s13], [sflag:$0x6], $0x80, $0x38;
	[tilespmem:$0x13C00] =	vst v63  }
0x3d7: {  	p0 =	sne.s32 s8, $0x7700;
	s8 =	sadd.s32 $0x11A88, s12;
	s13 =	sadd.s32 $0x10, s7  }
0x3d8: {  	[hbm4b:s13+s3] =	stream.linear.scatter [tilespmem:s8], [sflag:$0x6], $0x80, $0x38;
	[tilespmem:$0x13C00] =	vst v63  }
0x3d9: {  	s8 =	sadd.s32 $0x11B10, s12;
	s13 =	sadd.s32 $0x20, s7  }
0x3da: {  	[hbm4b:s13+s3] =	stream.linear.scatter [tilespmem:s8], [sflag:$0x6], $0x80, $0x38;
	[tilespmem:$0x13C00] =	vst v63  }
0x3db: {  	s8 =	sadd.s32 $0x11B98, s12;
	s13 =	sadd.s32 $0x30, s7  }
0x3dc: {  	[hbm4b:s13+s3] =	stream.linear.scatter [tilespmem:s8], [sflag:$0x6], $0x80, $0x38;
	[tilespmem:$0x13C00] =	vst v63  }
0x3dd: {  	s8 =	sadd.s32 $0x11C20, s12;
	s13 =	sadd.s32 $0x40, s7  }
0x3de: {  	[hbm4b:s13+s3] =	stream.linear.scatter [tilespmem:s8], [sflag:$0x6], $0x80, $0x38;
	[tilespmem:$0x13C00] =	vst v63  }
.Ltmp7:
0x3df: {  	s8 =	sadd.s32 $0x11CA8, s12;
	s13 =	sadd.s32 $0x50, s7;
	(pc) =	sbr.rel @p0 .LBB2_17-.Ltmp7, $4  }
0x3e0: {  	[hbm4b:s13+s3] =	stream.linear.scatter [tilespmem:s8], [sflag:$0x6], $0x80, $0x38;
	[tilespmem:$0x13C00] =	vst v63  }
0x3e1: {  	s8 =	sadd.s32 $0x11D30, s12;
	s13 =	sadd.s32 $0x60, s7;
	s12 =	sadd.s32 $0x11DB8, s12  }
0x3e2: {  	[hbm4b:s13+s3] =	stream.linear.scatter [tilespmem:s8], [sflag:$0x6], $0x80, $0x38;
	[tilespmem:$0x13C00] =	vst v63  }
0x3e3: {  	s13 =	sadd.s32 $0x70, s7;
	s7 =	sadd.s32 $0x1000, s7;
	s8 =	smov.u32 s16  }
0x3e4: {  	[hbm4b:s13+s3] =	stream.linear.scatter [tilespmem:s12], [sflag:$0x6], $0x80, $0x38;
	[tilespmem:$0x13C00] =	vst v63  }
0x3e5: {  	s8 =	sadd.s32 $0x11A00, s6  }
0x3e6: {  	[hbm4b:s7+s3] =	stream.linear.scatter [tilespmem:s8], [sflag:$0x6], $0x80, $0x38;
	[tilespmem:$0x13C00] =	vst v63  }
0x3e7: {  	s17 =	sadd.s32 $0x11A88, s6;
	s19 =	sadd.s32 $0x10, s7  }
0x3e8: {  	[hbm4b:s19+s3] =	stream.linear.scatter [tilespmem:s17], [sflag:$0x6], $0x80, $0x38;
	[tilespmem:$0x13C00] =	vst v63  }
0x3e9: {  	s20 =	sadd.s32 $0x11B10, s6;
	s22 =	sadd.s32 $0x20, s7  }
0x3ea: {  	[hbm4b:s22+s3] =	stream.linear.scatter [tilespmem:s20], [sflag:$0x6], $0x80, $0x38;
	[tilespmem:$0x13C00] =	vst v63  }
0x3eb: {  	s23 =	sadd.s32 $0x11B98, s6;
	s24 =	sadd.s32 $0x30, s7  }
0x3ec: {  	[hbm4b:s24+s3] =	stream.linear.scatter [tilespmem:s23], [sflag:$0x6], $0x80, $0x38;
	[tilespmem:$0x13C00] =	vst v63  }
0x3ed: {  	s13 =	sadd.s32 $0x11C20, s6;
	s16 =	sadd.s32 $0x40, s7;
	s15 =	sadd.s32 $0x1, s15  }
0x3ee: {  	[hbm4b:s16+s3] =	stream.linear.scatter [tilespmem:s13], [sflag:$0x6], $0x80, $0x38;
	[tilespmem:$0x13C00] =	vst v63  }
0x3ef: {  	p0 =	sne.s32 s15, $0x32;
	s17 =	sadd.s32 $0x11CA8, s6;
	s19 =	sadd.s32 $0x50, s7  }
0x3f0: {  	[hbm4b:s19+s3] =	stream.linear.scatter [tilespmem:s17], [sflag:$0x6], $0x80, $0x38;
	[tilespmem:$0x13C00] =	vst v63  }
.Ltmp8:
0x3f1: {  	_ = 	snop;
	(pc) =	sbr.rel @p0 .LBB2_2-.Ltmp8, $4  }
0x3f2: {  	s20 =	sadd.s32 $0x11D30, s6;
	s22 =	sadd.s32 $0x60, s7  }
0x3f3: {  	[hbm4b:s22+s3] =	stream.linear.scatter [tilespmem:s20], [sflag:$0x6], $0x80, $0x38;
	[tilespmem:$0x13C00] =	vst v63  }
0x3f4: {  	s23 =	sadd.s32 $0x11DB8, s6;
	s24 =	sadd.s32 $0x70, s7  }
0x3f5: {  	[hbm4b:s24+s3] =	stream.linear.scatter [tilespmem:s23], [sflag:$0x6], $0x80, $0x38;
	[tilespmem:$0x13C00] =	vst v63  }
0x3f6: {  	s6 =	simm.s32 $0x5  }
0x3f7: {  	_ =	swait.ge [sflag:s6], $0x2000  }
0x3f8: {  	[sflag:s6] =	ssyncset.done $0x0  }
0x3f9: {  	[sflag:s6] =	ssyncadd.s32 $0xFFFFE000  }
0x3fa: {  	_ =	swait.ge [sflag:s6], $0x2000  }
0x3fb: {  	[sflag:s6] =	ssyncset.done $0x0  }
0x3fc: {  	[sflag:s6] =	ssyncadd.s32 $0xFFFFE000  }
0x3fd: {  	_ =	swait.ge [sflag:s18], $0x2000  }
0x3fe: {  	[sflag:s18] =	ssyncset.done $0x0  }
0x3ff: {  	[sflag:s18] =	ssyncadd.s32 $0xFFFFE000  }
0x400: {  	_ =	swait.ge [sflag:s18], $0x2000  }
0x401: {  	s7 =	rddreg [dreg:$0x7]  }
0x402: {  	s24 =	rddreg [dreg:$0x6];
	s7 =	sadd.s32 $0x1, s7  }
0x403: {  	p0 =	sne.s32 s7, s24  }
.Ltmp9:
0x404: {  	_ = 	snop;
	(pc) =	sbr.rel @p0 .LBB2_1-.Ltmp9, $3  }
0x405: {  	_ =	sdelay $0x1  }
0x406: {  	[sflag:s18] =	ssyncset.done $0x0  }
0x407: {  	[sflag:s18] =	ssyncadd.s32 $0xFFFFE000  }
0x408: {  	_ =	sfence.sel $0x180000  }
0x409: {  	[bflag:$0x0] =	sbarrier.arrive $0xFFFF  }
0x40a: {  	_ =	strace $0x90000047  }
0x40b: {  	s0 =	stileid.u32;
	[bflag:$0x2] =	sbarrier.arrive $0xFFFF  }
0x40c: {  	p0 =	sne.s32 s0, $0x0;
	s0 =	rddreg [dreg:$0x2]  }
0x40d: {  	s0 =	sadd.s32 @!p0 $0x100000, s0  }
0x40e: {  	[sflag:s0] =	ssyncadd.tile.s32 @!p0 $0x1;
	_ =	shalt  }
.Lfunc_end2:
_tile_overlayer_lowered:
.L_overlay_start_2:
0x40f: {  	(tag) =	ssettag $0x2  }
0x410: {  	s0 =	rddreg [dreg:$0x0];
	s2 =	stileid.u32  }
0x411: {  	s1 =	rddreg [dreg:$0x1];
	p0 =	sne.s32 s2, $0x0  }
0x412: {  	s3 =	rddreg [dreg:$0x2];
	[bflag:$0x3] =	sbarrier.arrive $0xFFFF;
	s2 =	simm.s32 @!p0 $0x1C09  }
0x413: {  	[timem:s3], [sflag:s2] =	dma.local @!p0 [hbm:s0], s1  }
0x414: {  	s0 =	simm.s32 @!p0 $0x9  }
0x415: {  	_ =	swait.ge @!p0 [sflag:s0], s1  }
0x416: {  	s1 =	ssub.s32 @!p0 $0x0, s1;
	[sflag:s0] =	ssyncset.done @!p0 $0x0  }
0x417: {  	[sflag:s0] =	ssyncadd.s32 @!p0 s1  }
0x418: {  	[bflag:$0x3] =	sbarrier.arrive $0xFFFF  }
0x419: {  	_ =	shalt  }

</sc_bundles>
